<compile_context>
chip_gen: v7x
topology: tpu7x:2x2x1
jax: 0.10.2.dev20260603
libtpu: 0.0.44.dev20260713+nightly
codegen_flags: <defaults>
</compile_context>

<pallas_src>
import functools

import jax
import jax.numpy as jnp
from jax import lax
from jax.experimental import pallas as pl
from jax.experimental.pallas import tpu as pltpu
from jax.experimental.pallas import tpu_sc as plsc

N_NODES = 100000
HID = 128
NCLS = 10
CPAD = 16
NW = 32
TB = 3136
N_PAD = NW * TB
CHUNK = 112
BLK_A = 16
BLK_B = NW - BLK_A
NGRAPH = 128


def _nodewise_body(off, init_ref, fin_ref, wgi_ref, wgf_ref, wt_ref, bg_ref,
                   bt_ref, out_ref):
    pid = pl.program_id(0)
    init = init_ref[...]
    fin = fin_ref[...]
    gate = jax.nn.sigmoid(
        jnp.dot(init, wgi_ref[...], preferred_element_type=jnp.float32)
        + jnp.dot(fin, wgf_ref[...], preferred_element_type=jnp.float32)
        + bg_ref[...])
    trans = jnp.dot(fin, wt_ref[...], preferred_element_type=jnp.float32) + bt_ref[...]
    nw = gate * trans
    row = (pid + off) * TB + lax.broadcasted_iota(jnp.int32, (TB, 1), 0)
    out_ref[...] = jnp.where(row < N_NODES, nw, 0.0)


def _nodewise(off, nblk, init, fin, wgi, wgf, wt, bg, bt):
    return pl.pallas_call(
        functools.partial(_nodewise_body, off),
        grid=(nblk,),
        in_specs=[
            pl.BlockSpec((TB, HID), lambda i: (i + off, 0)),
            pl.BlockSpec((TB, HID), lambda i: (i + off, 0)),
            pl.BlockSpec((HID, CPAD), lambda i: (0, 0)),
            pl.BlockSpec((HID, CPAD), lambda i: (0, 0)),
            pl.BlockSpec((HID, CPAD), lambda i: (0, 0)),
            pl.BlockSpec((1, CPAD), lambda i: (0, 0)),
            pl.BlockSpec((1, CPAD), lambda i: (0, 0)),
        ],
        out_specs=pl.BlockSpec((TB, CPAD), lambda i: (i, 0)),
        out_shape=jax.ShapeDtypeStruct((nblk * TB, CPAD), jnp.float32),
    )(init, fin, wgi, wgf, wt, bg, bt)


def _segsum_body(npw, rowbuf, rows_hbm, ids_hbm, zeros_hbm, out_hbm, ids_v,
                 rows_v, acc_sh, lsem, ssem):
    c = lax.axis_index("c")
    s = lax.axis_index("s")
    wid = s * 2 + c
    nt = npw // rowbuf
    ns = rowbuf // CHUNK

    @pl.when(s == 0)
    def _():
        pltpu.sync_copy(zeros_hbm, acc_sh)

    ld = [None, None]
    ld[0] = pltpu.async_copy(rows_hbm.at[pl.ds(wid * npw, rowbuf)],
                             rows_v.at[0], lsem)
    pltpu.sync_copy(ids_hbm.at[wid], ids_v)
    plsc.subcore_barrier()
    scats = [[], []]
    for t in range(nt):
        cur = t % 2
        nxt = 1 - cur
        ld[cur].wait()
        if t + 1 < nt:
            for h in scats[nxt]:
                h.wait()
            scats[nxt] = []
            ld[nxt] = pltpu.async_copy(
                rows_hbm.at[pl.ds(wid * npw + (t + 1) * rowbuf, rowbuf)],
                rows_v.at[nxt], lsem)
        for j in range(ns):
            scats[cur].append(pltpu.async_copy(
                rows_v.at[cur, pl.ds(j * CHUNK, CHUNK)],
                acc_sh.at[ids_v.at[t * ns + j]], ssem, add=True))
    for b in range(2):
        for h in scats[b]:
            h.wait()
    plsc.subcore_barrier()

    @pl.when(s == 0)
    def _():
        pltpu.sync_copy(acc_sh, out_hbm.at[c])


def _segsum(npw, rowbuf, rows, ids3d, zeros):
    mesh = plsc.VectorSubcoreMesh(core_axis_name="c", subcore_axis_name="s",
                                  num_cores=2, num_subcores=16)
    f = pl.kernel(
        functools.partial(_segsum_body, npw, rowbuf),
        out_type=jax.ShapeDtypeStruct((2, NGRAPH, CPAD), jnp.float32),
        mesh=mesh,
        scratch_types=[
            pltpu.VMEM((npw // CHUNK, CHUNK), jnp.int32),
            pltpu.VMEM((2, rowbuf, CPAD), jnp.float32),
            pltpu.VMEM_SHARED((NGRAPH, CPAD), jnp.float32),
            pltpu.SemaphoreType.DMA,
            pltpu.SemaphoreType.DMA,
        ],
    )
    return f(rows, ids3d, zeros)


def _head_body(p0_ref, p1_ref, aux_ref, gg_ref, bgm_ref, ga_ref, bam_ref,
               w1g_ref, w1a_ref, b1_ref, w2_ref, b2_ref, out_ref):
    g = p0_ref[0] + p0_ref[1] + p1_ref[0] + p1_ref[1]

    def bn(x, gam, bet):
        m = jnp.mean(x, axis=0, keepdims=True)
        d = x - m
        v = jnp.mean(d * d, axis=0, keepdims=True)
        return d / jnp.sqrt(v + 1e-5) * gam + bet

    ng = bn(g, gg_ref[...], bgm_ref[...])
    na = bn(aux_ref[...], ga_ref[...], bam_ref[...])
    h = jnp.maximum(
        jnp.dot(ng, w1g_ref[...], preferred_element_type=jnp.float32)
        + jnp.dot(na, w1a_ref[...], preferred_element_type=jnp.float32)
        + b1_ref[...], 0.0)
    out_ref[...] = (jnp.dot(h, w2_ref[...], preferred_element_type=jnp.float32)
                    + b2_ref[...])


def _head(p0, p1, aux16, gg, bgm, ga, bam, w1g, w1a, b1, w2, b2):
    return pl.pallas_call(
        _head_body,
        out_shape=jax.ShapeDtypeStruct((NGRAPH, CPAD), jnp.float32),
    )(p0, p1, aux16, gg, bgm, ga, bam, w1g, w1a, b1, w2, b2)


def kernel(initial_node_states, final_node_states, aux_variables, num_graphs,
           graph_nodes_list, W_gate, b_gate, W_trans, b_trans, bn_gamma,
           bn_beta, W1, b1, W2, b2):
    f32 = jnp.float32
    pad_c = CPAD - NCLS
    wgi = jnp.pad(W_gate[:HID], ((0, 0), (0, pad_c)))
    wgf = jnp.pad(W_gate[HID:], ((0, 0), (0, pad_c)))
    wt = jnp.pad(W_trans, ((0, 0), (0, pad_c)))
    bg = jnp.pad(b_gate, (0, pad_c)).reshape(1, CPAD)
    bt = jnp.pad(b_trans, (0, pad_c)).reshape(1, CPAD)

    ids_pad = jnp.concatenate([
        graph_nodes_list.astype(jnp.int32),
        jnp.full((N_PAD - N_NODES,), NGRAPH - 1, jnp.int32)])
    n_a = BLK_A * TB
    npw_a = n_a // NW
    npw_b = (N_PAD - n_a) // NW
    ids_a = ids_pad[:n_a].reshape(NW, npw_a // CHUNK, CHUNK)
    ids_b = ids_pad[n_a:].reshape(NW, npw_b // CHUNK, CHUNK)
    zeros = jnp.zeros((NGRAPH, CPAD), f32)

    nodewise0 = _nodewise(0, BLK_A, initial_node_states, final_node_states,
                          wgi, wgf, wt, bg, bt)
    partials0 = _segsum(npw_a, 224, nodewise0, ids_a, zeros)
    nodewise1 = _nodewise(BLK_A, BLK_B, initial_node_states,
                          final_node_states, wgi, wgf, wt, bg, bt)
    partials1 = _segsum(npw_b, 224, nodewise1, ids_b, zeros)

    aux16 = jnp.pad(aux_variables, ((0, 0), (0, CPAD - aux_variables.shape[1])))
    gg = jnp.pad(bn_gamma[:NCLS], (0, pad_c)).reshape(1, CPAD)
    bgm = jnp.pad(bn_beta[:NCLS], (0, pad_c)).reshape(1, CPAD)
    ga = jnp.pad(bn_gamma[NCLS:], (0, CPAD - 2)).reshape(1, CPAD)
    bam = jnp.pad(bn_beta[NCLS:], (0, CPAD - 2)).reshape(1, CPAD)
    gx = W1.shape[1]
    w1g = jnp.pad(W1[:NCLS], ((0, pad_c), (0, 0)))
    w1a = jnp.pad(W1[NCLS:], ((0, CPAD - 2), (0, 0)))
    b1r = b1.reshape(1, gx)
    w2p = jnp.pad(W2, ((0, 0), (0, pad_c)))
    b2r = jnp.pad(b2, (0, pad_c)).reshape(1, CPAD)

    out16 = _head(partials0, partials1, aux16, gg, bgm, ga, bam, w1g, w1a,
                  b1r, w2p, b2r)
    return out16[:, :NCLS]

# --- scband reference (transcript-rebuilt; emitter-appended) ---
"""Pipeline reference for scband-readout-81965155877094 (READ-ONLY COPY).

The authoritative reference and input builder live on the scoring server;
editing this copy changes nothing except your own understanding.
"""

import jax, jax.numpy as jnp
import numpy as np

NUM_NODES = 100000
HIDDEN = 128
NUM_CLASSES = 10
AUX_DIM = 2
GX = 32
NUM_GRAPHS = 128


def setup_inputs(seed: int = 0) -> dict:
    key = jax.random.key(seed)
    ks = jax.random.split(key, 14)
    inp = {}
    inp["initial_node_states"] = jax.random.normal(ks[0], (NUM_NODES, HIDDEN), dtype=jnp.float32)
    inp["final_node_states"] = jax.random.normal(ks[1], (NUM_NODES, HIDDEN), dtype=jnp.float32)
    inp["aux_variables"] = jax.random.normal(ks[2], (NUM_GRAPHS, AUX_DIM), dtype=jnp.float32)
    inp["num_graphs"] = NUM_GRAPHS
    inp["graph_nodes_list"] = jnp.sort(jax.random.randint(ks[3], (NUM_NODES,), 0, NUM_GRAPHS, dtype=jnp.int32))
    # learned parameters (dropout layers are identity in eval mode)
    s = 0.05
    inp["W_gate"] = jax.random.normal(ks[4], (2 * HIDDEN, NUM_CLASSES), dtype=jnp.float32) * s
    inp["b_gate"] = jnp.zeros((NUM_CLASSES,), dtype=jnp.float32)
    inp["W_trans"] = jax.random.normal(ks[5], (HIDDEN, NUM_CLASSES), dtype=jnp.float32) * s
    inp["b_trans"] = jnp.zeros((NUM_CLASSES,), dtype=jnp.float32)
    inp["bn_gamma"] = jnp.ones((NUM_CLASSES + AUX_DIM,), dtype=jnp.float32)
    inp["bn_beta"] = jnp.zeros((NUM_CLASSES + AUX_DIM,), dtype=jnp.float32)
    inp["W1"] = jax.random.normal(ks[6], (NUM_CLASSES + AUX_DIM, GX), dtype=jnp.float32) * s
    inp["b1"] = jnp.zeros((GX,), dtype=jnp.float32)
    inp["W2"] = jax.random.normal(ks[7], (GX, NUM_CLASSES), dtype=jnp.float32) * s
    inp["b2"] = jnp.zeros((NUM_CLASSES,), dtype=jnp.float32)
    return inp


def reference(initial_node_states, final_node_states, aux_variables, num_graphs, graph_nodes_list,
              W_gate, b_gate, W_trans, b_trans, bn_gamma, bn_beta, W1, b1, W2, b2):
    # gated nodewise readout
    gate_input = jnp.concatenate([initial_node_states, final_node_states], axis=-1)
    gate_output = jax.nn.sigmoid(gate_input @ W_gate + b_gate)
    nodewise_readout = gate_output * (final_node_states @ W_trans + b_trans)
    # per-graph scatter-add (index_add_)
    graph_readout = jax.ops.segment_sum(nodewise_readout, graph_nodes_list, num_segments=aux_variables.shape[0])
    graph_readout = graph_readout + jnp.zeros((), dtype=graph_readout.dtype) * num_graphs
    extended = jnp.concatenate([graph_readout, aux_variables], axis=1)
    # BatchNorm1d (training-mode batch statistics, eps=1e-5)
    mean = jnp.mean(extended, axis=0)
    var = jnp.var(extended, axis=0)
    norm = (extended - mean) / jnp.sqrt(var + 1e-5) * bn_gamma + bn_beta
    # feed-forward head
    h = jax.nn.relu(norm @ W1 + b1)
    logits = h @ W2 + b2
    return logits

if __name__ == "__main__":
    import jax
    _d = setup_inputs()
    print(jax.jit(kernel)(*tuple(_d.values())))

</pallas_src>

<mosaic_0001>
#map = affine_map<(d0, d1) -> (0, 0)>
#map1 = affine_map<(d0, d1) -> (0, 0, 0)>
module attributes {stable_mosaic.version = 14 : i64} {
  func.func @_segsum_body(%arg0: i32, %arg1: i32, %arg2: memref<50176x16xf32, #tpu.memory_space<hbm>>, %arg3: memref<32x14x112xi32, #tpu.memory_space<hbm>>, %arg4: memref<128x16xf32, #tpu.memory_space<hbm>>, %arg5: memref<2x128x16xf32, #tpu.memory_space<hbm>>, %arg6: memref<14x112xi32, #tpu.memory_space<vmem>>, %arg7: memref<2x224x16xf32, #tpu.memory_space<vmem>>, %arg8: memref<128x16xf32, #tpu.memory_space<vmem_shared>>, %arg9: memref<!tpu.dma_semaphore, #tpu.memory_space<semaphore_mem>>, %arg10: memref<!tpu.dma_semaphore, #tpu.memory_space<semaphore_mem>>) attributes {dimension_semantics = [#tpu.dimension_semantics<core_parallel>, #tpu.dimension_semantics<subcore_parallel>], iteration_bounds = array<i64: 2, 16>, scalar_prefetch = 0 : i64, scratch_operands = 5 : i64, tpu.core_type = #tpu.core_type<sc_vector_subcore>, window_params = [{transform_indices = #map}, {transform_indices = #map1}, {transform_indices = #map}, {transform_indices = #map1}]} {
    %mul3A = arith.constant 2 : i32
    %mul3A_0 = arith.muli %arg1, %mul3A : i32
    %add3A = arith.addi %mul3A_0, %arg0 : i32
    %eq3A = arith.constant 0 : i32
    %eq3A_1 = arith.cmpi eq, %arg1, %eq3A : i32
    %convert_element_type3A = arith.extui %eq3A_1 : i1 to i32
    %cond3A = arith.constant 0 : i32
    %cond3A_2 = arith.cmpi ne, %convert_element_type3A, %cond3A : i32
    scf.if %cond3A_2 {
      "tpu.region"() ({
        %run_scoped3A = tpu.sem_alloc : memref<!tpu.dma_semaphore, #tpu.memory_space<semaphore_mem>>
        tpu.enqueue_dma source(%arg4 : memref<128x16xf32, #tpu.memory_space<hbm>>) target(%arg8 : memref<128x16xf32, #tpu.memory_space<vmem_shared>>) target_semaphore(%run_scoped3A : memref<!tpu.dma_semaphore, #tpu.memory_space<semaphore_mem>>)
        tpu.wait_dma2 semaphore(%run_scoped3A : memref<!tpu.dma_semaphore, #tpu.memory_space<semaphore_mem>>) src(%arg4 : memref<128x16xf32, #tpu.memory_space<hbm>>) dst(%arg8 : memref<128x16xf32, #tpu.memory_space<vmem_shared>>)
        tpu.yield
      }) : () -> ()
    } else {
    }
    %mul3A_3 = arith.constant 1568 : i32
    %mul3A_4 = arith.muli %add3A, %mul3A_3 : i32
    %dma_start3A = arith.constant 0 : i32
    %dma_start3A_5 = arith.constant 0 : i32
    %dma_start3A_6 = arith.constant 0 : i32
    %dma_start3A_7 = tpu.memref_slice %arg7[%dma_start3A, %dma_start3A_5, %dma_start3A_6] : memref<2x224x16xf32, #tpu.memory_space<vmem>> -> memref<1x224x16xf32, #tpu.memory_space<vmem>>
    %dma_start3A_8 = tpu.memref_squeeze %dma_start3A_7 : memref<1x224x16xf32, #tpu.memory_space<vmem>> -> memref<224x16xf32, #tpu.memory_space<vmem>>
    %dma_start3A_9 = arith.constant 0 : i32
    %dma_start3A_10 = tpu.memref_slice %arg2[%mul3A_4, %dma_start3A_9] : memref<50176x16xf32, #tpu.memory_space<hbm>> -> memref<224x16xf32, #tpu.memory_space<hbm>>
    %dma_start3A_11 = arith.constant 0 : i32
    %dma_start3A_12 = arith.constant 0 : i32
    %dma_start3A_13 = tpu.memref_slice %arg7[%dma_start3A, %dma_start3A_11, %dma_start3A_12] : memref<2x224x16xf32, #tpu.memory_space<vmem>> -> memref<1x224x16xf32, #tpu.memory_space<vmem>>
    %dma_start3A_14 = tpu.memref_squeeze %dma_start3A_13 : memref<1x224x16xf32, #tpu.memory_space<vmem>> -> memref<224x16xf32, #tpu.memory_space<vmem>>
    %dma_start3A_15 = arith.constant 0 : i32
    %dma_start3A_16 = tpu.memref_slice %arg2[%mul3A_4, %dma_start3A_15] : memref<50176x16xf32, #tpu.memory_space<hbm>> -> memref<224x16xf32, #tpu.memory_space<hbm>>
    tpu.enqueue_dma source(%dma_start3A_16 : memref<224x16xf32, #tpu.memory_space<hbm>>) target(%dma_start3A_14 : memref<224x16xf32, #tpu.memory_space<vmem>>) target_semaphore(%arg9 : memref<!tpu.dma_semaphore, #tpu.memory_space<semaphore_mem>>)
    "tpu.region"() ({
      %run_scoped3A = tpu.sem_alloc : memref<!tpu.dma_semaphore, #tpu.memory_space<semaphore_mem>>
      %dma_start3A_551 = arith.constant 0 : i32
      %dma_start3A_552 = arith.constant 0 : i32
      %dma_start3A_553 = tpu.memref_slice %arg3[%add3A, %dma_start3A_551, %dma_start3A_552] : memref<32x14x112xi32, #tpu.memory_space<hbm>> -> memref<1x14x112xi32, #tpu.memory_space<hbm>>
      %dma_start3A_554 = tpu.memref_squeeze %dma_start3A_553 : memref<1x14x112xi32, #tpu.memory_space<hbm>> -> memref<14x112xi32, #tpu.memory_space<hbm>>
      %dma_start3A_555 = arith.constant 0 : i32
      %dma_start3A_556 = arith.constant 0 : i32
      %dma_start3A_557 = tpu.memref_slice %arg3[%add3A, %dma_start3A_555, %dma_start3A_556] : memref<32x14x112xi32, #tpu.memory_space<hbm>> -> memref<1x14x112xi32, #tpu.memory_space<hbm>>
      %dma_start3A_558 = tpu.memref_squeeze %dma_start3A_557 : memref<1x14x112xi32, #tpu.memory_space<hbm>> -> memref<14x112xi32, #tpu.memory_space<hbm>>
      tpu.enqueue_dma source(%dma_start3A_558 : memref<14x112xi32, #tpu.memory_space<hbm>>) target(%arg6 : memref<14x112xi32, #tpu.memory_space<vmem>>) target_semaphore(%run_scoped3A : memref<!tpu.dma_semaphore, #tpu.memory_space<semaphore_mem>>)
      %dma_wait3A_559 = arith.constant 0 : i32
      %dma_wait3A_560 = arith.constant 0 : i32
      %dma_wait3A_561 = tpu.memref_slice %arg3[%add3A, %dma_wait3A_559, %dma_wait3A_560] : memref<32x14x112xi32, #tpu.memory_space<hbm>> -> memref<1x14x112xi32, #tpu.memory_space<hbm>>
      %dma_wait3A_562 = tpu.memref_squeeze %dma_wait3A_561 : memref<1x14x112xi32, #tpu.memory_space<hbm>> -> memref<14x112xi32, #tpu.memory_space<hbm>>
      %dma_wait3A_563 = arith.constant 0 : i32
      %dma_wait3A_564 = arith.constant 0 : i32
      %dma_wait3A_565 = tpu.memref_slice %arg3[%add3A, %dma_wait3A_563, %dma_wait3A_564] : memref<32x14x112xi32, #tpu.memory_space<hbm>> -> memref<1x14x112xi32, #tpu.memory_space<hbm>>
      %dma_wait3A_566 = tpu.memref_squeeze %dma_wait3A_565 : memref<1x14x112xi32, #tpu.memory_space<hbm>> -> memref<14x112xi32, #tpu.memory_space<hbm>>
      tpu.wait_dma2 semaphore(%run_scoped3A : memref<!tpu.dma_semaphore, #tpu.memory_space<semaphore_mem>>) src(%dma_wait3A_566 : memref<14x112xi32, #tpu.memory_space<hbm>>) dst(%arg6 : memref<14x112xi32, #tpu.memory_space<vmem>>)
      tpu.yield
    }) : () -> ()
    %barrier3A = arith.constant 0 : index
    tpu.barrier barrier_id(%barrier3A)
    %dma_wait3A = arith.constant 0 : i32
    %dma_wait3A_17 = arith.constant 0 : i32
    %dma_wait3A_18 = arith.constant 0 : i32
    %dma_wait3A_19 = tpu.memref_slice %arg7[%dma_wait3A, %dma_wait3A_17, %dma_wait3A_18] : memref<2x224x16xf32, #tpu.memory_space<vmem>> -> memref<1x224x16xf32, #tpu.memory_space<vmem>>
    %dma_wait3A_20 = tpu.memref_squeeze %dma_wait3A_19 : memref<1x224x16xf32, #tpu.memory_space<vmem>> -> memref<224x16xf32, #tpu.memory_space<vmem>>
    %dma_wait3A_21 = arith.constant 0 : i32
    %dma_wait3A_22 = tpu.memref_slice %arg2[%mul3A_4, %dma_wait3A_21] : memref<50176x16xf32, #tpu.memory_space<hbm>> -> memref<224x16xf32, #tpu.memory_space<hbm>>
    %dma_wait3A_23 = arith.constant 0 : i32
    %dma_wait3A_24 = arith.constant 0 : i32
    %dma_wait3A_25 = tpu.memref_slice %arg7[%dma_wait3A, %dma_wait3A_23, %dma_wait3A_24] : memref<2x224x16xf32, #tpu.memory_space<vmem>> -> memref<1x224x16xf32, #tpu.memory_space<vmem>>
    %dma_wait3A_26 = tpu.memref_squeeze %dma_wait3A_25 : memref<1x224x16xf32, #tpu.memory_space<vmem>> -> memref<224x16xf32, #tpu.memory_space<vmem>>
    %dma_wait3A_27 = arith.constant 0 : i32
    %dma_wait3A_28 = tpu.memref_slice %arg2[%mul3A_4, %dma_wait3A_27] : memref<50176x16xf32, #tpu.memory_space<hbm>> -> memref<224x16xf32, #tpu.memory_space<hbm>>
    tpu.wait_dma2 semaphore(%arg9 : memref<!tpu.dma_semaphore, #tpu.memory_space<semaphore_mem>>) src(%dma_wait3A_28 : memref<224x16xf32, #tpu.memory_space<hbm>>) dst(%dma_wait3A_26 : memref<224x16xf32, #tpu.memory_space<vmem>>)
    %mul3A_29 = arith.constant 1568 : i32
    %mul3A_30 = arith.muli %add3A, %mul3A_29 : i32
    %add3A_31 = arith.constant 224 : i32
    %add3A_32 = arith.addi %mul3A_30, %add3A_31 : i32
    %dma_start3A_33 = arith.constant 1 : i32
    %dma_start3A_34 = arith.constant 0 : i32
    %dma_start3A_35 = arith.constant 0 : i32
    %dma_start3A_36 = tpu.memref_slice %arg7[%dma_start3A_33, %dma_start3A_34, %dma_start3A_35] : memref<2x224x16xf32, #tpu.memory_space<vmem>> -> memref<1x224x16xf32, #tpu.memory_space<vmem>>
    %dma_start3A_37 = tpu.memref_squeeze %dma_start3A_36 : memref<1x224x16xf32, #tpu.memory_space<vmem>> -> memref<224x16xf32, #tpu.memory_space<vmem>>
    %dma_start3A_38 = arith.constant 0 : i32
    %dma_start3A_39 = tpu.memref_slice %arg2[%add3A_32, %dma_start3A_38] : memref<50176x16xf32, #tpu.memory_space<hbm>> -> memref<224x16xf32, #tpu.memory_space<hbm>>
    %dma_start3A_40 = arith.constant 0 : i32
    %dma_start3A_41 = arith.constant 0 : i32
    %dma_start3A_42 = tpu.memref_slice %arg7[%dma_start3A_33, %dma_start3A_40, %dma_start3A_41] : memref<2x224x16xf32, #tpu.memory_space<vmem>> -> memref<1x224x16xf32, #tpu.memory_space<vmem>>
    %dma_start3A_43 = tpu.memref_squeeze %dma_start3A_42 : memref<1x224x16xf32, #tpu.memory_space<vmem>> -> memref<224x16xf32, #tpu.memory_space<vmem>>
    %dma_start3A_44 = arith.constant 0 : i32
    %dma_start3A_45 = tpu.memref_slice %arg2[%add3A_32, %dma_start3A_44] : memref<50176x16xf32, #tpu.memory_space<hbm>> -> memref<224x16xf32, #tpu.memory_space<hbm>>
    tpu.enqueue_dma source(%dma_start3A_45 : memref<224x16xf32, #tpu.memory_space<hbm>>) target(%dma_start3A_43 : memref<224x16xf32, #tpu.memory_space<vmem>>) target_semaphore(%arg9 : memref<!tpu.dma_semaphore, #tpu.memory_space<semaphore_mem>>)
    %dma_start3A_46 = arith.constant 0 : i32
    %dma_start3A_47 = arith.constant 0 : i32
    %dma_start3A_48 = arith.constant 0 : i32
    %dma_start3A_49 = arith.constant 0 : i32
    %dma_start3A_50 = tpu.memref_slice %arg7[%dma_start3A_46, %dma_start3A_48, %dma_start3A_49] : memref<2x224x16xf32, #tpu.memory_space<vmem>> -> memref<1x112x16xf32, #tpu.memory_space<vmem>>
    %dma_start3A_51 = tpu.memref_squeeze %dma_start3A_50 : memref<1x112x16xf32, #tpu.memory_space<vmem>> -> memref<112x16xf32, #tpu.memory_space<vmem>>
    %dma_start3A_52 = arith.constant 0 : i32
    %dma_start3A_53 = tpu.memref_slice %arg6[%dma_start3A_47, %dma_start3A_52] : memref<14x112xi32, #tpu.memory_space<vmem>> -> memref<1x112xi32, #tpu.memory_space<vmem>>
    %dma_start3A_54 = tpu.memref_squeeze %dma_start3A_53 : memref<1x112xi32, #tpu.memory_space<vmem>> -> memref<112xi32, #tpu.memory_space<vmem>>
    %dma_start3A_55 = arith.constant 0 : i32
    %dma_start3A_56 = arith.constant 0 : i32
    %dma_start3A_57 = tpu.memref_slice %arg8[%dma_start3A_55, %dma_start3A_56] : memref<128x16xf32, #tpu.memory_space<vmem_shared>> -> memref<128x16xf32, #tpu.memory_space<vmem_shared>>
    tpu.enqueue_indirect_dma source(%dma_start3A_51 : memref<112x16xf32, #tpu.memory_space<vmem>>) target(%dma_start3A_57 : memref<128x16xf32, #tpu.memory_space<vmem_shared>>) offsets(%dma_start3A_54 : memref<112xi32, #tpu.memory_space<vmem>>) semaphore(%arg10 : memref<!tpu.dma_semaphore, #tpu.memory_space<semaphore_mem>>) {add = true}
    %dma_start3A_58 = arith.constant 0 : i32
    %dma_start3A_59 = arith.constant 1 : i32
    %dma_start3A_60 = arith.constant 112 : i32
    %dma_start3A_61 = arith.constant 0 : i32
    %dma_start3A_62 = tpu.memref_slice %arg7[%dma_start3A_58, %dma_start3A_60, %dma_start3A_61] : memref<2x224x16xf32, #tpu.memory_space<vmem>> -> memref<1x112x16xf32, #tpu.memory_space<vmem>>
    %dma_start3A_63 = tpu.memref_squeeze %dma_start3A_62 : memref<1x112x16xf32, #tpu.memory_space<vmem>> -> memref<112x16xf32, #tpu.memory_space<vmem>>
    %dma_start3A_64 = arith.constant 0 : i32
    %dma_start3A_65 = tpu.memref_slice %arg6[%dma_start3A_59, %dma_start3A_64] : memref<14x112xi32, #tpu.memory_space<vmem>> -> memref<1x112xi32, #tpu.memory_space<vmem>>
    %dma_start3A_66 = tpu.memref_squeeze %dma_start3A_65 : memref<1x112xi32, #tpu.memory_space<vmem>> -> memref<112xi32, #tpu.memory_space<vmem>>
    %dma_start3A_67 = arith.constant 0 : i32
    %dma_start3A_68 = arith.constant 0 : i32
    %dma_start3A_69 = tpu.memref_slice %arg8[%dma_start3A_67, %dma_start3A_68] : memref<128x16xf32, #tpu.memory_space<vmem_shared>> -> memref<128x16xf32, #tpu.memory_space<vmem_shared>>
    tpu.enqueue_indirect_dma source(%dma_start3A_63 : memref<112x16xf32, #tpu.memory_space<vmem>>) target(%dma_start3A_69 : memref<128x16xf32, #tpu.memory_space<vmem_shared>>) offsets(%dma_start3A_66 : memref<112xi32, #tpu.memory_space<vmem>>) semaphore(%arg10 : memref<!tpu.dma_semaphore, #tpu.memory_space<semaphore_mem>>) {add = true}
    %dma_wait3A_70 = arith.constant 1 : i32
    %dma_wait3A_71 = arith.constant 0 : i32
    %dma_wait3A_72 = arith.constant 0 : i32
    %dma_wait3A_73 = tpu.memref_slice %arg7[%dma_wait3A_70, %dma_wait3A_71, %dma_wait3A_72] : memref<2x224x16xf32, #tpu.memory_space<vmem>> -> memref<1x224x16xf32, #tpu.memory_space<vmem>>
    %dma_wait3A_74 = tpu.memref_squeeze %dma_wait3A_73 : memref<1x224x16xf32, #tpu.memory_space<vmem>> -> memref<224x16xf32, #tpu.memory_space<vmem>>
    %dma_wait3A_75 = arith.constant 0 : i32
    %dma_wait3A_76 = tpu.memref_slice %arg2[%add3A_32, %dma_wait3A_75] : memref<50176x16xf32, #tpu.memory_space<hbm>> -> memref<224x16xf32, #tpu.memory_space<hbm>>
    %dma_wait3A_77 = arith.constant 0 : i32
    %dma_wait3A_78 = arith.constant 0 : i32
    %dma_wait3A_79 = tpu.memref_slice %arg7[%dma_wait3A_70, %dma_wait3A_77, %dma_wait3A_78] : memref<2x224x16xf32, #tpu.memory_space<vmem>> -> memref<1x224x16xf32, #tpu.memory_space<vmem>>
    %dma_wait3A_80 = tpu.memref_squeeze %dma_wait3A_79 : memref<1x224x16xf32, #tpu.memory_space<vmem>> -> memref<224x16xf32, #tpu.memory_space<vmem>>
    %dma_wait3A_81 = arith.constant 0 : i32
    %dma_wait3A_82 = tpu.memref_slice %arg2[%add3A_32, %dma_wait3A_81] : memref<50176x16xf32, #tpu.memory_space<hbm>> -> memref<224x16xf32, #tpu.memory_space<hbm>>
    tpu.wait_dma2 semaphore(%arg9 : memref<!tpu.dma_semaphore, #tpu.memory_space<semaphore_mem>>) src(%dma_wait3A_82 : memref<224x16xf32, #tpu.memory_space<hbm>>) dst(%dma_wait3A_80 : memref<224x16xf32, #tpu.memory_space<vmem>>)
    %dma_wait3A_83 = arith.constant 0 : i32
    %dma_wait3A_84 = arith.constant 0 : i32
    %dma_wait3A_85 = arith.constant 0 : i32
    %dma_wait3A_86 = arith.constant 0 : i32
    %dma_wait3A_87 = tpu.memref_slice %arg7[%dma_wait3A_83, %dma_wait3A_85, %dma_wait3A_86] : memref<2x224x16xf32, #tpu.memory_space<vmem>> -> memref<1x112x16xf32, #tpu.memory_space<vmem>>
    %dma_wait3A_88 = tpu.memref_squeeze %dma_wait3A_87 : memref<1x112x16xf32, #tpu.memory_space<vmem>> -> memref<112x16xf32, #tpu.memory_space<vmem>>
    %dma_wait3A_89 = arith.constant 0 : i32
    %dma_wait3A_90 = tpu.memref_slice %arg6[%dma_wait3A_84, %dma_wait3A_89] : memref<14x112xi32, #tpu.memory_space<vmem>> -> memref<1x112xi32, #tpu.memory_space<vmem>>
    %dma_wait3A_91 = tpu.memref_squeeze %dma_wait3A_90 : memref<1x112xi32, #tpu.memory_space<vmem>> -> memref<112xi32, #tpu.memory_space<vmem>>
    %dma_wait3A_92 = arith.constant 0 : i32
    %dma_wait3A_93 = arith.constant 0 : i32
    %dma_wait3A_94 = tpu.memref_slice %arg8[%dma_wait3A_92, %dma_wait3A_93] : memref<128x16xf32, #tpu.memory_space<vmem_shared>> -> memref<128x16xf32, #tpu.memory_space<vmem_shared>>
    tpu.wait_indirect_dma semaphore(%arg10 : memref<!tpu.dma_semaphore, #tpu.memory_space<semaphore_mem>>) src(%dma_wait3A_88 : memref<112x16xf32, #tpu.memory_space<vmem>>) dst(%dma_wait3A_94 : memref<128x16xf32, #tpu.memory_space<vmem_shared>>)
    %dma_wait3A_95 = arith.constant 0 : i32
    %dma_wait3A_96 = arith.constant 1 : i32
    %dma_wait3A_97 = arith.constant 112 : i32
    %dma_wait3A_98 = arith.constant 0 : i32
    %dma_wait3A_99 = tpu.memref_slice %arg7[%dma_wait3A_95, %dma_wait3A_97, %dma_wait3A_98] : memref<2x224x16xf32, #tpu.memory_space<vmem>> -> memref<1x112x16xf32, #tpu.memory_space<vmem>>
    %dma_wait3A_100 = tpu.memref_squeeze %dma_wait3A_99 : memref<1x112x16xf32, #tpu.memory_space<vmem>> -> memref<112x16xf32, #tpu.memory_space<vmem>>
    %dma_wait3A_101 = arith.constant 0 : i32
    %dma_wait3A_102 = tpu.memref_slice %arg6[%dma_wait3A_96, %dma_wait3A_101] : memref<14x112xi32, #tpu.memory_space<vmem>> -> memref<1x112xi32, #tpu.memory_space<vmem>>
    %dma_wait3A_103 = tpu.memref_squeeze %dma_wait3A_102 : memref<1x112xi32, #tpu.memory_space<vmem>> -> memref<112xi32, #tpu.memory_space<vmem>>
    %dma_wait3A_104 = arith.constant 0 : i32
    %dma_wait3A_105 = arith.constant 0 : i32
    %dma_wait3A_106 = tpu.memref_slice %arg8[%dma_wait3A_104, %dma_wait3A_105] : memref<128x16xf32, #tpu.memory_space<vmem_shared>> -> memref<128x16xf32, #tpu.memory_space<vmem_shared>>
    tpu.wait_indirect_dma semaphore(%arg10 : memref<!tpu.dma_semaphore, #tpu.memory_space<semaphore_mem>>) src(%dma_wait3A_100 : memref<112x16xf32, #tpu.memory_space<vmem>>) dst(%dma_wait3A_106 : memref<128x16xf32, #tpu.memory_space<vmem_shared>>)
    %mul3A_107 = arith.constant 1568 : i32
    %mul3A_108 = arith.muli %add3A, %mul3A_107 : i32
    %add3A_109 = arith.constant 448 : i32
    %add3A_110 = arith.addi %mul3A_108, %add3A_109 : i32
    %dma_start3A_111 = arith.constant 0 : i32
    %dma_start3A_112 = arith.constant 0 : i32
    %dma_start3A_113 = arith.constant 0 : i32
    %dma_start3A_114 = tpu.memref_slice %arg7[%dma_start3A_111, %dma_start3A_112, %dma_start3A_113] : memref<2x224x16xf32, #tpu.memory_space<vmem>> -> memref<1x224x16xf32, #tpu.memory_space<vmem>>
    %dma_start3A_115 = tpu.memref_squeeze %dma_start3A_114 : memref<1x224x16xf32, #tpu.memory_space<vmem>> -> memref<224x16xf32, #tpu.memory_space<vmem>>
    %dma_start3A_116 = arith.constant 0 : i32
    %dma_start3A_117 = tpu.memref_slice %arg2[%add3A_110, %dma_start3A_116] : memref<50176x16xf32, #tpu.memory_space<hbm>> -> memref<224x16xf32, #tpu.memory_space<hbm>>
    %dma_start3A_118 = arith.constant 0 : i32
    %dma_start3A_119 = arith.constant 0 : i32
    %dma_start3A_120 = tpu.memref_slice %arg7[%dma_start3A_111, %dma_start3A_118, %dma_start3A_119] : memref<2x224x16xf32, #tpu.memory_space<vmem>> -> memref<1x224x16xf32, #tpu.memory_space<vmem>>
    %dma_start3A_121 = tpu.memref_squeeze %dma_start3A_120 : memref<1x224x16xf32, #tpu.memory_space<vmem>> -> memref<224x16xf32, #tpu.memory_space<vmem>>
    %dma_start3A_122 = arith.constant 0 : i32
    %dma_start3A_123 = tpu.memref_slice %arg2[%add3A_110, %dma_start3A_122] : memref<50176x16xf32, #tpu.memory_space<hbm>> -> memref<224x16xf32, #tpu.memory_space<hbm>>
    tpu.enqueue_dma source(%dma_start3A_123 : memref<224x16xf32, #tpu.memory_space<hbm>>) target(%dma_start3A_121 : memref<224x16xf32, #tpu.memory_space<vmem>>) target_semaphore(%arg9 : memref<!tpu.dma_semaphore, #tpu.memory_space<semaphore_mem>>)
    %dma_start3A_124 = arith.constant 1 : i32
    %dma_start3A_125 = arith.constant 2 : i32
    %dma_start3A_126 = arith.constant 0 : i32
    %dma_start3A_127 = arith.constant 0 : i32
    %dma_start3A_128 = tpu.memref_slice %arg7[%dma_start3A_124, %dma_start3A_126, %dma_start3A_127] : memref<2x224x16xf32, #tpu.memory_space<vmem>> -> memref<1x112x16xf32, #tpu.memory_space<vmem>>
    %dma_start3A_129 = tpu.memref_squeeze %dma_start3A_128 : memref<1x112x16xf32, #tpu.memory_space<vmem>> -> memref<112x16xf32, #tpu.memory_space<vmem>>
    %dma_start3A_130 = arith.constant 0 : i32
    %dma_start3A_131 = tpu.memref_slice %arg6[%dma_start3A_125, %dma_start3A_130] : memref<14x112xi32, #tpu.memory_space<vmem>> -> memref<1x112xi32, #tpu.memory_space<vmem>>
    %dma_start3A_132 = tpu.memref_squeeze %dma_start3A_131 : memref<1x112xi32, #tpu.memory_space<vmem>> -> memref<112xi32, #tpu.memory_space<vmem>>
    %dma_start3A_133 = arith.constant 0 : i32
    %dma_start3A_134 = arith.constant 0 : i32
    %dma_start3A_135 = tpu.memref_slice %arg8[%dma_start3A_133, %dma_start3A_134] : memref<128x16xf32, #tpu.memory_space<vmem_shared>> -> memref<128x16xf32, #tpu.memory_space<vmem_shared>>
    tpu.enqueue_indirect_dma source(%dma_start3A_129 : memref<112x16xf32, #tpu.memory_space<vmem>>) target(%dma_start3A_135 : memref<128x16xf32, #tpu.memory_space<vmem_shared>>) offsets(%dma_start3A_132 : memref<112xi32, #tpu.memory_space<vmem>>) semaphore(%arg10 : memref<!tpu.dma_semaphore, #tpu.memory_space<semaphore_mem>>) {add = true}
    %dma_start3A_136 = arith.constant 1 : i32
    %dma_start3A_137 = arith.constant 3 : i32
    %dma_start3A_138 = arith.constant 112 : i32
    %dma_start3A_139 = arith.constant 0 : i32
    %dma_start3A_140 = tpu.memref_slice %arg7[%dma_start3A_136, %dma_start3A_138, %dma_start3A_139] : memref<2x224x16xf32, #tpu.memory_space<vmem>> -> memref<1x112x16xf32, #tpu.memory_space<vmem>>
    %dma_start3A_141 = tpu.memref_squeeze %dma_start3A_140 : memref<1x112x16xf32, #tpu.memory_space<vmem>> -> memref<112x16xf32, #tpu.memory_space<vmem>>
    %dma_start3A_142 = arith.constant 0 : i32
    %dma_start3A_143 = tpu.memref_slice %arg6[%dma_start3A_137, %dma_start3A_142] : memref<14x112xi32, #tpu.memory_space<vmem>> -> memref<1x112xi32, #tpu.memory_space<vmem>>
    %dma_start3A_144 = tpu.memref_squeeze %dma_start3A_143 : memref<1x112xi32, #tpu.memory_space<vmem>> -> memref<112xi32, #tpu.memory_space<vmem>>
    %dma_start3A_145 = arith.constant 0 : i32
    %dma_start3A_146 = arith.constant 0 : i32
    %dma_start3A_147 = tpu.memref_slice %arg8[%dma_start3A_145, %dma_start3A_146] : memref<128x16xf32, #tpu.memory_space<vmem_shared>> -> memref<128x16xf32, #tpu.memory_space<vmem_shared>>
    tpu.enqueue_indirect_dma source(%dma_start3A_141 : memref<112x16xf32, #tpu.memory_space<vmem>>) target(%dma_start3A_147 : memref<128x16xf32, #tpu.memory_space<vmem_shared>>) offsets(%dma_start3A_144 : memref<112xi32, #tpu.memory_space<vmem>>) semaphore(%arg10 : memref<!tpu.dma_semaphore, #tpu.memory_space<semaphore_mem>>) {add = true}
    %dma_wait3A_148 = arith.constant 0 : i32
    %dma_wait3A_149 = arith.constant 0 : i32
    %dma_wait3A_150 = arith.constant 0 : i32
    %dma_wait3A_151 = tpu.memref_slice %arg7[%dma_wait3A_148, %dma_wait3A_149, %dma_wait3A_150] : memref<2x224x16xf32, #tpu.memory_space<vmem>> -> memref<1x224x16xf32, #tpu.memory_space<vmem>>
    %dma_wait3A_152 = tpu.memref_squeeze %dma_wait3A_151 : memref<1x224x16xf32, #tpu.memory_space<vmem>> -> memref<224x16xf32, #tpu.memory_space<vmem>>
    %dma_wait3A_153 = arith.constant 0 : i32
    %dma_wait3A_154 = tpu.memref_slice %arg2[%add3A_110, %dma_wait3A_153] : memref<50176x16xf32, #tpu.memory_space<hbm>> -> memref<224x16xf32, #tpu.memory_space<hbm>>
    %dma_wait3A_155 = arith.constant 0 : i32
    %dma_wait3A_156 = arith.constant 0 : i32
    %dma_wait3A_157 = tpu.memref_slice %arg7[%dma_wait3A_148, %dma_wait3A_155, %dma_wait3A_156] : memref<2x224x16xf32, #tpu.memory_space<vmem>> -> memref<1x224x16xf32, #tpu.memory_space<vmem>>
    %dma_wait3A_158 = tpu.memref_squeeze %dma_wait3A_157 : memref<1x224x16xf32, #tpu.memory_space<vmem>> -> memref<224x16xf32, #tpu.memory_space<vmem>>
    %dma_wait3A_159 = arith.constant 0 : i32
    %dma_wait3A_160 = tpu.memref_slice %arg2[%add3A_110, %dma_wait3A_159] : memref<50176x16xf32, #tpu.memory_space<hbm>> -> memref<224x16xf32, #tpu.memory_space<hbm>>
    tpu.wait_dma2 semaphore(%arg9 : memref<!tpu.dma_semaphore, #tpu.memory_space<semaphore_mem>>) src(%dma_wait3A_160 : memref<224x16xf32, #tpu.memory_space<hbm>>) dst(%dma_wait3A_158 : memref<224x16xf32, #tpu.memory_space<vmem>>)
    %dma_wait3A_161 = arith.constant 1 : i32
    %dma_wait3A_162 = arith.constant 2 : i32
    %dma_wait3A_163 = arith.constant 0 : i32
    %dma_wait3A_164 = arith.constant 0 : i32
    %dma_wait3A_165 = tpu.memref_slice %arg7[%dma_wait3A_161, %dma_wait3A_163, %dma_wait3A_164] : memref<2x224x16xf32, #tpu.memory_space<vmem>> -> memref<1x112x16xf32, #tpu.memory_space<vmem>>
    %dma_wait3A_166 = tpu.memref_squeeze %dma_wait3A_165 : memref<1x112x16xf32, #tpu.memory_space<vmem>> -> memref<112x16xf32, #tpu.memory_space<vmem>>
    %dma_wait3A_167 = arith.constant 0 : i32
    %dma_wait3A_168 = tpu.memref_slice %arg6[%dma_wait3A_162, %dma_wait3A_167] : memref<14x112xi32, #tpu.memory_space<vmem>> -> memref<1x112xi32, #tpu.memory_space<vmem>>
    %dma_wait3A_169 = tpu.memref_squeeze %dma_wait3A_168 : memref<1x112xi32, #tpu.memory_space<vmem>> -> memref<112xi32, #tpu.memory_space<vmem>>
    %dma_wait3A_170 = arith.constant 0 : i32
    %dma_wait3A_171 = arith.constant 0 : i32
    %dma_wait3A_172 = tpu.memref_slice %arg8[%dma_wait3A_170, %dma_wait3A_171] : memref<128x16xf32, #tpu.memory_space<vmem_shared>> -> memref<128x16xf32, #tpu.memory_space<vmem_shared>>
    tpu.wait_indirect_dma semaphore(%arg10 : memref<!tpu.dma_semaphore, #tpu.memory_space<semaphore_mem>>) src(%dma_wait3A_166 : memref<112x16xf32, #tpu.memory_space<vmem>>) dst(%dma_wait3A_172 : memref<128x16xf32, #tpu.memory_space<vmem_shared>>)
    %dma_wait3A_173 = arith.constant 1 : i32
    %dma_wait3A_174 = arith.constant 3 : i32
    %dma_wait3A_175 = arith.constant 112 : i32
    %dma_wait3A_176 = arith.constant 0 : i32
    %dma_wait3A_177 = tpu.memref_slice %arg7[%dma_wait3A_173, %dma_wait3A_175, %dma_wait3A_176] : memref<2x224x16xf32, #tpu.memory_space<vmem>> -> memref<1x112x16xf32, #tpu.memory_space<vmem>>
    %dma_wait3A_178 = tpu.memref_squeeze %dma_wait3A_177 : memref<1x112x16xf32, #tpu.memory_space<vmem>> -> memref<112x16xf32, #tpu.memory_space<vmem>>
    %dma_wait3A_179 = arith.constant 0 : i32
    %dma_wait3A_180 = tpu.memref_slice %arg6[%dma_wait3A_174, %dma_wait3A_179] : memref<14x112xi32, #tpu.memory_space<vmem>> -> memref<1x112xi32, #tpu.memory_space<vmem>>
    %dma_wait3A_181 = tpu.memref_squeeze %dma_wait3A_180 : memref<1x112xi32, #tpu.memory_space<vmem>> -> memref<112xi32, #tpu.memory_space<vmem>>
    %dma_wait3A_182 = arith.constant 0 : i32
    %dma_wait3A_183 = arith.constant 0 : i32
    %dma_wait3A_184 = tpu.memref_slice %arg8[%dma_wait3A_182, %dma_wait3A_183] : memref<128x16xf32, #tpu.memory_space<vmem_shared>> -> memref<128x16xf32, #tpu.memory_space<vmem_shared>>
    tpu.wait_indirect_dma semaphore(%arg10 : memref<!tpu.dma_semaphore, #tpu.memory_space<semaphore_mem>>) src(%dma_wait3A_178 : memref<112x16xf32, #tpu.memory_space<vmem>>) dst(%dma_wait3A_184 : memref<128x16xf32, #tpu.memory_space<vmem_shared>>)
    %mul3A_185 = arith.constant 1568 : i32
    %mul3A_186 = arith.muli %add3A, %mul3A_185 : i32
    %add3A_187 = arith.constant 672 : i32
    %add3A_188 = arith.addi %mul3A_186, %add3A_187 : i32
    %dma_start3A_189 = arith.constant 1 : i32
    %dma_start3A_190 = arith.constant 0 : i32
    %dma_start3A_191 = arith.constant 0 : i32
    %dma_start3A_192 = tpu.memref_slice %arg7[%dma_start3A_189, %dma_start3A_190, %dma_start3A_191] : memref<2x224x16xf32, #tpu.memory_space<vmem>> -> memref<1x224x16xf32, #tpu.memory_space<vmem>>
    %dma_start3A_193 = tpu.memref_squeeze %dma_start3A_192 : memref<1x224x16xf32, #tpu.memory_space<vmem>> -> memref<224x16xf32, #tpu.memory_space<vmem>>
    %dma_start3A_194 = arith.constant 0 : i32
    %dma_start3A_195 = tpu.memref_slice %arg2[%add3A_188, %dma_start3A_194] : memref<50176x16xf32, #tpu.memory_space<hbm>> -> memref<224x16xf32, #tpu.memory_space<hbm>>
    %dma_start3A_196 = arith.constant 0 : i32
    %dma_start3A_197 = arith.constant 0 : i32
    %dma_start3A_198 = tpu.memref_slice %arg7[%dma_start3A_189, %dma_start3A_196, %dma_start3A_197] : memref<2x224x16xf32, #tpu.memory_space<vmem>> -> memref<1x224x16xf32, #tpu.memory_space<vmem>>
    %dma_start3A_199 = tpu.memref_squeeze %dma_start3A_198 : memref<1x224x16xf32, #tpu.memory_space<vmem>> -> memref<224x16xf32, #tpu.memory_space<vmem>>
    %dma_start3A_200 = arith.constant 0 : i32
    %dma_start3A_201 = tpu.memref_slice %arg2[%add3A_188, %dma_start3A_200] : memref<50176x16xf32, #tpu.memory_space<hbm>> -> memref<224x16xf32, #tpu.memory_space<hbm>>
    tpu.enqueue_dma source(%dma_start3A_201 : memref<224x16xf32, #tpu.memory_space<hbm>>) target(%dma_start3A_199 : memref<224x16xf32, #tpu.memory_space<vmem>>) target_semaphore(%arg9 : memref<!tpu.dma_semaphore, #tpu.memory_space<semaphore_mem>>)
    %dma_start3A_202 = arith.constant 0 : i32
    %dma_start3A_203 = arith.constant 4 : i32
    %dma_start3A_204 = arith.constant 0 : i32
    %dma_start3A_205 = arith.constant 0 : i32
    %dma_start3A_206 = tpu.memref_slice %arg7[%dma_start3A_202, %dma_start3A_204, %dma_start3A_205] : memref<2x224x16xf32, #tpu.memory_space<vmem>> -> memref<1x112x16xf32, #tpu.memory_space<vmem>>
    %dma_start3A_207 = tpu.memref_squeeze %dma_start3A_206 : memref<1x112x16xf32, #tpu.memory_space<vmem>> -> memref<112x16xf32, #tpu.memory_space<vmem>>
    %dma_start3A_208 = arith.constant 0 : i32
    %dma_start3A_209 = tpu.memref_slice %arg6[%dma_start3A_203, %dma_start3A_208] : memref<14x112xi32, #tpu.memory_space<vmem>> -> memref<1x112xi32, #tpu.memory_space<vmem>>
    %dma_start3A_210 = tpu.memref_squeeze %dma_start3A_209 : memref<1x112xi32, #tpu.memory_space<vmem>> -> memref<112xi32, #tpu.memory_space<vmem>>
    %dma_start3A_211 = arith.constant 0 : i32
    %dma_start3A_212 = arith.constant 0 : i32
    %dma_start3A_213 = tpu.memref_slice %arg8[%dma_start3A_211, %dma_start3A_212] : memref<128x16xf32, #tpu.memory_space<vmem_shared>> -> memref<128x16xf32, #tpu.memory_space<vmem_shared>>
    tpu.enqueue_indirect_dma source(%dma_start3A_207 : memref<112x16xf32, #tpu.memory_space<vmem>>) target(%dma_start3A_213 : memref<128x16xf32, #tpu.memory_space<vmem_shared>>) offsets(%dma_start3A_210 : memref<112xi32, #tpu.memory_space<vmem>>) semaphore(%arg10 : memref<!tpu.dma_semaphore, #tpu.memory_space<semaphore_mem>>) {add = true}
    %dma_start3A_214 = arith.constant 0 : i32
    %dma_start3A_215 = arith.constant 5 : i32
    %dma_start3A_216 = arith.constant 112 : i32
    %dma_start3A_217 = arith.constant 0 : i32
    %dma_start3A_218 = tpu.memref_slice %arg7[%dma_start3A_214, %dma_start3A_216, %dma_start3A_217] : memref<2x224x16xf32, #tpu.memory_space<vmem>> -> memref<1x112x16xf32, #tpu.memory_space<vmem>>
    %dma_start3A_219 = tpu.memref_squeeze %dma_start3A_218 : memref<1x112x16xf32, #tpu.memory_space<vmem>> -> memref<112x16xf32, #tpu.memory_space<vmem>>
    %dma_start3A_220 = arith.constant 0 : i32
    %dma_start3A_221 = tpu.memref_slice %arg6[%dma_start3A_215, %dma_start3A_220] : memref<14x112xi32, #tpu.memory_space<vmem>> -> memref<1x112xi32, #tpu.memory_space<vmem>>
    %dma_start3A_222 = tpu.memref_squeeze %dma_start3A_221 : memref<1x112xi32, #tpu.memory_space<vmem>> -> memref<112xi32, #tpu.memory_space<vmem>>
    %dma_start3A_223 = arith.constant 0 : i32
    %dma_start3A_224 = arith.constant 0 : i32
    %dma_start3A_225 = tpu.memref_slice %arg8[%dma_start3A_223, %dma_start3A_224] : memref<128x16xf32, #tpu.memory_space<vmem_shared>> -> memref<128x16xf32, #tpu.memory_space<vmem_shared>>
    tpu.enqueue_indirect_dma source(%dma_start3A_219 : memref<112x16xf32, #tpu.memory_space<vmem>>) target(%dma_start3A_225 : memref<128x16xf32, #tpu.memory_space<vmem_shared>>) offsets(%dma_start3A_222 : memref<112xi32, #tpu.memory_space<vmem>>) semaphore(%arg10 : memref<!tpu.dma_semaphore, #tpu.memory_space<semaphore_mem>>) {add = true}
    %dma_wait3A_226 = arith.constant 1 : i32
    %dma_wait3A_227 = arith.constant 0 : i32
    %dma_wait3A_228 = arith.constant 0 : i32
    %dma_wait3A_229 = tpu.memref_slice %arg7[%dma_wait3A_226, %dma_wait3A_227, %dma_wait3A_228] : memref<2x224x16xf32, #tpu.memory_space<vmem>> -> memref<1x224x16xf32, #tpu.memory_space<vmem>>
    %dma_wait3A_230 = tpu.memref_squeeze %dma_wait3A_229 : memref<1x224x16xf32, #tpu.memory_space<vmem>> -> memref<224x16xf32, #tpu.memory_space<vmem>>
    %dma_wait3A_231 = arith.constant 0 : i32
    %dma_wait3A_232 = tpu.memref_slice %arg2[%add3A_188, %dma_wait3A_231] : memref<50176x16xf32, #tpu.memory_space<hbm>> -> memref<224x16xf32, #tpu.memory_space<hbm>>
    %dma_wait3A_233 = arith.constant 0 : i32
    %dma_wait3A_234 = arith.constant 0 : i32
    %dma_wait3A_235 = tpu.memref_slice %arg7[%dma_wait3A_226, %dma_wait3A_233, %dma_wait3A_234] : memref<2x224x16xf32, #tpu.memory_space<vmem>> -> memref<1x224x16xf32, #tpu.memory_space<vmem>>
    %dma_wait3A_236 = tpu.memref_squeeze %dma_wait3A_235 : memref<1x224x16xf32, #tpu.memory_space<vmem>> -> memref<224x16xf32, #tpu.memory_space<vmem>>
    %dma_wait3A_237 = arith.constant 0 : i32
    %dma_wait3A_238 = tpu.memref_slice %arg2[%add3A_188, %dma_wait3A_237] : memref<50176x16xf32, #tpu.memory_space<hbm>> -> memref<224x16xf32, #tpu.memory_space<hbm>>
    tpu.wait_dma2 semaphore(%arg9 : memref<!tpu.dma_semaphore, #tpu.memory_space<semaphore_mem>>) src(%dma_wait3A_238 : memref<224x16xf32, #tpu.memory_space<hbm>>) dst(%dma_wait3A_236 : memref<224x16xf32, #tpu.memory_space<vmem>>)
    %dma_wait3A_239 = arith.constant 0 : i32
    %dma_wait3A_240 = arith.constant 4 : i32
    %dma_wait3A_241 = arith.constant 0 : i32
    %dma_wait3A_242 = arith.constant 0 : i32
    %dma_wait3A_243 = tpu.memref_slice %arg7[%dma_wait3A_239, %dma_wait3A_241, %dma_wait3A_242] : memref<2x224x16xf32, #tpu.memory_space<vmem>> -> memref<1x112x16xf32, #tpu.memory_space<vmem>>
    %dma_wait3A_244 = tpu.memref_squeeze %dma_wait3A_243 : memref<1x112x16xf32, #tpu.memory_space<vmem>> -> memref<112x16xf32, #tpu.memory_space<vmem>>
    %dma_wait3A_245 = arith.constant 0 : i32
    %dma_wait3A_246 = tpu.memref_slice %arg6[%dma_wait3A_240, %dma_wait3A_245] : memref<14x112xi32, #tpu.memory_space<vmem>> -> memref<1x112xi32, #tpu.memory_space<vmem>>
    %dma_wait3A_247 = tpu.memref_squeeze %dma_wait3A_246 : memref<1x112xi32, #tpu.memory_space<vmem>> -> memref<112xi32, #tpu.memory_space<vmem>>
    %dma_wait3A_248 = arith.constant 0 : i32
    %dma_wait3A_249 = arith.constant 0 : i32
    %dma_wait3A_250 = tpu.memref_slice %arg8[%dma_wait3A_248, %dma_wait3A_249] : memref<128x16xf32, #tpu.memory_space<vmem_shared>> -> memref<128x16xf32, #tpu.memory_space<vmem_shared>>
    tpu.wait_indirect_dma semaphore(%arg10 : memref<!tpu.dma_semaphore, #tpu.memory_space<semaphore_mem>>) src(%dma_wait3A_244 : memref<112x16xf32, #tpu.memory_space<vmem>>) dst(%dma_wait3A_250 : memref<128x16xf32, #tpu.memory_space<vmem_shared>>)
    %dma_wait3A_251 = arith.constant 0 : i32
    %dma_wait3A_252 = arith.constant 5 : i32
    %dma_wait3A_253 = arith.constant 112 : i32
    %dma_wait3A_254 = arith.constant 0 : i32
    %dma_wait3A_255 = tpu.memref_slice %arg7[%dma_wait3A_251, %dma_wait3A_253, %dma_wait3A_254] : memref<2x224x16xf32, #tpu.memory_space<vmem>> -> memref<1x112x16xf32, #tpu.memory_space<vmem>>
    %dma_wait3A_256 = tpu.memref_squeeze %dma_wait3A_255 : memref<1x112x16xf32, #tpu.memory_space<vmem>> -> memref<112x16xf32, #tpu.memory_space<vmem>>
    %dma_wait3A_257 = arith.constant 0 : i32
    %dma_wait3A_258 = tpu.memref_slice %arg6[%dma_wait3A_252, %dma_wait3A_257] : memref<14x112xi32, #tpu.memory_space<vmem>> -> memref<1x112xi32, #tpu.memory_space<vmem>>
    %dma_wait3A_259 = tpu.memref_squeeze %dma_wait3A_258 : memref<1x112xi32, #tpu.memory_space<vmem>> -> memref<112xi32, #tpu.memory_space<vmem>>
    %dma_wait3A_260 = arith.constant 0 : i32
    %dma_wait3A_261 = arith.constant 0 : i32
    %dma_wait3A_262 = tpu.memref_slice %arg8[%dma_wait3A_260, %dma_wait3A_261] : memref<128x16xf32, #tpu.memory_space<vmem_shared>> -> memref<128x16xf32, #tpu.memory_space<vmem_shared>>
    tpu.wait_indirect_dma semaphore(%arg10 : memref<!tpu.dma_semaphore, #tpu.memory_space<semaphore_mem>>) src(%dma_wait3A_256 : memref<112x16xf32, #tpu.memory_space<vmem>>) dst(%dma_wait3A_262 : memref<128x16xf32, #tpu.memory_space<vmem_shared>>)
    %mul3A_263 = arith.constant 1568 : i32
    %mul3A_264 = arith.muli %add3A, %mul3A_263 : i32
    %add3A_265 = arith.constant 896 : i32
    %add3A_266 = arith.addi %mul3A_264, %add3A_265 : i32
    %dma_start3A_267 = arith.constant 0 : i32
    %dma_start3A_268 = arith.constant 0 : i32
    %dma_start3A_269 = arith.constant 0 : i32
    %dma_start3A_270 = tpu.memref_slice %arg7[%dma_start3A_267, %dma_start3A_268, %dma_start3A_269] : memref<2x224x16xf32, #tpu.memory_space<vmem>> -> memref<1x224x16xf32, #tpu.memory_space<vmem>>
    %dma_start3A_271 = tpu.memref_squeeze %dma_start3A_270 : memref<1x224x16xf32, #tpu.memory_space<vmem>> -> memref<224x16xf32, #tpu.memory_space<vmem>>
    %dma_start3A_272 = arith.constant 0 : i32
    %dma_start3A_273 = tpu.memref_slice %arg2[%add3A_266, %dma_start3A_272] : memref<50176x16xf32, #tpu.memory_space<hbm>> -> memref<224x16xf32, #tpu.memory_space<hbm>>
    %dma_start3A_274 = arith.constant 0 : i32
    %dma_start3A_275 = arith.constant 0 : i32
    %dma_start3A_276 = tpu.memref_slice %arg7[%dma_start3A_267, %dma_start3A_274, %dma_start3A_275] : memref<2x224x16xf32, #tpu.memory_space<vmem>> -> memref<1x224x16xf32, #tpu.memory_space<vmem>>
    %dma_start3A_277 = tpu.memref_squeeze %dma_start3A_276 : memref<1x224x16xf32, #tpu.memory_space<vmem>> -> memref<224x16xf32, #tpu.memory_space<vmem>>
    %dma_start3A_278 = arith.constant 0 : i32
    %dma_start3A_279 = tpu.memref_slice %arg2[%add3A_266, %dma_start3A_278] : memref<50176x16xf32, #tpu.memory_space<hbm>> -> memref<224x16xf32, #tpu.memory_space<hbm>>
    tpu.enqueue_dma source(%dma_start3A_279 : memref<224x16xf32, #tpu.memory_space<hbm>>) target(%dma_start3A_277 : memref<224x16xf32, #tpu.memory_space<vmem>>) target_semaphore(%arg9 : memref<!tpu.dma_semaphore, #tpu.memory_space<semaphore_mem>>)
    %dma_start3A_280 = arith.constant 1 : i32
    %dma_start3A_281 = arith.constant 6 : i32
    %dma_start3A_282 = arith.constant 0 : i32
    %dma_start3A_283 = arith.constant 0 : i32
    %dma_start3A_284 = tpu.memref_slice %arg7[%dma_start3A_280, %dma_start3A_282, %dma_start3A_283] : memref<2x224x16xf32, #tpu.memory_space<vmem>> -> memref<1x112x16xf32, #tpu.memory_space<vmem>>
    %dma_start3A_285 = tpu.memref_squeeze %dma_start3A_284 : memref<1x112x16xf32, #tpu.memory_space<vmem>> -> memref<112x16xf32, #tpu.memory_space<vmem>>
    %dma_start3A_286 = arith.constant 0 : i32
    %dma_start3A_287 = tpu.memref_slice %arg6[%dma_start3A_281, %dma_start3A_286] : memref<14x112xi32, #tpu.memory_space<vmem>> -> memref<1x112xi32, #tpu.memory_space<vmem>>
    %dma_start3A_288 = tpu.memref_squeeze %dma_start3A_287 : memref<1x112xi32, #tpu.memory_space<vmem>> -> memref<112xi32, #tpu.memory_space<vmem>>
    %dma_start3A_289 = arith.constant 0 : i32
    %dma_start3A_290 = arith.constant 0 : i32
    %dma_start3A_291 = tpu.memref_slice %arg8[%dma_start3A_289, %dma_start3A_290] : memref<128x16xf32, #tpu.memory_space<vmem_shared>> -> memref<128x16xf32, #tpu.memory_space<vmem_shared>>
    tpu.enqueue_indirect_dma source(%dma_start3A_285 : memref<112x16xf32, #tpu.memory_space<vmem>>) target(%dma_start3A_291 : memref<128x16xf32, #tpu.memory_space<vmem_shared>>) offsets(%dma_start3A_288 : memref<112xi32, #tpu.memory_space<vmem>>) semaphore(%arg10 : memref<!tpu.dma_semaphore, #tpu.memory_space<semaphore_mem>>) {add = true}
    %dma_start3A_292 = arith.constant 1 : i32
    %dma_start3A_293 = arith.constant 7 : i32
    %dma_start3A_294 = arith.constant 112 : i32
    %dma_start3A_295 = arith.constant 0 : i32
    %dma_start3A_296 = tpu.memref_slice %arg7[%dma_start3A_292, %dma_start3A_294, %dma_start3A_295] : memref<2x224x16xf32, #tpu.memory_space<vmem>> -> memref<1x112x16xf32, #tpu.memory_space<vmem>>
    %dma_start3A_297 = tpu.memref_squeeze %dma_start3A_296 : memref<1x112x16xf32, #tpu.memory_space<vmem>> -> memref<112x16xf32, #tpu.memory_space<vmem>>
    %dma_start3A_298 = arith.constant 0 : i32
    %dma_start3A_299 = tpu.memref_slice %arg6[%dma_start3A_293, %dma_start3A_298] : memref<14x112xi32, #tpu.memory_space<vmem>> -> memref<1x112xi32, #tpu.memory_space<vmem>>
    %dma_start3A_300 = tpu.memref_squeeze %dma_start3A_299 : memref<1x112xi32, #tpu.memory_space<vmem>> -> memref<112xi32, #tpu.memory_space<vmem>>
    %dma_start3A_301 = arith.constant 0 : i32
    %dma_start3A_302 = arith.constant 0 : i32
    %dma_start3A_303 = tpu.memref_slice %arg8[%dma_start3A_301, %dma_start3A_302] : memref<128x16xf32, #tpu.memory_space<vmem_shared>> -> memref<128x16xf32, #tpu.memory_space<vmem_shared>>
    tpu.enqueue_indirect_dma source(%dma_start3A_297 : memref<112x16xf32, #tpu.memory_space<vmem>>) target(%dma_start3A_303 : memref<128x16xf32, #tpu.memory_space<vmem_shared>>) offsets(%dma_start3A_300 : memref<112xi32, #tpu.memory_space<vmem>>) semaphore(%arg10 : memref<!tpu.dma_semaphore, #tpu.memory_space<semaphore_mem>>) {add = true}
    %dma_wait3A_304 = arith.constant 0 : i32
    %dma_wait3A_305 = arith.constant 0 : i32
    %dma_wait3A_306 = arith.constant 0 : i32
    %dma_wait3A_307 = tpu.memref_slice %arg7[%dma_wait3A_304, %dma_wait3A_305, %dma_wait3A_306] : memref<2x224x16xf32, #tpu.memory_space<vmem>> -> memref<1x224x16xf32, #tpu.memory_space<vmem>>
    %dma_wait3A_308 = tpu.memref_squeeze %dma_wait3A_307 : memref<1x224x16xf32, #tpu.memory_space<vmem>> -> memref<224x16xf32, #tpu.memory_space<vmem>>
    %dma_wait3A_309 = arith.constant 0 : i32
    %dma_wait3A_310 = tpu.memref_slice %arg2[%add3A_266, %dma_wait3A_309] : memref<50176x16xf32, #tpu.memory_space<hbm>> -> memref<224x16xf32, #tpu.memory_space<hbm>>
    %dma_wait3A_311 = arith.constant 0 : i32
    %dma_wait3A_312 = arith.constant 0 : i32
    %dma_wait3A_313 = tpu.memref_slice %arg7[%dma_wait3A_304, %dma_wait3A_311, %dma_wait3A_312] : memref<2x224x16xf32, #tpu.memory_space<vmem>> -> memref<1x224x16xf32, #tpu.memory_space<vmem>>
    %dma_wait3A_314 = tpu.memref_squeeze %dma_wait3A_313 : memref<1x224x16xf32, #tpu.memory_space<vmem>> -> memref<224x16xf32, #tpu.memory_space<vmem>>
    %dma_wait3A_315 = arith.constant 0 : i32
    %dma_wait3A_316 = tpu.memref_slice %arg2[%add3A_266, %dma_wait3A_315] : memref<50176x16xf32, #tpu.memory_space<hbm>> -> memref<224x16xf32, #tpu.memory_space<hbm>>
    tpu.wait_dma2 semaphore(%arg9 : memref<!tpu.dma_semaphore, #tpu.memory_space<semaphore_mem>>) src(%dma_wait3A_316 : memref<224x16xf32, #tpu.memory_space<hbm>>) dst(%dma_wait3A_314 : memref<224x16xf32, #tpu.memory_space<vmem>>)
    %dma_wait3A_317 = arith.constant 1 : i32
    %dma_wait3A_318 = arith.constant 6 : i32
    %dma_wait3A_319 = arith.constant 0 : i32
    %dma_wait3A_320 = arith.constant 0 : i32
    %dma_wait3A_321 = tpu.memref_slice %arg7[%dma_wait3A_317, %dma_wait3A_319, %dma_wait3A_320] : memref<2x224x16xf32, #tpu.memory_space<vmem>> -> memref<1x112x16xf32, #tpu.memory_space<vmem>>
    %dma_wait3A_322 = tpu.memref_squeeze %dma_wait3A_321 : memref<1x112x16xf32, #tpu.memory_space<vmem>> -> memref<112x16xf32, #tpu.memory_space<vmem>>
    %dma_wait3A_323 = arith.constant 0 : i32
    %dma_wait3A_324 = tpu.memref_slice %arg6[%dma_wait3A_318, %dma_wait3A_323] : memref<14x112xi32, #tpu.memory_space<vmem>> -> memref<1x112xi32, #tpu.memory_space<vmem>>
    %dma_wait3A_325 = tpu.memref_squeeze %dma_wait3A_324 : memref<1x112xi32, #tpu.memory_space<vmem>> -> memref<112xi32, #tpu.memory_space<vmem>>
    %dma_wait3A_326 = arith.constant 0 : i32
    %dma_wait3A_327 = arith.constant 0 : i32
    %dma_wait3A_328 = tpu.memref_slice %arg8[%dma_wait3A_326, %dma_wait3A_327] : memref<128x16xf32, #tpu.memory_space<vmem_shared>> -> memref<128x16xf32, #tpu.memory_space<vmem_shared>>
    tpu.wait_indirect_dma semaphore(%arg10 : memref<!tpu.dma_semaphore, #tpu.memory_space<semaphore_mem>>) src(%dma_wait3A_322 : memref<112x16xf32, #tpu.memory_space<vmem>>) dst(%dma_wait3A_328 : memref<128x16xf32, #tpu.memory_space<vmem_shared>>)
    %dma_wait3A_329 = arith.constant 1 : i32
    %dma_wait3A_330 = arith.constant 7 : i32
    %dma_wait3A_331 = arith.constant 112 : i32
    %dma_wait3A_332 = arith.constant 0 : i32
    %dma_wait3A_333 = tpu.memref_slice %arg7[%dma_wait3A_329, %dma_wait3A_331, %dma_wait3A_332] : memref<2x224x16xf32, #tpu.memory_space<vmem>> -> memref<1x112x16xf32, #tpu.memory_space<vmem>>
    %dma_wait3A_334 = tpu.memref_squeeze %dma_wait3A_333 : memref<1x112x16xf32, #tpu.memory_space<vmem>> -> memref<112x16xf32, #tpu.memory_space<vmem>>
    %dma_wait3A_335 = arith.constant 0 : i32
    %dma_wait3A_336 = tpu.memref_slice %arg6[%dma_wait3A_330, %dma_wait3A_335] : memref<14x112xi32, #tpu.memory_space<vmem>> -> memref<1x112xi32, #tpu.memory_space<vmem>>
    %dma_wait3A_337 = tpu.memref_squeeze %dma_wait3A_336 : memref<1x112xi32, #tpu.memory_space<vmem>> -> memref<112xi32, #tpu.memory_space<vmem>>
    %dma_wait3A_338 = arith.constant 0 : i32
    %dma_wait3A_339 = arith.constant 0 : i32
    %dma_wait3A_340 = tpu.memref_slice %arg8[%dma_wait3A_338, %dma_wait3A_339] : memref<128x16xf32, #tpu.memory_space<vmem_shared>> -> memref<128x16xf32, #tpu.memory_space<vmem_shared>>
    tpu.wait_indirect_dma semaphore(%arg10 : memref<!tpu.dma_semaphore, #tpu.memory_space<semaphore_mem>>) src(%dma_wait3A_334 : memref<112x16xf32, #tpu.memory_space<vmem>>) dst(%dma_wait3A_340 : memref<128x16xf32, #tpu.memory_space<vmem_shared>>)
    %mul3A_341 = arith.constant 1568 : i32
    %mul3A_342 = arith.muli %add3A, %mul3A_341 : i32
    %add3A_343 = arith.constant 1120 : i32
    %add3A_344 = arith.addi %mul3A_342, %add3A_343 : i32
    %dma_start3A_345 = arith.constant 1 : i32
    %dma_start3A_346 = arith.constant 0 : i32
    %dma_start3A_347 = arith.constant 0 : i32
    %dma_start3A_348 = tpu.memref_slice %arg7[%dma_start3A_345, %dma_start3A_346, %dma_start3A_347] : memref<2x224x16xf32, #tpu.memory_space<vmem>> -> memref<1x224x16xf32, #tpu.memory_space<vmem>>
    %dma_start3A_349 = tpu.memref_squeeze %dma_start3A_348 : memref<1x224x16xf32, #tpu.memory_space<vmem>> -> memref<224x16xf32, #tpu.memory_space<vmem>>
    %dma_start3A_350 = arith.constant 0 : i32
    %dma_start3A_351 = tpu.memref_slice %arg2[%add3A_344, %dma_start3A_350] : memref<50176x16xf32, #tpu.memory_space<hbm>> -> memref<224x16xf32, #tpu.memory_space<hbm>>
    %dma_start3A_352 = arith.constant 0 : i32
    %dma_start3A_353 = arith.constant 0 : i32
    %dma_start3A_354 = tpu.memref_slice %arg7[%dma_start3A_345, %dma_start3A_352, %dma_start3A_353] : memref<2x224x16xf32, #tpu.memory_space<vmem>> -> memref<1x224x16xf32, #tpu.memory_space<vmem>>
    %dma_start3A_355 = tpu.memref_squeeze %dma_start3A_354 : memref<1x224x16xf32, #tpu.memory_space<vmem>> -> memref<224x16xf32, #tpu.memory_space<vmem>>
    %dma_start3A_356 = arith.constant 0 : i32
    %dma_start3A_357 = tpu.memref_slice %arg2[%add3A_344, %dma_start3A_356] : memref<50176x16xf32, #tpu.memory_space<hbm>> -> memref<224x16xf32, #tpu.memory_space<hbm>>
    tpu.enqueue_dma source(%dma_start3A_357 : memref<224x16xf32, #tpu.memory_space<hbm>>) target(%dma_start3A_355 : memref<224x16xf32, #tpu.memory_space<vmem>>) target_semaphore(%arg9 : memref<!tpu.dma_semaphore, #tpu.memory_space<semaphore_mem>>)
    %dma_start3A_358 = arith.constant 0 : i32
    %dma_start3A_359 = arith.constant 8 : i32
    %dma_start3A_360 = arith.constant 0 : i32
    %dma_start3A_361 = arith.constant 0 : i32
    %dma_start3A_362 = tpu.memref_slice %arg7[%dma_start3A_358, %dma_start3A_360, %dma_start3A_361] : memref<2x224x16xf32, #tpu.memory_space<vmem>> -> memref<1x112x16xf32, #tpu.memory_space<vmem>>
    %dma_start3A_363 = tpu.memref_squeeze %dma_start3A_362 : memref<1x112x16xf32, #tpu.memory_space<vmem>> -> memref<112x16xf32, #tpu.memory_space<vmem>>
    %dma_start3A_364 = arith.constant 0 : i32
    %dma_start3A_365 = tpu.memref_slice %arg6[%dma_start3A_359, %dma_start3A_364] : memref<14x112xi32, #tpu.memory_space<vmem>> -> memref<1x112xi32, #tpu.memory_space<vmem>>
    %dma_start3A_366 = tpu.memref_squeeze %dma_start3A_365 : memref<1x112xi32, #tpu.memory_space<vmem>> -> memref<112xi32, #tpu.memory_space<vmem>>
    %dma_start3A_367 = arith.constant 0 : i32
    %dma_start3A_368 = arith.constant 0 : i32
    %dma_start3A_369 = tpu.memref_slice %arg8[%dma_start3A_367, %dma_start3A_368] : memref<128x16xf32, #tpu.memory_space<vmem_shared>> -> memref<128x16xf32, #tpu.memory_space<vmem_shared>>
    tpu.enqueue_indirect_dma source(%dma_start3A_363 : memref<112x16xf32, #tpu.memory_space<vmem>>) target(%dma_start3A_369 : memref<128x16xf32, #tpu.memory_space<vmem_shared>>) offsets(%dma_start3A_366 : memref<112xi32, #tpu.memory_space<vmem>>) semaphore(%arg10 : memref<!tpu.dma_semaphore, #tpu.memory_space<semaphore_mem>>) {add = true}
    %dma_start3A_370 = arith.constant 0 : i32
    %dma_start3A_371 = arith.constant 9 : i32
    %dma_start3A_372 = arith.constant 112 : i32
    %dma_start3A_373 = arith.constant 0 : i32
    %dma_start3A_374 = tpu.memref_slice %arg7[%dma_start3A_370, %dma_start3A_372, %dma_start3A_373] : memref<2x224x16xf32, #tpu.memory_space<vmem>> -> memref<1x112x16xf32, #tpu.memory_space<vmem>>
    %dma_start3A_375 = tpu.memref_squeeze %dma_start3A_374 : memref<1x112x16xf32, #tpu.memory_space<vmem>> -> memref<112x16xf32, #tpu.memory_space<vmem>>
    %dma_start3A_376 = arith.constant 0 : i32
    %dma_start3A_377 = tpu.memref_slice %arg6[%dma_start3A_371, %dma_start3A_376] : memref<14x112xi32, #tpu.memory_space<vmem>> -> memref<1x112xi32, #tpu.memory_space<vmem>>
    %dma_start3A_378 = tpu.memref_squeeze %dma_start3A_377 : memref<1x112xi32, #tpu.memory_space<vmem>> -> memref<112xi32, #tpu.memory_space<vmem>>
    %dma_start3A_379 = arith.constant 0 : i32
    %dma_start3A_380 = arith.constant 0 : i32
    %dma_start3A_381 = tpu.memref_slice %arg8[%dma_start3A_379, %dma_start3A_380] : memref<128x16xf32, #tpu.memory_space<vmem_shared>> -> memref<128x16xf32, #tpu.memory_space<vmem_shared>>
    tpu.enqueue_indirect_dma source(%dma_start3A_375 : memref<112x16xf32, #tpu.memory_space<vmem>>) target(%dma_start3A_381 : memref<128x16xf32, #tpu.memory_space<vmem_shared>>) offsets(%dma_start3A_378 : memref<112xi32, #tpu.memory_space<vmem>>) semaphore(%arg10 : memref<!tpu.dma_semaphore, #tpu.memory_space<semaphore_mem>>) {add = true}
    %dma_wait3A_382 = arith.constant 1 : i32
    %dma_wait3A_383 = arith.constant 0 : i32
    %dma_wait3A_384 = arith.constant 0 : i32
    %dma_wait3A_385 = tpu.memref_slice %arg7[%dma_wait3A_382, %dma_wait3A_383, %dma_wait3A_384] : memref<2x224x16xf32, #tpu.memory_space<vmem>> -> memref<1x224x16xf32, #tpu.memory_space<vmem>>
    %dma_wait3A_386 = tpu.memref_squeeze %dma_wait3A_385 : memref<1x224x16xf32, #tpu.memory_space<vmem>> -> memref<224x16xf32, #tpu.memory_space<vmem>>
    %dma_wait3A_387 = arith.constant 0 : i32
    %dma_wait3A_388 = tpu.memref_slice %arg2[%add3A_344, %dma_wait3A_387] : memref<50176x16xf32, #tpu.memory_space<hbm>> -> memref<224x16xf32, #tpu.memory_space<hbm>>
    %dma_wait3A_389 = arith.constant 0 : i32
    %dma_wait3A_390 = arith.constant 0 : i32
    %dma_wait3A_391 = tpu.memref_slice %arg7[%dma_wait3A_382, %dma_wait3A_389, %dma_wait3A_390] : memref<2x224x16xf32, #tpu.memory_space<vmem>> -> memref<1x224x16xf32, #tpu.memory_space<vmem>>
    %dma_wait3A_392 = tpu.memref_squeeze %dma_wait3A_391 : memref<1x224x16xf32, #tpu.memory_space<vmem>> -> memref<224x16xf32, #tpu.memory_space<vmem>>
    %dma_wait3A_393 = arith.constant 0 : i32
    %dma_wait3A_394 = tpu.memref_slice %arg2[%add3A_344, %dma_wait3A_393] : memref<50176x16xf32, #tpu.memory_space<hbm>> -> memref<224x16xf32, #tpu.memory_space<hbm>>
    tpu.wait_dma2 semaphore(%arg9 : memref<!tpu.dma_semaphore, #tpu.memory_space<semaphore_mem>>) src(%dma_wait3A_394 : memref<224x16xf32, #tpu.memory_space<hbm>>) dst(%dma_wait3A_392 : memref<224x16xf32, #tpu.memory_space<vmem>>)
    %dma_wait3A_395 = arith.constant 0 : i32
    %dma_wait3A_396 = arith.constant 8 : i32
    %dma_wait3A_397 = arith.constant 0 : i32
    %dma_wait3A_398 = arith.constant 0 : i32
    %dma_wait3A_399 = tpu.memref_slice %arg7[%dma_wait3A_395, %dma_wait3A_397, %dma_wait3A_398] : memref<2x224x16xf32, #tpu.memory_space<vmem>> -> memref<1x112x16xf32, #tpu.memory_space<vmem>>
    %dma_wait3A_400 = tpu.memref_squeeze %dma_wait3A_399 : memref<1x112x16xf32, #tpu.memory_space<vmem>> -> memref<112x16xf32, #tpu.memory_space<vmem>>
    %dma_wait3A_401 = arith.constant 0 : i32
    %dma_wait3A_402 = tpu.memref_slice %arg6[%dma_wait3A_396, %dma_wait3A_401] : memref<14x112xi32, #tpu.memory_space<vmem>> -> memref<1x112xi32, #tpu.memory_space<vmem>>
    %dma_wait3A_403 = tpu.memref_squeeze %dma_wait3A_402 : memref<1x112xi32, #tpu.memory_space<vmem>> -> memref<112xi32, #tpu.memory_space<vmem>>
    %dma_wait3A_404 = arith.constant 0 : i32
    %dma_wait3A_405 = arith.constant 0 : i32
    %dma_wait3A_406 = tpu.memref_slice %arg8[%dma_wait3A_404, %dma_wait3A_405] : memref<128x16xf32, #tpu.memory_space<vmem_shared>> -> memref<128x16xf32, #tpu.memory_space<vmem_shared>>
    tpu.wait_indirect_dma semaphore(%arg10 : memref<!tpu.dma_semaphore, #tpu.memory_space<semaphore_mem>>) src(%dma_wait3A_400 : memref<112x16xf32, #tpu.memory_space<vmem>>) dst(%dma_wait3A_406 : memref<128x16xf32, #tpu.memory_space<vmem_shared>>)
    %dma_wait3A_407 = arith.constant 0 : i32
    %dma_wait3A_408 = arith.constant 9 : i32
    %dma_wait3A_409 = arith.constant 112 : i32
    %dma_wait3A_410 = arith.constant 0 : i32
    %dma_wait3A_411 = tpu.memref_slice %arg7[%dma_wait3A_407, %dma_wait3A_409, %dma_wait3A_410] : memref<2x224x16xf32, #tpu.memory_space<vmem>> -> memref<1x112x16xf32, #tpu.memory_space<vmem>>
    %dma_wait3A_412 = tpu.memref_squeeze %dma_wait3A_411 : memref<1x112x16xf32, #tpu.memory_space<vmem>> -> memref<112x16xf32, #tpu.memory_space<vmem>>
    %dma_wait3A_413 = arith.constant 0 : i32
    %dma_wait3A_414 = tpu.memref_slice %arg6[%dma_wait3A_408, %dma_wait3A_413] : memref<14x112xi32, #tpu.memory_space<vmem>> -> memref<1x112xi32, #tpu.memory_space<vmem>>
    %dma_wait3A_415 = tpu.memref_squeeze %dma_wait3A_414 : memref<1x112xi32, #tpu.memory_space<vmem>> -> memref<112xi32, #tpu.memory_space<vmem>>
    %dma_wait3A_416 = arith.constant 0 : i32
    %dma_wait3A_417 = arith.constant 0 : i32
    %dma_wait3A_418 = tpu.memref_slice %arg8[%dma_wait3A_416, %dma_wait3A_417] : memref<128x16xf32, #tpu.memory_space<vmem_shared>> -> memref<128x16xf32, #tpu.memory_space<vmem_shared>>
    tpu.wait_indirect_dma semaphore(%arg10 : memref<!tpu.dma_semaphore, #tpu.memory_space<semaphore_mem>>) src(%dma_wait3A_412 : memref<112x16xf32, #tpu.memory_space<vmem>>) dst(%dma_wait3A_418 : memref<128x16xf32, #tpu.memory_space<vmem_shared>>)
    %mul3A_419 = arith.constant 1568 : i32
    %mul3A_420 = arith.muli %add3A, %mul3A_419 : i32
    %add3A_421 = arith.constant 1344 : i32
    %add3A_422 = arith.addi %mul3A_420, %add3A_421 : i32
    %dma_start3A_423 = arith.constant 0 : i32
    %dma_start3A_424 = arith.constant 0 : i32
    %dma_start3A_425 = arith.constant 0 : i32
    %dma_start3A_426 = tpu.memref_slice %arg7[%dma_start3A_423, %dma_start3A_424, %dma_start3A_425] : memref<2x224x16xf32, #tpu.memory_space<vmem>> -> memref<1x224x16xf32, #tpu.memory_space<vmem>>
    %dma_start3A_427 = tpu.memref_squeeze %dma_start3A_426 : memref<1x224x16xf32, #tpu.memory_space<vmem>> -> memref<224x16xf32, #tpu.memory_space<vmem>>
    %dma_start3A_428 = arith.constant 0 : i32
    %dma_start3A_429 = tpu.memref_slice %arg2[%add3A_422, %dma_start3A_428] : memref<50176x16xf32, #tpu.memory_space<hbm>> -> memref<224x16xf32, #tpu.memory_space<hbm>>
    %dma_start3A_430 = arith.constant 0 : i32
    %dma_start3A_431 = arith.constant 0 : i32
    %dma_start3A_432 = tpu.memref_slice %arg7[%dma_start3A_423, %dma_start3A_430, %dma_start3A_431] : memref<2x224x16xf32, #tpu.memory_space<vmem>> -> memref<1x224x16xf32, #tpu.memory_space<vmem>>
    %dma_start3A_433 = tpu.memref_squeeze %dma_start3A_432 : memref<1x224x16xf32, #tpu.memory_space<vmem>> -> memref<224x16xf32, #tpu.memory_space<vmem>>
    %dma_start3A_434 = arith.constant 0 : i32
    %dma_start3A_435 = tpu.memref_slice %arg2[%add3A_422, %dma_start3A_434] : memref<50176x16xf32, #tpu.memory_space<hbm>> -> memref<224x16xf32, #tpu.memory_space<hbm>>
    tpu.enqueue_dma source(%dma_start3A_435 : memref<224x16xf32, #tpu.memory_space<hbm>>) target(%dma_start3A_433 : memref<224x16xf32, #tpu.memory_space<vmem>>) target_semaphore(%arg9 : memref<!tpu.dma_semaphore, #tpu.memory_space<semaphore_mem>>)
    %dma_start3A_436 = arith.constant 1 : i32
    %dma_start3A_437 = arith.constant 10 : i32
    %dma_start3A_438 = arith.constant 0 : i32
    %dma_start3A_439 = arith.constant 0 : i32
    %dma_start3A_440 = tpu.memref_slice %arg7[%dma_start3A_436, %dma_start3A_438, %dma_start3A_439] : memref<2x224x16xf32, #tpu.memory_space<vmem>> -> memref<1x112x16xf32, #tpu.memory_space<vmem>>
    %dma_start3A_441 = tpu.memref_squeeze %dma_start3A_440 : memref<1x112x16xf32, #tpu.memory_space<vmem>> -> memref<112x16xf32, #tpu.memory_space<vmem>>
    %dma_start3A_442 = arith.constant 0 : i32
    %dma_start3A_443 = tpu.memref_slice %arg6[%dma_start3A_437, %dma_start3A_442] : memref<14x112xi32, #tpu.memory_space<vmem>> -> memref<1x112xi32, #tpu.memory_space<vmem>>
    %dma_start3A_444 = tpu.memref_squeeze %dma_start3A_443 : memref<1x112xi32, #tpu.memory_space<vmem>> -> memref<112xi32, #tpu.memory_space<vmem>>
    %dma_start3A_445 = arith.constant 0 : i32
    %dma_start3A_446 = arith.constant 0 : i32
    %dma_start3A_447 = tpu.memref_slice %arg8[%dma_start3A_445, %dma_start3A_446] : memref<128x16xf32, #tpu.memory_space<vmem_shared>> -> memref<128x16xf32, #tpu.memory_space<vmem_shared>>
    tpu.enqueue_indirect_dma source(%dma_start3A_441 : memref<112x16xf32, #tpu.memory_space<vmem>>) target(%dma_start3A_447 : memref<128x16xf32, #tpu.memory_space<vmem_shared>>) offsets(%dma_start3A_444 : memref<112xi32, #tpu.memory_space<vmem>>) semaphore(%arg10 : memref<!tpu.dma_semaphore, #tpu.memory_space<semaphore_mem>>) {add = true}
    %dma_start3A_448 = arith.constant 1 : i32
    %dma_start3A_449 = arith.constant 11 : i32
    %dma_start3A_450 = arith.constant 112 : i32
    %dma_start3A_451 = arith.constant 0 : i32
    %dma_start3A_452 = tpu.memref_slice %arg7[%dma_start3A_448, %dma_start3A_450, %dma_start3A_451] : memref<2x224x16xf32, #tpu.memory_space<vmem>> -> memref<1x112x16xf32, #tpu.memory_space<vmem>>
    %dma_start3A_453 = tpu.memref_squeeze %dma_start3A_452 : memref<1x112x16xf32, #tpu.memory_space<vmem>> -> memref<112x16xf32, #tpu.memory_space<vmem>>
    %dma_start3A_454 = arith.constant 0 : i32
    %dma_start3A_455 = tpu.memref_slice %arg6[%dma_start3A_449, %dma_start3A_454] : memref<14x112xi32, #tpu.memory_space<vmem>> -> memref<1x112xi32, #tpu.memory_space<vmem>>
    %dma_start3A_456 = tpu.memref_squeeze %dma_start3A_455 : memref<1x112xi32, #tpu.memory_space<vmem>> -> memref<112xi32, #tpu.memory_space<vmem>>
    %dma_start3A_457 = arith.constant 0 : i32
    %dma_start3A_458 = arith.constant 0 : i32
    %dma_start3A_459 = tpu.memref_slice %arg8[%dma_start3A_457, %dma_start3A_458] : memref<128x16xf32, #tpu.memory_space<vmem_shared>> -> memref<128x16xf32, #tpu.memory_space<vmem_shared>>
    tpu.enqueue_indirect_dma source(%dma_start3A_453 : memref<112x16xf32, #tpu.memory_space<vmem>>) target(%dma_start3A_459 : memref<128x16xf32, #tpu.memory_space<vmem_shared>>) offsets(%dma_start3A_456 : memref<112xi32, #tpu.memory_space<vmem>>) semaphore(%arg10 : memref<!tpu.dma_semaphore, #tpu.memory_space<semaphore_mem>>) {add = true}
    %dma_wait3A_460 = arith.constant 0 : i32
    %dma_wait3A_461 = arith.constant 0 : i32
    %dma_wait3A_462 = arith.constant 0 : i32
    %dma_wait3A_463 = tpu.memref_slice %arg7[%dma_wait3A_460, %dma_wait3A_461, %dma_wait3A_462] : memref<2x224x16xf32, #tpu.memory_space<vmem>> -> memref<1x224x16xf32, #tpu.memory_space<vmem>>
    %dma_wait3A_464 = tpu.memref_squeeze %dma_wait3A_463 : memref<1x224x16xf32, #tpu.memory_space<vmem>> -> memref<224x16xf32, #tpu.memory_space<vmem>>
    %dma_wait3A_465 = arith.constant 0 : i32
    %dma_wait3A_466 = tpu.memref_slice %arg2[%add3A_422, %dma_wait3A_465] : memref<50176x16xf32, #tpu.memory_space<hbm>> -> memref<224x16xf32, #tpu.memory_space<hbm>>
    %dma_wait3A_467 = arith.constant 0 : i32
    %dma_wait3A_468 = arith.constant 0 : i32
    %dma_wait3A_469 = tpu.memref_slice %arg7[%dma_wait3A_460, %dma_wait3A_467, %dma_wait3A_468] : memref<2x224x16xf32, #tpu.memory_space<vmem>> -> memref<1x224x16xf32, #tpu.memory_space<vmem>>
    %dma_wait3A_470 = tpu.memref_squeeze %dma_wait3A_469 : memref<1x224x16xf32, #tpu.memory_space<vmem>> -> memref<224x16xf32, #tpu.memory_space<vmem>>
    %dma_wait3A_471 = arith.constant 0 : i32
    %dma_wait3A_472 = tpu.memref_slice %arg2[%add3A_422, %dma_wait3A_471] : memref<50176x16xf32, #tpu.memory_space<hbm>> -> memref<224x16xf32, #tpu.memory_space<hbm>>
    tpu.wait_dma2 semaphore(%arg9 : memref<!tpu.dma_semaphore, #tpu.memory_space<semaphore_mem>>) src(%dma_wait3A_472 : memref<224x16xf32, #tpu.memory_space<hbm>>) dst(%dma_wait3A_470 : memref<224x16xf32, #tpu.memory_space<vmem>>)
    %dma_start3A_473 = arith.constant 0 : i32
    %dma_start3A_474 = arith.constant 12 : i32
    %dma_start3A_475 = arith.constant 0 : i32
    %dma_start3A_476 = arith.constant 0 : i32
    %dma_start3A_477 = tpu.memref_slice %arg7[%dma_start3A_473, %dma_start3A_475, %dma_start3A_476] : memref<2x224x16xf32, #tpu.memory_space<vmem>> -> memref<1x112x16xf32, #tpu.memory_space<vmem>>
    %dma_start3A_478 = tpu.memref_squeeze %dma_start3A_477 : memref<1x112x16xf32, #tpu.memory_space<vmem>> -> memref<112x16xf32, #tpu.memory_space<vmem>>
    %dma_start3A_479 = arith.constant 0 : i32
    %dma_start3A_480 = tpu.memref_slice %arg6[%dma_start3A_474, %dma_start3A_479] : memref<14x112xi32, #tpu.memory_space<vmem>> -> memref<1x112xi32, #tpu.memory_space<vmem>>
    %dma_start3A_481 = tpu.memref_squeeze %dma_start3A_480 : memref<1x112xi32, #tpu.memory_space<vmem>> -> memref<112xi32, #tpu.memory_space<vmem>>
    %dma_start3A_482 = arith.constant 0 : i32
    %dma_start3A_483 = arith.constant 0 : i32
    %dma_start3A_484 = tpu.memref_slice %arg8[%dma_start3A_482, %dma_start3A_483] : memref<128x16xf32, #tpu.memory_space<vmem_shared>> -> memref<128x16xf32, #tpu.memory_space<vmem_shared>>
    tpu.enqueue_indirect_dma source(%dma_start3A_478 : memref<112x16xf32, #tpu.memory_space<vmem>>) target(%dma_start3A_484 : memref<128x16xf32, #tpu.memory_space<vmem_shared>>) offsets(%dma_start3A_481 : memref<112xi32, #tpu.memory_space<vmem>>) semaphore(%arg10 : memref<!tpu.dma_semaphore, #tpu.memory_space<semaphore_mem>>) {add = true}
    %dma_start3A_485 = arith.constant 0 : i32
    %dma_start3A_486 = arith.constant 13 : i32
    %dma_start3A_487 = arith.constant 112 : i32
    %dma_start3A_488 = arith.constant 0 : i32
    %dma_start3A_489 = tpu.memref_slice %arg7[%dma_start3A_485, %dma_start3A_487, %dma_start3A_488] : memref<2x224x16xf32, #tpu.memory_space<vmem>> -> memref<1x112x16xf32, #tpu.memory_space<vmem>>
    %dma_start3A_490 = tpu.memref_squeeze %dma_start3A_489 : memref<1x112x16xf32, #tpu.memory_space<vmem>> -> memref<112x16xf32, #tpu.memory_space<vmem>>
    %dma_start3A_491 = arith.constant 0 : i32
    %dma_start3A_492 = tpu.memref_slice %arg6[%dma_start3A_486, %dma_start3A_491] : memref<14x112xi32, #tpu.memory_space<vmem>> -> memref<1x112xi32, #tpu.memory_space<vmem>>
    %dma_start3A_493 = tpu.memref_squeeze %dma_start3A_492 : memref<1x112xi32, #tpu.memory_space<vmem>> -> memref<112xi32, #tpu.memory_space<vmem>>
    %dma_start3A_494 = arith.constant 0 : i32
    %dma_start3A_495 = arith.constant 0 : i32
    %dma_start3A_496 = tpu.memref_slice %arg8[%dma_start3A_494, %dma_start3A_495] : memref<128x16xf32, #tpu.memory_space<vmem_shared>> -> memref<128x16xf32, #tpu.memory_space<vmem_shared>>
    tpu.enqueue_indirect_dma source(%dma_start3A_490 : memref<112x16xf32, #tpu.memory_space<vmem>>) target(%dma_start3A_496 : memref<128x16xf32, #tpu.memory_space<vmem_shared>>) offsets(%dma_start3A_493 : memref<112xi32, #tpu.memory_space<vmem>>) semaphore(%arg10 : memref<!tpu.dma_semaphore, #tpu.memory_space<semaphore_mem>>) {add = true}
    %dma_wait3A_497 = arith.constant 0 : i32
    %dma_wait3A_498 = arith.constant 12 : i32
    %dma_wait3A_499 = arith.constant 0 : i32
    %dma_wait3A_500 = arith.constant 0 : i32
    %dma_wait3A_501 = tpu.memref_slice %arg7[%dma_wait3A_497, %dma_wait3A_499, %dma_wait3A_500] : memref<2x224x16xf32, #tpu.memory_space<vmem>> -> memref<1x112x16xf32, #tpu.memory_space<vmem>>
    %dma_wait3A_502 = tpu.memref_squeeze %dma_wait3A_501 : memref<1x112x16xf32, #tpu.memory_space<vmem>> -> memref<112x16xf32, #tpu.memory_space<vmem>>
    %dma_wait3A_503 = arith.constant 0 : i32
    %dma_wait3A_504 = tpu.memref_slice %arg6[%dma_wait3A_498, %dma_wait3A_503] : memref<14x112xi32, #tpu.memory_space<vmem>> -> memref<1x112xi32, #tpu.memory_space<vmem>>
    %dma_wait3A_505 = tpu.memref_squeeze %dma_wait3A_504 : memref<1x112xi32, #tpu.memory_space<vmem>> -> memref<112xi32, #tpu.memory_space<vmem>>
    %dma_wait3A_506 = arith.constant 0 : i32
    %dma_wait3A_507 = arith.constant 0 : i32
    %dma_wait3A_508 = tpu.memref_slice %arg8[%dma_wait3A_506, %dma_wait3A_507] : memref<128x16xf32, #tpu.memory_space<vmem_shared>> -> memref<128x16xf32, #tpu.memory_space<vmem_shared>>
    tpu.wait_indirect_dma semaphore(%arg10 : memref<!tpu.dma_semaphore, #tpu.memory_space<semaphore_mem>>) src(%dma_wait3A_502 : memref<112x16xf32, #tpu.memory_space<vmem>>) dst(%dma_wait3A_508 : memref<128x16xf32, #tpu.memory_space<vmem_shared>>)
    %dma_wait3A_509 = arith.constant 0 : i32
    %dma_wait3A_510 = arith.constant 13 : i32
    %dma_wait3A_511 = arith.constant 112 : i32
    %dma_wait3A_512 = arith.constant 0 : i32
    %dma_wait3A_513 = tpu.memref_slice %arg7[%dma_wait3A_509, %dma_wait3A_511, %dma_wait3A_512] : memref<2x224x16xf32, #tpu.memory_space<vmem>> -> memref<1x112x16xf32, #tpu.memory_space<vmem>>
    %dma_wait3A_514 = tpu.memref_squeeze %dma_wait3A_513 : memref<1x112x16xf32, #tpu.memory_space<vmem>> -> memref<112x16xf32, #tpu.memory_space<vmem>>
    %dma_wait3A_515 = arith.constant 0 : i32
    %dma_wait3A_516 = tpu.memref_slice %arg6[%dma_wait3A_510, %dma_wait3A_515] : memref<14x112xi32, #tpu.memory_space<vmem>> -> memref<1x112xi32, #tpu.memory_space<vmem>>
    %dma_wait3A_517 = tpu.memref_squeeze %dma_wait3A_516 : memref<1x112xi32, #tpu.memory_space<vmem>> -> memref<112xi32, #tpu.memory_space<vmem>>
    %dma_wait3A_518 = arith.constant 0 : i32
    %dma_wait3A_519 = arith.constant 0 : i32
    %dma_wait3A_520 = tpu.memref_slice %arg8[%dma_wait3A_518, %dma_wait3A_519] : memref<128x16xf32, #tpu.memory_space<vmem_shared>> -> memref<128x16xf32, #tpu.memory_space<vmem_shared>>
    tpu.wait_indirect_dma semaphore(%arg10 : memref<!tpu.dma_semaphore, #tpu.memory_space<semaphore_mem>>) src(%dma_wait3A_514 : memref<112x16xf32, #tpu.memory_space<vmem>>) dst(%dma_wait3A_520 : memref<128x16xf32, #tpu.memory_space<vmem_shared>>)
    %dma_wait3A_521 = arith.constant 1 : i32
    %dma_wait3A_522 = arith.constant 10 : i32
    %dma_wait3A_523 = arith.constant 0 : i32
    %dma_wait3A_524 = arith.constant 0 : i32
    %dma_wait3A_525 = tpu.memref_slice %arg7[%dma_wait3A_521, %dma_wait3A_523, %dma_wait3A_524] : memref<2x224x16xf32, #tpu.memory_space<vmem>> -> memref<1x112x16xf32, #tpu.memory_space<vmem>>
    %dma_wait3A_526 = tpu.memref_squeeze %dma_wait3A_525 : memref<1x112x16xf32, #tpu.memory_space<vmem>> -> memref<112x16xf32, #tpu.memory_space<vmem>>
    %dma_wait3A_527 = arith.constant 0 : i32
    %dma_wait3A_528 = tpu.memref_slice %arg6[%dma_wait3A_522, %dma_wait3A_527] : memref<14x112xi32, #tpu.memory_space<vmem>> -> memref<1x112xi32, #tpu.memory_space<vmem>>
    %dma_wait3A_529 = tpu.memref_squeeze %dma_wait3A_528 : memref<1x112xi32, #tpu.memory_space<vmem>> -> memref<112xi32, #tpu.memory_space<vmem>>
    %dma_wait3A_530 = arith.constant 0 : i32
    %dma_wait3A_531 = arith.constant 0 : i32
    %dma_wait3A_532 = tpu.memref_slice %arg8[%dma_wait3A_530, %dma_wait3A_531] : memref<128x16xf32, #tpu.memory_space<vmem_shared>> -> memref<128x16xf32, #tpu.memory_space<vmem_shared>>
    tpu.wait_indirect_dma semaphore(%arg10 : memref<!tpu.dma_semaphore, #tpu.memory_space<semaphore_mem>>) src(%dma_wait3A_526 : memref<112x16xf32, #tpu.memory_space<vmem>>) dst(%dma_wait3A_532 : memref<128x16xf32, #tpu.memory_space<vmem_shared>>)
    %dma_wait3A_533 = arith.constant 1 : i32
    %dma_wait3A_534 = arith.constant 11 : i32
    %dma_wait3A_535 = arith.constant 112 : i32
    %dma_wait3A_536 = arith.constant 0 : i32
    %dma_wait3A_537 = tpu.memref_slice %arg7[%dma_wait3A_533, %dma_wait3A_535, %dma_wait3A_536] : memref<2x224x16xf32, #tpu.memory_space<vmem>> -> memref<1x112x16xf32, #tpu.memory_space<vmem>>
    %dma_wait3A_538 = tpu.memref_squeeze %dma_wait3A_537 : memref<1x112x16xf32, #tpu.memory_space<vmem>> -> memref<112x16xf32, #tpu.memory_space<vmem>>
    %dma_wait3A_539 = arith.constant 0 : i32
    %dma_wait3A_540 = tpu.memref_slice %arg6[%dma_wait3A_534, %dma_wait3A_539] : memref<14x112xi32, #tpu.memory_space<vmem>> -> memref<1x112xi32, #tpu.memory_space<vmem>>
    %dma_wait3A_541 = tpu.memref_squeeze %dma_wait3A_540 : memref<1x112xi32, #tpu.memory_space<vmem>> -> memref<112xi32, #tpu.memory_space<vmem>>
    %dma_wait3A_542 = arith.constant 0 : i32
    %dma_wait3A_543 = arith.constant 0 : i32
    %dma_wait3A_544 = tpu.memref_slice %arg8[%dma_wait3A_542, %dma_wait3A_543] : memref<128x16xf32, #tpu.memory_space<vmem_shared>> -> memref<128x16xf32, #tpu.memory_space<vmem_shared>>
    tpu.wait_indirect_dma semaphore(%arg10 : memref<!tpu.dma_semaphore, #tpu.memory_space<semaphore_mem>>) src(%dma_wait3A_538 : memref<112x16xf32, #tpu.memory_space<vmem>>) dst(%dma_wait3A_544 : memref<128x16xf32, #tpu.memory_space<vmem_shared>>)
    %barrier3A_545 = arith.constant 0 : index
    tpu.barrier barrier_id(%barrier3A_545)
    %eq3A_546 = arith.constant 0 : i32
    %eq3A_547 = arith.cmpi eq, %arg1, %eq3A_546 : i32
    %convert_element_type3A_548 = arith.extui %eq3A_547 : i1 to i32
    %cond3A_549 = arith.constant 0 : i32
    %cond3A_550 = arith.cmpi ne, %convert_element_type3A_548, %cond3A_549 : i32
    scf.if %cond3A_550 {
      "tpu.region"() ({
        %run_scoped3A = tpu.sem_alloc : memref<!tpu.dma_semaphore, #tpu.memory_space<semaphore_mem>>
        %dma_start3A_551 = arith.constant 0 : i32
        %dma_start3A_552 = arith.constant 0 : i32
        %dma_start3A_553 = tpu.memref_slice %arg5[%arg0, %dma_start3A_551, %dma_start3A_552] : memref<2x128x16xf32, #tpu.memory_space<hbm>> -> memref<1x128x16xf32, #tpu.memory_space<hbm>>
        %dma_start3A_554 = tpu.memref_squeeze %dma_start3A_553 : memref<1x128x16xf32, #tpu.memory_space<hbm>> -> memref<128x16xf32, #tpu.memory_space<hbm>>
        tpu.enqueue_dma source(%arg8 : memref<128x16xf32, #tpu.memory_space<vmem_shared>>) target(%dma_start3A_554 : memref<128x16xf32, #tpu.memory_space<hbm>>) target_semaphore(%run_scoped3A : memref<!tpu.dma_semaphore, #tpu.memory_space<semaphore_mem>>)
        %dma_wait3A_555 = arith.constant 0 : i32
        %dma_wait3A_556 = arith.constant 0 : i32
        %dma_wait3A_557 = tpu.memref_slice %arg5[%arg0, %dma_wait3A_555, %dma_wait3A_556] : memref<2x128x16xf32, #tpu.memory_space<hbm>> -> memref<1x128x16xf32, #tpu.memory_space<hbm>>
        %dma_wait3A_558 = tpu.memref_squeeze %dma_wait3A_557 : memref<1x128x16xf32, #tpu.memory_space<hbm>> -> memref<128x16xf32, #tpu.memory_space<hbm>>
        tpu.wait_dma2 semaphore(%run_scoped3A : memref<!tpu.dma_semaphore, #tpu.memory_space<semaphore_mem>>) src(%arg8 : memref<128x16xf32, #tpu.memory_space<vmem_shared>>) dst(%dma_wait3A_558 : memref<128x16xf32, #tpu.memory_space<hbm>>)
        tpu.yield
      }) : () -> ()
    } else {
    }
    return
  }
}

#map = affine_map<(d0, d1) -> (0, 0)>
#map1 = affine_map<(d0, d1) -> (0, 0, 0)>
module attributes {stable_mosaic.version = 14 : i64} {
  func.func @_segsum_body(%arg0: i32, %arg1: i32, %arg2: memref<50176x16xf32, #tpu.memory_space<hbm>>, %arg3: memref<32x14x112xi32, #tpu.memory_space<hbm>>, %arg4: memref<128x16xf32, #tpu.memory_space<hbm>>, %arg5: memref<2x128x16xf32, #tpu.memory_space<hbm>>, %arg6: memref<14x112xi32, #tpu.memory_space<vmem>>, %arg7: memref<2x224x16xf32, #tpu.memory_space<vmem>>, %arg8: memref<128x16xf32, #tpu.memory_space<vmem_shared>>, %arg9: memref<!tpu.dma_semaphore, #tpu.memory_space<semaphore_mem>>, %arg10: memref<!tpu.dma_semaphore, #tpu.memory_space<semaphore_mem>>) attributes {dimension_semantics = [#tpu.dimension_semantics<core_parallel>, #tpu.dimension_semantics<subcore_parallel>], iteration_bounds = array<i64: 2, 16>, scalar_prefetch = 0 : i64, scratch_operands = 5 : i64, tpu.core_type = #tpu.core_type<sc_vector_subcore>, window_params = [{transform_indices = #map}, {transform_indices = #map1}, {transform_indices = #map}, {transform_indices = #map1}]} {
    %mul3A = arith.constant 2 : i32
    %mul3A_0 = arith.muli %arg1, %mul3A : i32
    %add3A = arith.addi %mul3A_0, %arg0 : i32
    %eq3A = arith.constant 0 : i32
    %eq3A_1 = arith.cmpi eq, %arg1, %eq3A : i32
    %convert_element_type3A = arith.extui %eq3A_1 : i1 to i32
    %cond3A = arith.constant 0 : i32
    %cond3A_2 = arith.cmpi ne, %convert_element_type3A, %cond3A : i32
    scf.if %cond3A_2 {
      "tpu.region"() ({
        %run_scoped3A = tpu.sem_alloc : memref<!tpu.dma_semaphore, #tpu.memory_space<semaphore_mem>>
        tpu.enqueue_dma source(%arg4 : memref<128x16xf32, #tpu.memory_space<hbm>>) target(%arg8 : memref<128x16xf32, #tpu.memory_space<vmem_shared>>) target_semaphore(%run_scoped3A : memref<!tpu.dma_semaphore, #tpu.memory_space<semaphore_mem>>)
        tpu.wait_dma2 semaphore(%run_scoped3A : memref<!tpu.dma_semaphore, #tpu.memory_space<semaphore_mem>>) src(%arg4 : memref<128x16xf32, #tpu.memory_space<hbm>>) dst(%arg8 : memref<128x16xf32, #tpu.memory_space<vmem_shared>>)
        tpu.yield
      }) : () -> ()
    } else {
    }
    %mul3A_3 = arith.constant 1568 : i32
    %mul3A_4 = arith.muli %add3A, %mul3A_3 : i32
    %dma_start3A = arith.constant 0 : i32
    %dma_start3A_5 = arith.constant 0 : i32
    %dma_start3A_6 = arith.constant 0 : i32
    %dma_start3A_7 = tpu.memref_slice %arg7[%dma_start3A, %dma_start3A_5, %dma_start3A_6] : memref<2x224x16xf32, #tpu.memory_space<vmem>> -> memref<1x224x16xf32, #tpu.memory_space<vmem>>
    %dma_start3A_8 = tpu.memref_squeeze %dma_start3A_7 : memref<1x224x16xf32, #tpu.memory_space<vmem>> -> memref<224x16xf32, #tpu.memory_space<vmem>>
    %dma_start3A_9 = arith.constant 0 : i32
    %dma_start3A_10 = tpu.memref_slice %arg2[%mul3A_4, %dma_start3A_9] : memref<50176x16xf32, #tpu.memory_space<hbm>> -> memref<224x16xf32, #tpu.memory_space<hbm>>
    %dma_start3A_11 = arith.constant 0 : i32
    %dma_start3A_12 = arith.constant 0 : i32
    %dma_start3A_13 = tpu.memref_slice %arg7[%dma_start3A, %dma_start3A_11, %dma_start3A_12] : memref<2x224x16xf32, #tpu.memory_space<vmem>> -> memref<1x224x16xf32, #tpu.memory_space<vmem>>
    %dma_start3A_14 = tpu.memref_squeeze %dma_start3A_13 : memref<1x224x16xf32, #tpu.memory_space<vmem>> -> memref<224x16xf32, #tpu.memory_space<vmem>>
    %dma_start3A_15 = arith.constant 0 : i32
    %dma_start3A_16 = tpu.memref_slice %arg2[%mul3A_4, %dma_start3A_15] : memref<50176x16xf32, #tpu.memory_space<hbm>> -> memref<224x16xf32, #tpu.memory_space<hbm>>
    tpu.enqueue_dma source(%dma_start3A_16 : memref<224x16xf32, #tpu.memory_space<hbm>>) target(%dma_start3A_14 : memref<224x16xf32, #tpu.memory_space<vmem>>) target_semaphore(%arg9 : memref<!tpu.dma_semaphore, #tpu.memory_space<semaphore_mem>>)
    "tpu.region"() ({
      %run_scoped3A = tpu.sem_alloc : memref<!tpu.dma_semaphore, #tpu.memory_space<semaphore_mem>>
      %dma_start3A_551 = arith.constant 0 : i32
      %dma_start3A_552 = arith.constant 0 : i32
      %dma_start3A_553 = tpu.memref_slice %arg3[%add3A, %dma_start3A_551, %dma_start3A_552] : memref<32x14x112xi32, #tpu.memory_space<hbm>> -> memref<1x14x112xi32, #tpu.memory_space<hbm>>
      %dma_start3A_554 = tpu.memref_squeeze %dma_start3A_553 : memref<1x14x112xi32, #tpu.memory_space<hbm>> -> memref<14x112xi32, #tpu.memory_space<hbm>>
      %dma_start3A_555 = arith.constant 0 : i32
      %dma_start3A_556 = arith.constant 0 : i32
      %dma_start3A_557 = tpu.memref_slice %arg3[%add3A, %dma_start3A_555, %dma_start3A_556] : memref<32x14x112xi32, #tpu.memory_space<hbm>> -> memref<1x14x112xi32, #tpu.memory_space<hbm>>
      %dma_start3A_558 = tpu.memref_squeeze %dma_start3A_557 : memref<1x14x112xi32, #tpu.memory_space<hbm>> -> memref<14x112xi32, #tpu.memory_space<hbm>>
      tpu.enqueue_dma source(%dma_start3A_558 : memref<14x112xi32, #tpu.memory_space<hbm>>) target(%arg6 : memref<14x112xi32, #tpu.memory_space<vmem>>) target_semaphore(%run_scoped3A : memref<!tpu.dma_semaphore, #tpu.memory_space<semaphore_mem>>)
      %dma_wait3A_559 = arith.constant 0 : i32
      %dma_wait3A_560 = arith.constant 0 : i32
      %dma_wait3A_561 = tpu.memref_slice %arg3[%add3A, %dma_wait3A_559, %dma_wait3A_560] : memref<32x14x112xi32, #tpu.memory_space<hbm>> -> memref<1x14x112xi32, #tpu.memory_space<hbm>>
      %dma_wait3A_562 = tpu.memref_squeeze %dma_wait3A_561 : memref<1x14x112xi32, #tpu.memory_space<hbm>> -> memref<14x112xi32, #tpu.memory_space<hbm>>
      %dma_wait3A_563 = arith.constant 0 : i32
      %dma_wait3A_564 = arith.constant 0 : i32
      %dma_wait3A_565 = tpu.memref_slice %arg3[%add3A, %dma_wait3A_563, %dma_wait3A_564] : memref<32x14x112xi32, #tpu.memory_space<hbm>> -> memref<1x14x112xi32, #tpu.memory_space<hbm>>
      %dma_wait3A_566 = tpu.memref_squeeze %dma_wait3A_565 : memref<1x14x112xi32, #tpu.memory_space<hbm>> -> memref<14x112xi32, #tpu.memory_space<hbm>>
      tpu.wait_dma2 semaphore(%run_scoped3A : memref<!tpu.dma_semaphore, #tpu.memory_space<semaphore_mem>>) src(%dma_wait3A_566 : memref<14x112xi32, #tpu.memory_space<hbm>>) dst(%arg6 : memref<14x112xi32, #tpu.memory_space<vmem>>)
      tpu.yield
    }) : () -> ()
    %barrier3A = arith.constant 0 : index
    tpu.barrier barrier_id(%barrier3A)
    %dma_wait3A = arith.constant 0 : i32
    %dma_wait3A_17 = arith.constant 0 : i32
    %dma_wait3A_18 = arith.constant 0 : i32
    %dma_wait3A_19 = tpu.memref_slice %arg7[%dma_wait3A, %dma_wait3A_17, %dma_wait3A_18] : memref<2x224x16xf32, #tpu.memory_space<vmem>> -> memref<1x224x16xf32, #tpu.memory_space<vmem>>
    %dma_wait3A_20 = tpu.memref_squeeze %dma_wait3A_19 : memref<1x224x16xf32, #tpu.memory_space<vmem>> -> memref<224x16xf32, #tpu.memory_space<vmem>>
    %dma_wait3A_21 = arith.constant 0 : i32
    %dma_wait3A_22 = tpu.memref_slice %arg2[%mul3A_4, %dma_wait3A_21] : memref<50176x16xf32, #tpu.memory_space<hbm>> -> memref<224x16xf32, #tpu.memory_space<hbm>>
    %dma_wait3A_23 = arith.constant 0 : i32
    %dma_wait3A_24 = arith.constant 0 : i32
    %dma_wait3A_25 = tpu.memref_slice %arg7[%dma_wait3A, %dma_wait3A_23, %dma_wait3A_24] : memref<2x224x16xf32, #tpu.memory_space<vmem>> -> memref<1x224x16xf32, #tpu.memory_space<vmem>>
    %dma_wait3A_26 = tpu.memref_squeeze %dma_wait3A_25 : memref<1x224x16xf32, #tpu.memory_space<vmem>> -> memref<224x16xf32, #tpu.memory_space<vmem>>
    %dma_wait3A_27 = arith.constant 0 : i32
    %dma_wait3A_28 = tpu.memref_slice %arg2[%mul3A_4, %dma_wait3A_27] : memref<50176x16xf32, #tpu.memory_space<hbm>> -> memref<224x16xf32, #tpu.memory_space<hbm>>
    tpu.wait_dma2 semaphore(%arg9 : memref<!tpu.dma_semaphore, #tpu.memory_space<semaphore_mem>>) src(%dma_wait3A_28 : memref<224x16xf32, #tpu.memory_space<hbm>>) dst(%dma_wait3A_26 : memref<224x16xf32, #tpu.memory_space<vmem>>)
    %mul3A_29 = arith.constant 1568 : i32
    %mul3A_30 = arith.muli %add3A, %mul3A_29 : i32
    %add3A_31 = arith.constant 224 : i32
    %add3A_32 = arith.addi %mul3A_30, %add3A_31 : i32
    %dma_start3A_33 = arith.constant 1 : i32
    %dma_start3A_34 = arith.constant 0 : i32
    %dma_start3A_35 = arith.constant 0 : i32
    %dma_start3A_36 = tpu.memref_slice %arg7[%dma_start3A_33, %dma_start3A_34, %dma_start3A_35] : memref<2x224x16xf32, #tpu.memory_space<vmem>> -> memref<1x224x16xf32, #tpu.memory_space<vmem>>
    %dma_start3A_37 = tpu.memref_squeeze %dma_start3A_36 : memref<1x224x16xf32, #tpu.memory_space<vmem>> -> memref<224x16xf32, #tpu.memory_space<vmem>>
    %dma_start3A_38 = arith.constant 0 : i32
    %dma_start3A_39 = tpu.memref_slice %arg2[%add3A_32, %dma_start3A_38] : memref<50176x16xf32, #tpu.memory_space<hbm>> -> memref<224x16xf32, #tpu.memory_space<hbm>>
    %dma_start3A_40 = arith.constant 0 : i32
    %dma_start3A_41 = arith.constant 0 : i32
    %dma_start3A_42 = tpu.memref_slice %arg7[%dma_start3A_33, %dma_start3A_40, %dma_start3A_41] : memref<2x224x16xf32, #tpu.memory_space<vmem>> -> memref<1x224x16xf32, #tpu.memory_space<vmem>>
    %dma_start3A_43 = tpu.memref_squeeze %dma_start3A_42 : memref<1x224x16xf32, #tpu.memory_space<vmem>> -> memref<224x16xf32, #tpu.memory_space<vmem>>
    %dma_start3A_44 = arith.constant 0 : i32
    %dma_start3A_45 = tpu.memref_slice %arg2[%add3A_32, %dma_start3A_44] : memref<50176x16xf32, #tpu.memory_space<hbm>> -> memref<224x16xf32, #tpu.memory_space<hbm>>
    tpu.enqueue_dma source(%dma_start3A_45 : memref<224x16xf32, #tpu.memory_space<hbm>>) target(%dma_start3A_43 : memref<224x16xf32, #tpu.memory_space<vmem>>) target_semaphore(%arg9 : memref<!tpu.dma_semaphore, #tpu.memory_space<semaphore_mem>>)
    %dma_start3A_46 = arith.constant 0 : i32
    %dma_start3A_47 = arith.constant 0 : i32
    %dma_start3A_48 = arith.constant 0 : i32
    %dma_start3A_49 = arith.constant 0 : i32
    %dma_start3A_50 = tpu.memref_slice %arg7[%dma_start3A_46, %dma_start3A_48, %dma_start3A_49] : memref<2x224x16xf32, #tpu.memory_space<vmem>> -> memref<1x112x16xf32, #tpu.memory_space<vmem>>
    %dma_start3A_51 = tpu.memref_squeeze %dma_start3A_50 : memref<1x112x16xf32, #tpu.memory_space<vmem>> -> memref<112x16xf32, #tpu.memory_space<vmem>>
    %dma_start3A_52 = arith.constant 0 : i32
    %dma_start3A_53 = tpu.memref_slice %arg6[%dma_start3A_47, %dma_start3A_52] : memref<14x112xi32, #tpu.memory_space<vmem>> -> memref<1x112xi32, #tpu.memory_space<vmem>>
    %dma_start3A_54 = tpu.memref_squeeze %dma_start3A_53 : memref<1x112xi32, #tpu.memory_space<vmem>> -> memref<112xi32, #tpu.memory_space<vmem>>
    %dma_start3A_55 = arith.constant 0 : i32
    %dma_start3A_56 = arith.constant 0 : i32
    %dma_start3A_57 = tpu.memref_slice %arg8[%dma_start3A_55, %dma_start3A_56] : memref<128x16xf32, #tpu.memory_space<vmem_shared>> -> memref<128x16xf32, #tpu.memory_space<vmem_shared>>
    tpu.enqueue_indirect_dma source(%dma_start3A_51 : memref<112x16xf32, #tpu.memory_space<vmem>>) target(%dma_start3A_57 : memref<128x16xf32, #tpu.memory_space<vmem_shared>>) offsets(%dma_start3A_54 : memref<112xi32, #tpu.memory_space<vmem>>) semaphore(%arg10 : memref<!tpu.dma_semaphore, #tpu.memory_space<semaphore_mem>>) {add = true}
    %dma_start3A_58 = arith.constant 0 : i32
    %dma_start3A_59 = arith.constant 1 : i32
    %dma_start3A_60 = arith.constant 112 : i32
    %dma_start3A_61 = arith.constant 0 : i32
    %dma_start3A_62 = tpu.memref_slice %arg7[%dma_start3A_58, %dma_start3A_60, %dma_start3A_61] : memref<2x224x16xf32, #tpu.memory_space<vmem>> -> memref<1x112x16xf32, #tpu.memory_space<vmem>>
    %dma_start3A_63 = tpu.memref_squeeze %dma_start3A_62 : memref<1x112x16xf32, #tpu.memory_space<vmem>> -> memref<112x16xf32, #tpu.memory_space<vmem>>
    %dma_start3A_64 = arith.constant 0 : i32
    %dma_start3A_65 = tpu.memref_slice %arg6[%dma_start3A_59, %dma_start3A_64] : memref<14x112xi32, #tpu.memory_space<vmem>> -> memref<1x112xi32, #tpu.memory_space<vmem>>
    %dma_start3A_66 = tpu.memref_squeeze %dma_start3A_65 : memref<1x112xi32, #tpu.memory_space<vmem>> -> memref<112xi32, #tpu.memory_space<vmem>>
    %dma_start3A_67 = arith.constant 0 : i32
    %dma_start3A_68 = arith.constant 0 : i32
    %dma_start3A_69 = tpu.memref_slice %arg8[%dma_start3A_67, %dma_start3A_68] : memref<128x16xf32, #tpu.memory_space<vmem_shared>> -> memref<128x16xf32, #tpu.memory_space<vmem_shared>>
    tpu.enqueue_indirect_dma source(%dma_start3A_63 : memref<112x16xf32, #tpu.memory_space<vmem>>) target(%dma_start3A_69 : memref<128x16xf32, #tpu.memory_space<vmem_shared>>) offsets(%dma_start3A_66 : memref<112xi32, #tpu.memory_space<vmem>>) semaphore(%arg10 : memref<!tpu.dma_semaphore, #tpu.memory_space<semaphore_mem>>) {add = true}
    %dma_wait3A_70 = arith.constant 1 : i32
    %dma_wait3A_71 = arith.constant 0 : i32
    %dma_wait3A_72 = arith.constant 0 : i32
    %dma_wait3A_73 = tpu.memref_slice %arg7[%dma_wait3A_70, %dma_wait3A_71, %dma_wait3A_72] : memref<2x224x16xf32, #tpu.memory_space<vmem>> -> memref<1x224x16xf32, #tpu.memory_space<vmem>>
    %dma_wait3A_74 = tpu.memref_squeeze %dma_wait3A_73 : memref<1x224x16xf32, #tpu.memory_space<vmem>> -> memref<224x16xf32, #tpu.memory_space<vmem>>
    %dma_wait3A_75 = arith.constant 0 : i32
    %dma_wait3A_76 = tpu.memref_slice %arg2[%add3A_32, %dma_wait3A_75] : memref<50176x16xf32, #tpu.memory_space<hbm>> -> memref<224x16xf32, #tpu.memory_space<hbm>>
    %dma_wait3A_77 = arith.constant 0 : i32
    %dma_wait3A_78 = arith.constant 0 : i32
    %dma_wait3A_79 = tpu.memref_slice %arg7[%dma_wait3A_70, %dma_wait3A_77, %dma_wait3A_78] : memref<2x224x16xf32, #tpu.memory_space<vmem>> -> memref<1x224x16xf32, #tpu.memory_space<vmem>>
    %dma_wait3A_80 = tpu.memref_squeeze %dma_wait3A_79 : memref<1x224x16xf32, #tpu.memory_space<vmem>> -> memref<224x16xf32, #tpu.memory_space<vmem>>
    %dma_wait3A_81 = arith.constant 0 : i32
    %dma_wait3A_82 = tpu.memref_slice %arg2[%add3A_32, %dma_wait3A_81] : memref<50176x16xf32, #tpu.memory_space<hbm>> -> memref<224x16xf32, #tpu.memory_space<hbm>>
    tpu.wait_dma2 semaphore(%arg9 : memref<!tpu.dma_semaphore, #tpu.memory_space<semaphore_mem>>) src(%dma_wait3A_82 : memref<224x16xf32, #tpu.memory_space<hbm>>) dst(%dma_wait3A_80 : memref<224x16xf32, #tpu.memory_space<vmem>>)
    %dma_wait3A_83 = arith.constant 0 : i32
    %dma_wait3A_84 = arith.constant 0 : i32
    %dma_wait3A_85 = arith.constant 0 : i32
    %dma_wait3A_86 = arith.constant 0 : i32
    %dma_wait3A_87 = tpu.memref_slice %arg7[%dma_wait3A_83, %dma_wait3A_85, %dma_wait3A_86] : memref<2x224x16xf32, #tpu.memory_space<vmem>> -> memref<1x112x16xf32, #tpu.memory_space<vmem>>
    %dma_wait3A_88 = tpu.memref_squeeze %dma_wait3A_87 : memref<1x112x16xf32, #tpu.memory_space<vmem>> -> memref<112x16xf32, #tpu.memory_space<vmem>>
    %dma_wait3A_89 = arith.constant 0 : i32
    %dma_wait3A_90 = tpu.memref_slice %arg6[%dma_wait3A_84, %dma_wait3A_89] : memref<14x112xi32, #tpu.memory_space<vmem>> -> memref<1x112xi32, #tpu.memory_space<vmem>>
    %dma_wait3A_91 = tpu.memref_squeeze %dma_wait3A_90 : memref<1x112xi32, #tpu.memory_space<vmem>> -> memref<112xi32, #tpu.memory_space<vmem>>
    %dma_wait3A_92 = arith.constant 0 : i32
    %dma_wait3A_93 = arith.constant 0 : i32
    %dma_wait3A_94 = tpu.memref_slice %arg8[%dma_wait3A_92, %dma_wait3A_93] : memref<128x16xf32, #tpu.memory_space<vmem_shared>> -> memref<128x16xf32, #tpu.memory_space<vmem_shared>>
    tpu.wait_indirect_dma semaphore(%arg10 : memref<!tpu.dma_semaphore, #tpu.memory_space<semaphore_mem>>) src(%dma_wait3A_88 : memref<112x16xf32, #tpu.memory_space<vmem>>) dst(%dma_wait3A_94 : memref<128x16xf32, #tpu.memory_space<vmem_shared>>)
    %dma_wait3A_95 = arith.constant 0 : i32
    %dma_wait3A_96 = arith.constant 1 : i32
    %dma_wait3A_97 = arith.constant 112 : i32
    %dma_wait3A_98 = arith.constant 0 : i32
    %dma_wait3A_99 = tpu.memref_slice %arg7[%dma_wait3A_95, %dma_wait3A_97, %dma_wait3A_98] : memref<2x224x16xf32, #tpu.memory_space<vmem>> -> memref<1x112x16xf32, #tpu.memory_space<vmem>>
    %dma_wait3A_100 = tpu.memref_squeeze %dma_wait3A_99 : memref<1x112x16xf32, #tpu.memory_space<vmem>> -> memref<112x16xf32, #tpu.memory_space<vmem>>
    %dma_wait3A_101 = arith.constant 0 : i32
    %dma_wait3A_102 = tpu.memref_slice %arg6[%dma_wait3A_96, %dma_wait3A_101] : memref<14x112xi32, #tpu.memory_space<vmem>> -> memref<1x112xi32, #tpu.memory_space<vmem>>
    %dma_wait3A_103 = tpu.memref_squeeze %dma_wait3A_102 : memref<1x112xi32, #tpu.memory_space<vmem>> -> memref<112xi32, #tpu.memory_space<vmem>>
    %dma_wait3A_104 = arith.constant 0 : i32
    %dma_wait3A_105 = arith.constant 0 : i32
    %dma_wait3A_106 = tpu.memref_slice %arg8[%dma_wait3A_104, %dma_wait3A_105] : memref<128x16xf32, #tpu.memory_space<vmem_shared>> -> memref<128x16xf32, #tpu.memory_space<vmem_shared>>
    tpu.wait_indirect_dma semaphore(%arg10 : memref<!tpu.dma_semaphore, #tpu.memory_space<semaphore_mem>>) src(%dma_wait3A_100 : memref<112x16xf32, #tpu.memory_space<vmem>>) dst(%dma_wait3A_106 : memref<128x16xf32, #tpu.memory_space<vmem_shared>>)
    %mul3A_107 = arith.constant 1568 : i32
    %mul3A_108 = arith.muli %add3A, %mul3A_107 : i32
    %add3A_109 = arith.constant 448 : i32
    %add3A_110 = arith.addi %mul3A_108, %add3A_109 : i32
    %dma_start3A_111 = arith.constant 0 : i32
    %dma_start3A_112 = arith.constant 0 : i32
    %dma_start3A_113 = arith.constant 0 : i32
    %dma_start3A_114 = tpu.memref_slice %arg7[%dma_start3A_111, %dma_start3A_112, %dma_start3A_113] : memref<2x224x16xf32, #tpu.memory_space<vmem>> -> memref<1x224x16xf32, #tpu.memory_space<vmem>>
    %dma_start3A_115 = tpu.memref_squeeze %dma_start3A_114 : memref<1x224x16xf32, #tpu.memory_space<vmem>> -> memref<224x16xf32, #tpu.memory_space<vmem>>
    %dma_start3A_116 = arith.constant 0 : i32
    %dma_start3A_117 = tpu.memref_slice %arg2[%add3A_110, %dma_start3A_116] : memref<50176x16xf32, #tpu.memory_space<hbm>> -> memref<224x16xf32, #tpu.memory_space<hbm>>
    %dma_start3A_118 = arith.constant 0 : i32
    %dma_start3A_119 = arith.constant 0 : i32
    %dma_start3A_120 = tpu.memref_slice %arg7[%dma_start3A_111, %dma_start3A_118, %dma_start3A_119] : memref<2x224x16xf32, #tpu.memory_space<vmem>> -> memref<1x224x16xf32, #tpu.memory_space<vmem>>
    %dma_start3A_121 = tpu.memref_squeeze %dma_start3A_120 : memref<1x224x16xf32, #tpu.memory_space<vmem>> -> memref<224x16xf32, #tpu.memory_space<vmem>>
    %dma_start3A_122 = arith.constant 0 : i32
    %dma_start3A_123 = tpu.memref_slice %arg2[%add3A_110, %dma_start3A_122] : memref<50176x16xf32, #tpu.memory_space<hbm>> -> memref<224x16xf32, #tpu.memory_space<hbm>>
    tpu.enqueue_dma source(%dma_start3A_123 : memref<224x16xf32, #tpu.memory_space<hbm>>) target(%dma_start3A_121 : memref<224x16xf32, #tpu.memory_space<vmem>>) target_semaphore(%arg9 : memref<!tpu.dma_semaphore, #tpu.memory_space<semaphore_mem>>)
    %dma_start3A_124 = arith.constant 1 : i32
    %dma_start3A_125 = arith.constant 2 : i32
    %dma_start3A_126 = arith.constant 0 : i32
    %dma_start3A_127 = arith.constant 0 : i32
    %dma_start3A_128 = tpu.memref_slice %arg7[%dma_start3A_124, %dma_start3A_126, %dma_start3A_127] : memref<2x224x16xf32, #tpu.memory_space<vmem>> -> memref<1x112x16xf32, #tpu.memory_space<vmem>>
    %dma_start3A_129 = tpu.memref_squeeze %dma_start3A_128 : memref<1x112x16xf32, #tpu.memory_space<vmem>> -> memref<112x16xf32, #tpu.memory_space<vmem>>
    %dma_start3A_130 = arith.constant 0 : i32
    %dma_start3A_131 = tpu.memref_slice %arg6[%dma_start3A_125, %dma_start3A_130] : memref<14x112xi32, #tpu.memory_space<vmem>> -> memref<1x112xi32, #tpu.memory_space<vmem>>
    %dma_start3A_132 = tpu.memref_squeeze %dma_start3A_131 : memref<1x112xi32, #tpu.memory_space<vmem>> -> memref<112xi32, #tpu.memory_space<vmem>>
    %dma_start3A_133 = arith.constant 0 : i32
    %dma_start3A_134 = arith.constant 0 : i32
    %dma_start3A_135 = tpu.memref_slice %arg8[%dma_start3A_133, %dma_start3A_134] : memref<128x16xf32, #tpu.memory_space<vmem_shared>> -> memref<128x16xf32, #tpu.memory_space<vmem_shared>>
    tpu.enqueue_indirect_dma source(%dma_start3A_129 : memref<112x16xf32, #tpu.memory_space<vmem>>) target(%dma_start3A_135 : memref<128x16xf32, #tpu.memory_space<vmem_shared>>) offsets(%dma_start3A_132 : memref<112xi32, #tpu.memory_space<vmem>>) semaphore(%arg10 : memref<!tpu.dma_semaphore, #tpu.memory_space<semaphore_mem>>) {add = true}
    %dma_start3A_136 = arith.constant 1 : i32
    %dma_start3A_137 = arith.constant 3 : i32
    %dma_start3A_138 = arith.constant 112 : i32
    %dma_start3A_139 = arith.constant 0 : i32
    %dma_start3A_140 = tpu.memref_slice %arg7[%dma_start3A_136, %dma_start3A_138, %dma_start3A_139] : memref<2x224x16xf32, #tpu.memory_space<vmem>> -> memref<1x112x16xf32, #tpu.memory_space<vmem>>
    %dma_start3A_141 = tpu.memref_squeeze %dma_start3A_140 : memref<1x112x16xf32, #tpu.memory_space<vmem>> -> memref<112x16xf32, #tpu.memory_space<vmem>>
    %dma_start3A_142 = arith.constant 0 : i32
    %dma_start3A_143 = tpu.memref_slice %arg6[%dma_start3A_137, %dma_start3A_142] : memref<14x112xi32, #tpu.memory_space<vmem>> -> memref<1x112xi32, #tpu.memory_space<vmem>>
    %dma_start3A_144 = tpu.memref_squeeze %dma_start3A_143 : memref<1x112xi32, #tpu.memory_space<vmem>> -> memref<112xi32, #tpu.memory_space<vmem>>
    %dma_start3A_145 = arith.constant 0 : i32
    %dma_start3A_146 = arith.constant 0 : i32
    %dma_start3A_147 = tpu.memref_slice %arg8[%dma_start3A_145, %dma_start3A_146] : memref<128x16xf32, #tpu.memory_space<vmem_shared>> -> memref<128x16xf32, #tpu.memory_space<vmem_shared>>
    tpu.enqueue_indirect_dma source(%dma_start3A_141 : memref<112x16xf32, #tpu.memory_space<vmem>>) target(%dma_start3A_147 : memref<128x16xf32, #tpu.memory_space<vmem_shared>>) offsets(%dma_start3A_144 : memref<112xi32, #tpu.memory_space<vmem>>) semaphore(%arg10 : memref<!tpu.dma_semaphore, #tpu.memory_space<semaphore_mem>>) {add = true}
    %dma_wait3A_148 = arith.constant 0 : i32
    %dma_wait3A_149 = arith.constant 0 : i32
    %dma_wait3A_150 = arith.constant 0 : i32
    %dma_wait3A_151 = tpu.memref_slice %arg7[%dma_wait3A_148, %dma_wait3A_149, %dma_wait3A_150] : memref<2x224x16xf32, #tpu.memory_space<vmem>> -> memref<1x224x16xf32, #tpu.memory_space<vmem>>
    %dma_wait3A_152 = tpu.memref_squeeze %dma_wait3A_151 : memref<1x224x16xf32, #tpu.memory_space<vmem>> -> memref<224x16xf32, #tpu.memory_space<vmem>>
    %dma_wait3A_153 = arith.constant 0 : i32
    %dma_wait3A_154 = tpu.memref_slice %arg2[%add3A_110, %dma_wait3A_153] : memref<50176x16xf32, #tpu.memory_space<hbm>> -> memref<224x16xf32, #tpu.memory_space<hbm>>
    %dma_wait3A_155 = arith.constant 0 : i32
    %dma_wait3A_156 = arith.constant 0 : i32
    %dma_wait3A_157 = tpu.memref_slice %arg7[%dma_wait3A_148, %dma_wait3A_155, %dma_wait3A_156] : memref<2x224x16xf32, #tpu.memory_space<vmem>> -> memref<1x224x16xf32, #tpu.memory_space<vmem>>
    %dma_wait3A_158 = tpu.memref_squeeze %dma_wait3A_157 : memref<1x224x16xf32, #tpu.memory_space<vmem>> -> memref<224x16xf32, #tpu.memory_space<vmem>>
    %dma_wait3A_159 = arith.constant 0 : i32
    %dma_wait3A_160 = tpu.memref_slice %arg2[%add3A_110, %dma_wait3A_159] : memref<50176x16xf32, #tpu.memory_space<hbm>> -> memref<224x16xf32, #tpu.memory_space<hbm>>
    tpu.wait_dma2 semaphore(%arg9 : memref<!tpu.dma_semaphore, #tpu.memory_space<semaphore_mem>>) src(%dma_wait3A_160 : memref<224x16xf32, #tpu.memory_space<hbm>>) dst(%dma_wait3A_158 : memref<224x16xf32, #tpu.memory_space<vmem>>)
    %dma_wait3A_161 = arith.constant 1 : i32
    %dma_wait3A_162 = arith.constant 2 : i32
    %dma_wait3A_163 = arith.constant 0 : i32
    %dma_wait3A_164 = arith.constant 0 : i32
    %dma_wait3A_165 = tpu.memref_slice %arg7[%dma_wait3A_161, %dma_wait3A_163, %dma_wait3A_164] : memref<2x224x16xf32, #tpu.memory_space<vmem>> -> memref<1x112x16xf32, #tpu.memory_space<vmem>>
    %dma_wait3A_166 = tpu.memref_squeeze %dma_wait3A_165 : memref<1x112x16xf32, #tpu.memory_space<vmem>> -> memref<112x16xf32, #tpu.memory_space<vmem>>
    %dma_wait3A_167 = arith.constant 0 : i32
    %dma_wait3A_168 = tpu.memref_slice %arg6[%dma_wait3A_162, %dma_wait3A_167] : memref<14x112xi32, #tpu.memory_space<vmem>> -> memref<1x112xi32, #tpu.memory_space<vmem>>
    %dma_wait3A_169 = tpu.memref_squeeze %dma_wait3A_168 : memref<1x112xi32, #tpu.memory_space<vmem>> -> memref<112xi32, #tpu.memory_space<vmem>>
    %dma_wait3A_170 = arith.constant 0 : i32
    %dma_wait3A_171 = arith.constant 0 : i32
    %dma_wait3A_172 = tpu.memref_slice %arg8[%dma_wait3A_170, %dma_wait3A_171] : memref<128x16xf32, #tpu.memory_space<vmem_shared>> -> memref<128x16xf32, #tpu.memory_space<vmem_shared>>
    tpu.wait_indirect_dma semaphore(%arg10 : memref<!tpu.dma_semaphore, #tpu.memory_space<semaphore_mem>>) src(%dma_wait3A_166 : memref<112x16xf32, #tpu.memory_space<vmem>>) dst(%dma_wait3A_172 : memref<128x16xf32, #tpu.memory_space<vmem_shared>>)
    %dma_wait3A_173 = arith.constant 1 : i32
    %dma_wait3A_174 = arith.constant 3 : i32
    %dma_wait3A_175 = arith.constant 112 : i32
    %dma_wait3A_176 = arith.constant 0 : i32
    %dma_wait3A_177 = tpu.memref_slice %arg7[%dma_wait3A_173, %dma_wait3A_175, %dma_wait3A_176] : memref<2x224x16xf32, #tpu.memory_space<vmem>> -> memref<1x112x16xf32, #tpu.memory_space<vmem>>
    %dma_wait3A_178 = tpu.memref_squeeze %dma_wait3A_177 : memref<1x112x16xf32, #tpu.memory_space<vmem>> -> memref<112x16xf32, #tpu.memory_space<vmem>>
    %dma_wait3A_179 = arith.constant 0 : i32
    %dma_wait3A_180 = tpu.memref_slice %arg6[%dma_wait3A_174, %dma_wait3A_179] : memref<14x112xi32, #tpu.memory_space<vmem>> -> memref<1x112xi32, #tpu.memory_space<vmem>>
    %dma_wait3A_181 = tpu.memref_squeeze %dma_wait3A_180 : memref<1x112xi32, #tpu.memory_space<vmem>> -> memref<112xi32, #tpu.memory_space<vmem>>
    %dma_wait3A_182 = arith.constant 0 : i32
    %dma_wait3A_183 = arith.constant 0 : i32
    %dma_wait3A_184 = tpu.memref_slice %arg8[%dma_wait3A_182, %dma_wait3A_183] : memref<128x16xf32, #tpu.memory_space<vmem_shared>> -> memref<128x16xf32, #tpu.memory_space<vmem_shared>>
    tpu.wait_indirect_dma semaphore(%arg10 : memref<!tpu.dma_semaphore, #tpu.memory_space<semaphore_mem>>) src(%dma_wait3A_178 : memref<112x16xf32, #tpu.memory_space<vmem>>) dst(%dma_wait3A_184 : memref<128x16xf32, #tpu.memory_space<vmem_shared>>)
    %mul3A_185 = arith.constant 1568 : i32
    %mul3A_186 = arith.muli %add3A, %mul3A_185 : i32
    %add3A_187 = arith.constant 672 : i32
    %add3A_188 = arith.addi %mul3A_186, %add3A_187 : i32
    %dma_start3A_189 = arith.constant 1 : i32
    %dma_start3A_190 = arith.constant 0 : i32
    %dma_start3A_191 = arith.constant 0 : i32
    %dma_start3A_192 = tpu.memref_slice %arg7[%dma_start3A_189, %dma_start3A_190, %dma_start3A_191] : memref<2x224x16xf32, #tpu.memory_space<vmem>> -> memref<1x224x16xf32, #tpu.memory_space<vmem>>
    %dma_start3A_193 = tpu.memref_squeeze %dma_start3A_192 : memref<1x224x16xf32, #tpu.memory_space<vmem>> -> memref<224x16xf32, #tpu.memory_space<vmem>>
    %dma_start3A_194 = arith.constant 0 : i32
    %dma_start3A_195 = tpu.memref_slice %arg2[%add3A_188, %dma_start3A_194] : memref<50176x16xf32, #tpu.memory_space<hbm>> -> memref<224x16xf32, #tpu.memory_space<hbm>>
    %dma_start3A_196 = arith.constant 0 : i32
    %dma_start3A_197 = arith.constant 0 : i32
    %dma_start3A_198 = tpu.memref_slice %arg7[%dma_start3A_189, %dma_start3A_196, %dma_start3A_197] : memref<2x224x16xf32, #tpu.memory_space<vmem>> -> memref<1x224x16xf32, #tpu.memory_space<vmem>>
    %dma_start3A_199 = tpu.memref_squeeze %dma_start3A_198 : memref<1x224x16xf32, #tpu.memory_space<vmem>> -> memref<224x16xf32, #tpu.memory_space<vmem>>
    %dma_start3A_200 = arith.constant 0 : i32
    %dma_start3A_201 = tpu.memref_slice %arg2[%add3A_188, %dma_start3A_200] : memref<50176x16xf32, #tpu.memory_space<hbm>> -> memref<224x16xf32, #tpu.memory_space<hbm>>
    tpu.enqueue_dma source(%dma_start3A_201 : memref<224x16xf32, #tpu.memory_space<hbm>>) target(%dma_start3A_199 : memref<224x16xf32, #tpu.memory_space<vmem>>) target_semaphore(%arg9 : memref<!tpu.dma_semaphore, #tpu.memory_space<semaphore_mem>>)
    %dma_start3A_202 = arith.constant 0 : i32
    %dma_start3A_203 = arith.constant 4 : i32
    %dma_start3A_204 = arith.constant 0 : i32
    %dma_start3A_205 = arith.constant 0 : i32
    %dma_start3A_206 = tpu.memref_slice %arg7[%dma_start3A_202, %dma_start3A_204, %dma_start3A_205] : memref<2x224x16xf32, #tpu.memory_space<vmem>> -> memref<1x112x16xf32, #tpu.memory_space<vmem>>
    %dma_start3A_207 = tpu.memref_squeeze %dma_start3A_206 : memref<1x112x16xf32, #tpu.memory_space<vmem>> -> memref<112x16xf32, #tpu.memory_space<vmem>>
    %dma_start3A_208 = arith.constant 0 : i32
    %dma_start3A_209 = tpu.memref_slice %arg6[%dma_start3A_203, %dma_start3A_208] : memref<14x112xi32, #tpu.memory_space<vmem>> -> memref<1x112xi32, #tpu.memory_space<vmem>>
    %dma_start3A_210 = tpu.memref_squeeze %dma_start3A_209 : memref<1x112xi32, #tpu.memory_space<vmem>> -> memref<112xi32, #tpu.memory_space<vmem>>
    %dma_start3A_211 = arith.constant 0 : i32
    %dma_start3A_212 = arith.constant 0 : i32
    %dma_start3A_213 = tpu.memref_slice %arg8[%dma_start3A_211, %dma_start3A_212] : memref<128x16xf32, #tpu.memory_space<vmem_shared>> -> memref<128x16xf32, #tpu.memory_space<vmem_shared>>
    tpu.enqueue_indirect_dma source(%dma_start3A_207 : memref<112x16xf32, #tpu.memory_space<vmem>>) target(%dma_start3A_213 : memref<128x16xf32, #tpu.memory_space<vmem_shared>>) offsets(%dma_start3A_210 : memref<112xi32, #tpu.memory_space<vmem>>) semaphore(%arg10 : memref<!tpu.dma_semaphore, #tpu.memory_space<semaphore_mem>>) {add = true}
    %dma_start3A_214 = arith.constant 0 : i32
    %dma_start3A_215 = arith.constant 5 : i32
    %dma_start3A_216 = arith.constant 112 : i32
    %dma_start3A_217 = arith.constant 0 : i32
    %dma_start3A_218 = tpu.memref_slice %arg7[%dma_start3A_214, %dma_start3A_216, %dma_start3A_217] : memref<2x224x16xf32, #tpu.memory_space<vmem>> -> memref<1x112x16xf32, #tpu.memory_space<vmem>>
    %dma_start3A_219 = tpu.memref_squeeze %dma_start3A_218 : memref<1x112x16xf32, #tpu.memory_space<vmem>> -> memref<112x16xf32, #tpu.memory_space<vmem>>
    %dma_start3A_220 = arith.constant 0 : i32
    %dma_start3A_221 = tpu.memref_slice %arg6[%dma_start3A_215, %dma_start3A_220] : memref<14x112xi32, #tpu.memory_space<vmem>> -> memref<1x112xi32, #tpu.memory_space<vmem>>
    %dma_start3A_222 = tpu.memref_squeeze %dma_start3A_221 : memref<1x112xi32, #tpu.memory_space<vmem>> -> memref<112xi32, #tpu.memory_space<vmem>>
    %dma_start3A_223 = arith.constant 0 : i32
    %dma_start3A_224 = arith.constant 0 : i32
    %dma_start3A_225 = tpu.memref_slice %arg8[%dma_start3A_223, %dma_start3A_224] : memref<128x16xf32, #tpu.memory_space<vmem_shared>> -> memref<128x16xf32, #tpu.memory_space<vmem_shared>>
    tpu.enqueue_indirect_dma source(%dma_start3A_219 : memref<112x16xf32, #tpu.memory_space<vmem>>) target(%dma_start3A_225 : memref<128x16xf32, #tpu.memory_space<vmem_shared>>) offsets(%dma_start3A_222 : memref<112xi32, #tpu.memory_space<vmem>>) semaphore(%arg10 : memref<!tpu.dma_semaphore, #tpu.memory_space<semaphore_mem>>) {add = true}
    %dma_wait3A_226 = arith.constant 1 : i32
    %dma_wait3A_227 = arith.constant 0 : i32
    %dma_wait3A_228 = arith.constant 0 : i32
    %dma_wait3A_229 = tpu.memref_slice %arg7[%dma_wait3A_226, %dma_wait3A_227, %dma_wait3A_228] : memref<2x224x16xf32, #tpu.memory_space<vmem>> -> memref<1x224x16xf32, #tpu.memory_space<vmem>>
    %dma_wait3A_230 = tpu.memref_squeeze %dma_wait3A_229 : memref<1x224x16xf32, #tpu.memory_space<vmem>> -> memref<224x16xf32, #tpu.memory_space<vmem>>
    %dma_wait3A_231 = arith.constant 0 : i32
    %dma_wait3A_232 = tpu.memref_slice %arg2[%add3A_188, %dma_wait3A_231] : memref<50176x16xf32, #tpu.memory_space<hbm>> -> memref<224x16xf32, #tpu.memory_space<hbm>>
    %dma_wait3A_233 = arith.constant 0 : i32
    %dma_wait3A_234 = arith.constant 0 : i32
    %dma_wait3A_235 = tpu.memref_slice %arg7[%dma_wait3A_226, %dma_wait3A_233, %dma_wait3A_234] : memref<2x224x16xf32, #tpu.memory_space<vmem>> -> memref<1x224x16xf32, #tpu.memory_space<vmem>>
    %dma_wait3A_236 = tpu.memref_squeeze %dma_wait3A_235 : memref<1x224x16xf32, #tpu.memory_space<vmem>> -> memref<224x16xf32, #tpu.memory_space<vmem>>
    %dma_wait3A_237 = arith.constant 0 : i32
    %dma_wait3A_238 = tpu.memref_slice %arg2[%add3A_188, %dma_wait3A_237] : memref<50176x16xf32, #tpu.memory_space<hbm>> -> memref<224x16xf32, #tpu.memory_space<hbm>>
    tpu.wait_dma2 semaphore(%arg9 : memref<!tpu.dma_semaphore, #tpu.memory_space<semaphore_mem>>) src(%dma_wait3A_238 : memref<224x16xf32, #tpu.memory_space<hbm>>) dst(%dma_wait3A_236 : memref<224x16xf32, #tpu.memory_space<vmem>>)
    %dma_wait3A_239 = arith.constant 0 : i32
    %dma_wait3A_240 = arith.constant 4 : i32
    %dma_wait3A_241 = arith.constant 0 : i32
    %dma_wait3A_242 = arith.constant 0 : i32
    %dma_wait3A_243 = tpu.memref_slice %arg7[%dma_wait3A_239, %dma_wait3A_241, %dma_wait3A_242] : memref<2x224x16xf32, #tpu.memory_space<vmem>> -> memref<1x112x16xf32, #tpu.memory_space<vmem>>
    %dma_wait3A_244 = tpu.memref_squeeze %dma_wait3A_243 : memref<1x112x16xf32, #tpu.memory_space<vmem>> -> memref<112x16xf32, #tpu.memory_space<vmem>>
    %dma_wait3A_245 = arith.constant 0 : i32
    %dma_wait3A_246 = tpu.memref_slice %arg6[%dma_wait3A_240, %dma_wait3A_245] : memref<14x112xi32, #tpu.memory_space<vmem>> -> memref<1x112xi32, #tpu.memory_space<vmem>>
    %dma_wait3A_247 = tpu.memref_squeeze %dma_wait3A_246 : memref<1x112xi32, #tpu.memory_space<vmem>> -> memref<112xi32, #tpu.memory_space<vmem>>
    %dma_wait3A_248 = arith.constant 0 : i32
    %dma_wait3A_249 = arith.constant 0 : i32
    %dma_wait3A_250 = tpu.memref_slice %arg8[%dma_wait3A_248, %dma_wait3A_249] : memref<128x16xf32, #tpu.memory_space<vmem_shared>> -> memref<128x16xf32, #tpu.memory_space<vmem_shared>>
    tpu.wait_indirect_dma semaphore(%arg10 : memref<!tpu.dma_semaphore, #tpu.memory_space<semaphore_mem>>) src(%dma_wait3A_244 : memref<112x16xf32, #tpu.memory_space<vmem>>) dst(%dma_wait3A_250 : memref<128x16xf32, #tpu.memory_space<vmem_shared>>)
    %dma_wait3A_251 = arith.constant 0 : i32
    %dma_wait3A_252 = arith.constant 5 : i32
    %dma_wait3A_253 = arith.constant 112 : i32
    %dma_wait3A_254 = arith.constant 0 : i32
    %dma_wait3A_255 = tpu.memref_slice %arg7[%dma_wait3A_251, %dma_wait3A_253, %dma_wait3A_254] : memref<2x224x16xf32, #tpu.memory_space<vmem>> -> memref<1x112x16xf32, #tpu.memory_space<vmem>>
    %dma_wait3A_256 = tpu.memref_squeeze %dma_wait3A_255 : memref<1x112x16xf32, #tpu.memory_space<vmem>> -> memref<112x16xf32, #tpu.memory_space<vmem>>
    %dma_wait3A_257 = arith.constant 0 : i32
    %dma_wait3A_258 = tpu.memref_slice %arg6[%dma_wait3A_252, %dma_wait3A_257] : memref<14x112xi32, #tpu.memory_space<vmem>> -> memref<1x112xi32, #tpu.memory_space<vmem>>
    %dma_wait3A_259 = tpu.memref_squeeze %dma_wait3A_258 : memref<1x112xi32, #tpu.memory_space<vmem>> -> memref<112xi32, #tpu.memory_space<vmem>>
    %dma_wait3A_260 = arith.constant 0 : i32
    %dma_wait3A_261 = arith.constant 0 : i32
    %dma_wait3A_262 = tpu.memref_slice %arg8[%dma_wait3A_260, %dma_wait3A_261] : memref<128x16xf32, #tpu.memory_space<vmem_shared>> -> memref<128x16xf32, #tpu.memory_space<vmem_shared>>
    tpu.wait_indirect_dma semaphore(%arg10 : memref<!tpu.dma_semaphore, #tpu.memory_space<semaphore_mem>>) src(%dma_wait3A_256 : memref<112x16xf32, #tpu.memory_space<vmem>>) dst(%dma_wait3A_262 : memref<128x16xf32, #tpu.memory_space<vmem_shared>>)
    %mul3A_263 = arith.constant 1568 : i32
    %mul3A_264 = arith.muli %add3A, %mul3A_263 : i32
    %add3A_265 = arith.constant 896 : i32
    %add3A_266 = arith.addi %mul3A_264, %add3A_265 : i32
    %dma_start3A_267 = arith.constant 0 : i32
    %dma_start3A_268 = arith.constant 0 : i32
    %dma_start3A_269 = arith.constant 0 : i32
    %dma_start3A_270 = tpu.memref_slice %arg7[%dma_start3A_267, %dma_start3A_268, %dma_start3A_269] : memref<2x224x16xf32, #tpu.memory_space<vmem>> -> memref<1x224x16xf32, #tpu.memory_space<vmem>>
    %dma_start3A_271 = tpu.memref_squeeze %dma_start3A_270 : memref<1x224x16xf32, #tpu.memory_space<vmem>> -> memref<224x16xf32, #tpu.memory_space<vmem>>
    %dma_start3A_272 = arith.constant 0 : i32
    %dma_start3A_273 = tpu.memref_slice %arg2[%add3A_266, %dma_start3A_272] : memref<50176x16xf32, #tpu.memory_space<hbm>> -> memref<224x16xf32, #tpu.memory_space<hbm>>
    %dma_start3A_274 = arith.constant 0 : i32
    %dma_start3A_275 = arith.constant 0 : i32
    %dma_start3A_276 = tpu.memref_slice %arg7[%dma_start3A_267, %dma_start3A_274, %dma_start3A_275] : memref<2x224x16xf32, #tpu.memory_space<vmem>> -> memref<1x224x16xf32, #tpu.memory_space<vmem>>
    %dma_start3A_277 = tpu.memref_squeeze %dma_start3A_276 : memref<1x224x16xf32, #tpu.memory_space<vmem>> -> memref<224x16xf32, #tpu.memory_space<vmem>>
    %dma_start3A_278 = arith.constant 0 : i32
    %dma_start3A_279 = tpu.memref_slice %arg2[%add3A_266, %dma_start3A_278] : memref<50176x16xf32, #tpu.memory_space<hbm>> -> memref<224x16xf32, #tpu.memory_space<hbm>>
    tpu.enqueue_dma source(%dma_start3A_279 : memref<224x16xf32, #tpu.memory_space<hbm>>) target(%dma_start3A_277 : memref<224x16xf32, #tpu.memory_space<vmem>>) target_semaphore(%arg9 : memref<!tpu.dma_semaphore, #tpu.memory_space<semaphore_mem>>)
    %dma_start3A_280 = arith.constant 1 : i32
    %dma_start3A_281 = arith.constant 6 : i32
    %dma_start3A_282 = arith.constant 0 : i32
    %dma_start3A_283 = arith.constant 0 : i32
    %dma_start3A_284 = tpu.memref_slice %arg7[%dma_start3A_280, %dma_start3A_282, %dma_start3A_283] : memref<2x224x16xf32, #tpu.memory_space<vmem>> -> memref<1x112x16xf32, #tpu.memory_space<vmem>>
    %dma_start3A_285 = tpu.memref_squeeze %dma_start3A_284 : memref<1x112x16xf32, #tpu.memory_space<vmem>> -> memref<112x16xf32, #tpu.memory_space<vmem>>
    %dma_start3A_286 = arith.constant 0 : i32
    %dma_start3A_287 = tpu.memref_slice %arg6[%dma_start3A_281, %dma_start3A_286] : memref<14x112xi32, #tpu.memory_space<vmem>> -> memref<1x112xi32, #tpu.memory_space<vmem>>
    %dma_start3A_288 = tpu.memref_squeeze %dma_start3A_287 : memref<1x112xi32, #tpu.memory_space<vmem>> -> memref<112xi32, #tpu.memory_space<vmem>>
    %dma_start3A_289 = arith.constant 0 : i32
    %dma_start3A_290 = arith.constant 0 : i32
    %dma_start3A_291 = tpu.memref_slice %arg8[%dma_start3A_289, %dma_start3A_290] : memref<128x16xf32, #tpu.memory_space<vmem_shared>> -> memref<128x16xf32, #tpu.memory_space<vmem_shared>>
    tpu.enqueue_indirect_dma source(%dma_start3A_285 : memref<112x16xf32, #tpu.memory_space<vmem>>) target(%dma_start3A_291 : memref<128x16xf32, #tpu.memory_space<vmem_shared>>) offsets(%dma_start3A_288 : memref<112xi32, #tpu.memory_space<vmem>>) semaphore(%arg10 : memref<!tpu.dma_semaphore, #tpu.memory_space<semaphore_mem>>) {add = true}
    %dma_start3A_292 = arith.constant 1 : i32
    %dma_start3A_293 = arith.constant 7 : i32
    %dma_start3A_294 = arith.constant 112 : i32
    %dma_start3A_295 = arith.constant 0 : i32
    %dma_start3A_296 = tpu.memref_slice %arg7[%dma_start3A_292, %dma_start3A_294, %dma_start3A_295] : memref<2x224x16xf32, #tpu.memory_space<vmem>> -> memref<1x112x16xf32, #tpu.memory_space<vmem>>
    %dma_start3A_297 = tpu.memref_squeeze %dma_start3A_296 : memref<1x112x16xf32, #tpu.memory_space<vmem>> -> memref<112x16xf32, #tpu.memory_space<vmem>>
    %dma_start3A_298 = arith.constant 0 : i32
    %dma_start3A_299 = tpu.memref_slice %arg6[%dma_start3A_293, %dma_start3A_298] : memref<14x112xi32, #tpu.memory_space<vmem>> -> memref<1x112xi32, #tpu.memory_space<vmem>>
    %dma_start3A_300 = tpu.memref_squeeze %dma_start3A_299 : memref<1x112xi32, #tpu.memory_space<vmem>> -> memref<112xi32, #tpu.memory_space<vmem>>
    %dma_start3A_301 = arith.constant 0 : i32
    %dma_start3A_302 = arith.constant 0 : i32
    %dma_start3A_303 = tpu.memref_slice %arg8[%dma_start3A_301, %dma_start3A_302] : memref<128x16xf32, #tpu.memory_space<vmem_shared>> -> memref<128x16xf32, #tpu.memory_space<vmem_shared>>
    tpu.enqueue_indirect_dma source(%dma_start3A_297 : memref<112x16xf32, #tpu.memory_space<vmem>>) target(%dma_start3A_303 : memref<128x16xf32, #tpu.memory_space<vmem_shared>>) offsets(%dma_start3A_300 : memref<112xi32, #tpu.memory_space<vmem>>) semaphore(%arg10 : memref<!tpu.dma_semaphore, #tpu.memory_space<semaphore_mem>>) {add = true}
    %dma_wait3A_304 = arith.constant 0 : i32
    %dma_wait3A_305 = arith.constant 0 : i32
    %dma_wait3A_306 = arith.constant 0 : i32
    %dma_wait3A_307 = tpu.memref_slice %arg7[%dma_wait3A_304, %dma_wait3A_305, %dma_wait3A_306] : memref<2x224x16xf32, #tpu.memory_space<vmem>> -> memref<1x224x16xf32, #tpu.memory_space<vmem>>
    %dma_wait3A_308 = tpu.memref_squeeze %dma_wait3A_307 : memref<1x224x16xf32, #tpu.memory_space<vmem>> -> memref<224x16xf32, #tpu.memory_space<vmem>>
    %dma_wait3A_309 = arith.constant 0 : i32
    %dma_wait3A_310 = tpu.memref_slice %arg2[%add3A_266, %dma_wait3A_309] : memref<50176x16xf32, #tpu.memory_space<hbm>> -> memref<224x16xf32, #tpu.memory_space<hbm>>
    %dma_wait3A_311 = arith.constant 0 : i32
    %dma_wait3A_312 = arith.constant 0 : i32
    %dma_wait3A_313 = tpu.memref_slice %arg7[%dma_wait3A_304, %dma_wait3A_311, %dma_wait3A_312] : memref<2x224x16xf32, #tpu.memory_space<vmem>> -> memref<1x224x16xf32, #tpu.memory_space<vmem>>
    %dma_wait3A_314 = tpu.memref_squeeze %dma_wait3A_313 : memref<1x224x16xf32, #tpu.memory_space<vmem>> -> memref<224x16xf32, #tpu.memory_space<vmem>>
    %dma_wait3A_315 = arith.constant 0 : i32
    %dma_wait3A_316 = tpu.memref_slice %arg2[%add3A_266, %dma_wait3A_315] : memref<50176x16xf32, #tpu.memory_space<hbm>> -> memref<224x16xf32, #tpu.memory_space<hbm>>
    tpu.wait_dma2 semaphore(%arg9 : memref<!tpu.dma_semaphore, #tpu.memory_space<semaphore_mem>>) src(%dma_wait3A_316 : memref<224x16xf32, #tpu.memory_space<hbm>>) dst(%dma_wait3A_314 : memref<224x16xf32, #tpu.memory_space<vmem>>)
    %dma_wait3A_317 = arith.constant 1 : i32
    %dma_wait3A_318 = arith.constant 6 : i32
    %dma_wait3A_319 = arith.constant 0 : i32
    %dma_wait3A_320 = arith.constant 0 : i32
    %dma_wait3A_321 = tpu.memref_slice %arg7[%dma_wait3A_317, %dma_wait3A_319, %dma_wait3A_320] : memref<2x224x16xf32, #tpu.memory_space<vmem>> -> memref<1x112x16xf32, #tpu.memory_space<vmem>>
    %dma_wait3A_322 = tpu.memref_squeeze %dma_wait3A_321 : memref<1x112x16xf32, #tpu.memory_space<vmem>> -> memref<112x16xf32, #tpu.memory_space<vmem>>
    %dma_wait3A_323 = arith.constant 0 : i32
    %dma_wait3A_324 = tpu.memref_slice %arg6[%dma_wait3A_318, %dma_wait3A_323] : memref<14x112xi32, #tpu.memory_space<vmem>> -> memref<1x112xi32, #tpu.memory_space<vmem>>
    %dma_wait3A_325 = tpu.memref_squeeze %dma_wait3A_324 : memref<1x112xi32, #tpu.memory_space<vmem>> -> memref<112xi32, #tpu.memory_space<vmem>>
    %dma_wait3A_326 = arith.constant 0 : i32
    %dma_wait3A_327 = arith.constant 0 : i32
    %dma_wait3A_328 = tpu.memref_slice %arg8[%dma_wait3A_326, %dma_wait3A_327] : memref<128x16xf32, #tpu.memory_space<vmem_shared>> -> memref<128x16xf32, #tpu.memory_space<vmem_shared>>
    tpu.wait_indirect_dma semaphore(%arg10 : memref<!tpu.dma_semaphore, #tpu.memory_space<semaphore_mem>>) src(%dma_wait3A_322 : memref<112x16xf32, #tpu.memory_space<vmem>>) dst(%dma_wait3A_328 : memref<128x16xf32, #tpu.memory_space<vmem_shared>>)
    %dma_wait3A_329 = arith.constant 1 : i32
    %dma_wait3A_330 = arith.constant 7 : i32
    %dma_wait3A_331 = arith.constant 112 : i32
    %dma_wait3A_332 = arith.constant 0 : i32
    %dma_wait3A_333 = tpu.memref_slice %arg7[%dma_wait3A_329, %dma_wait3A_331, %dma_wait3A_332] : memref<2x224x16xf32, #tpu.memory_space<vmem>> -> memref<1x112x16xf32, #tpu.memory_space<vmem>>
    %dma_wait3A_334 = tpu.memref_squeeze %dma_wait3A_333 : memref<1x112x16xf32, #tpu.memory_space<vmem>> -> memref<112x16xf32, #tpu.memory_space<vmem>>
    %dma_wait3A_335 = arith.constant 0 : i32
    %dma_wait3A_336 = tpu.memref_slice %arg6[%dma_wait3A_330, %dma_wait3A_335] : memref<14x112xi32, #tpu.memory_space<vmem>> -> memref<1x112xi32, #tpu.memory_space<vmem>>
    %dma_wait3A_337 = tpu.memref_squeeze %dma_wait3A_336 : memref<1x112xi32, #tpu.memory_space<vmem>> -> memref<112xi32, #tpu.memory_space<vmem>>
    %dma_wait3A_338 = arith.constant 0 : i32
    %dma_wait3A_339 = arith.constant 0 : i32
    %dma_wait3A_340 = tpu.memref_slice %arg8[%dma_wait3A_338, %dma_wait3A_339] : memref<128x16xf32, #tpu.memory_space<vmem_shared>> -> memref<128x16xf32, #tpu.memory_space<vmem_shared>>
    tpu.wait_indirect_dma semaphore(%arg10 : memref<!tpu.dma_semaphore, #tpu.memory_space<semaphore_mem>>) src(%dma_wait3A_334 : memref<112x16xf32, #tpu.memory_space<vmem>>) dst(%dma_wait3A_340 : memref<128x16xf32, #tpu.memory_space<vmem_shared>>)
    %mul3A_341 = arith.constant 1568 : i32
    %mul3A_342 = arith.muli %add3A, %mul3A_341 : i32
    %add3A_343 = arith.constant 1120 : i32
    %add3A_344 = arith.addi %mul3A_342, %add3A_343 : i32
    %dma_start3A_345 = arith.constant 1 : i32
    %dma_start3A_346 = arith.constant 0 : i32
    %dma_start3A_347 = arith.constant 0 : i32
    %dma_start3A_348 = tpu.memref_slice %arg7[%dma_start3A_345, %dma_start3A_346, %dma_start3A_347] : memref<2x224x16xf32, #tpu.memory_space<vmem>> -> memref<1x224x16xf32, #tpu.memory_space<vmem>>
    %dma_start3A_349 = tpu.memref_squeeze %dma_start3A_348 : memref<1x224x16xf32, #tpu.memory_space<vmem>> -> memref<224x16xf32, #tpu.memory_space<vmem>>
    %dma_start3A_350 = arith.constant 0 : i32
    %dma_start3A_351 = tpu.memref_slice %arg2[%add3A_344, %dma_start3A_350] : memref<50176x16xf32, #tpu.memory_space<hbm>> -> memref<224x16xf32, #tpu.memory_space<hbm>>
    %dma_start3A_352 = arith.constant 0 : i32
    %dma_start3A_353 = arith.constant 0 : i32
    %dma_start3A_354 = tpu.memref_slice %arg7[%dma_start3A_345, %dma_start3A_352, %dma_start3A_353] : memref<2x224x16xf32, #tpu.memory_space<vmem>> -> memref<1x224x16xf32, #tpu.memory_space<vmem>>
    %dma_start3A_355 = tpu.memref_squeeze %dma_start3A_354 : memref<1x224x16xf32, #tpu.memory_space<vmem>> -> memref<224x16xf32, #tpu.memory_space<vmem>>
    %dma_start3A_356 = arith.constant 0 : i32
    %dma_start3A_357 = tpu.memref_slice %arg2[%add3A_344, %dma_start3A_356] : memref<50176x16xf32, #tpu.memory_space<hbm>> -> memref<224x16xf32, #tpu.memory_space<hbm>>
    tpu.enqueue_dma source(%dma_start3A_357 : memref<224x16xf32, #tpu.memory_space<hbm>>) target(%dma_start3A_355 : memref<224x16xf32, #tpu.memory_space<vmem>>) target_semaphore(%arg9 : memref<!tpu.dma_semaphore, #tpu.memory_space<semaphore_mem>>)
    %dma_start3A_358 = arith.constant 0 : i32
    %dma_start3A_359 = arith.constant 8 : i32
    %dma_start3A_360 = arith.constant 0 : i32
    %dma_start3A_361 = arith.constant 0 : i32
    %dma_start3A_362 = tpu.memref_slice %arg7[%dma_start3A_358, %dma_start3A_360, %dma_start3A_361] : memref<2x224x16xf32, #tpu.memory_space<vmem>> -> memref<1x112x16xf32, #tpu.memory_space<vmem>>
    %dma_start3A_363 = tpu.memref_squeeze %dma_start3A_362 : memref<1x112x16xf32, #tpu.memory_space<vmem>> -> memref<112x16xf32, #tpu.memory_space<vmem>>
    %dma_start3A_364 = arith.constant 0 : i32
    %dma_start3A_365 = tpu.memref_slice %arg6[%dma_start3A_359, %dma_start3A_364] : memref<14x112xi32, #tpu.memory_space<vmem>> -> memref<1x112xi32, #tpu.memory_space<vmem>>
    %dma_start3A_366 = tpu.memref_squeeze %dma_start3A_365 : memref<1x112xi32, #tpu.memory_space<vmem>> -> memref<112xi32, #tpu.memory_space<vmem>>
    %dma_start3A_367 = arith.constant 0 : i32
    %dma_start3A_368 = arith.constant 0 : i32
    %dma_start3A_369 = tpu.memref_slice %arg8[%dma_start3A_367, %dma_start3A_368] : memref<128x16xf32, #tpu.memory_space<vmem_shared>> -> memref<128x16xf32, #tpu.memory_space<vmem_shared>>
    tpu.enqueue_indirect_dma source(%dma_start3A_363 : memref<112x16xf32, #tpu.memory_space<vmem>>) target(%dma_start3A_369 : memref<128x16xf32, #tpu.memory_space<vmem_shared>>) offsets(%dma_start3A_366 : memref<112xi32, #tpu.memory_space<vmem>>) semaphore(%arg10 : memref<!tpu.dma_semaphore, #tpu.memory_space<semaphore_mem>>) {add = true}
    %dma_start3A_370 = arith.constant 0 : i32
    %dma_start3A_371 = arith.constant 9 : i32
    %dma_start3A_372 = arith.constant 112 : i32
    %dma_start3A_373 = arith.constant 0 : i32
    %dma_start3A_374 = tpu.memref_slice %arg7[%dma_start3A_370, %dma_start3A_372, %dma_start3A_373] : memref<2x224x16xf32, #tpu.memory_space<vmem>> -> memref<1x112x16xf32, #tpu.memory_space<vmem>>
    %dma_start3A_375 = tpu.memref_squeeze %dma_start3A_374 : memref<1x112x16xf32, #tpu.memory_space<vmem>> -> memref<112x16xf32, #tpu.memory_space<vmem>>
    %dma_start3A_376 = arith.constant 0 : i32
    %dma_start3A_377 = tpu.memref_slice %arg6[%dma_start3A_371, %dma_start3A_376] : memref<14x112xi32, #tpu.memory_space<vmem>> -> memref<1x112xi32, #tpu.memory_space<vmem>>
    %dma_start3A_378 = tpu.memref_squeeze %dma_start3A_377 : memref<1x112xi32, #tpu.memory_space<vmem>> -> memref<112xi32, #tpu.memory_space<vmem>>
    %dma_start3A_379 = arith.constant 0 : i32
    %dma_start3A_380 = arith.constant 0 : i32
    %dma_start3A_381 = tpu.memref_slice %arg8[%dma_start3A_379, %dma_start3A_380] : memref<128x16xf32, #tpu.memory_space<vmem_shared>> -> memref<128x16xf32, #tpu.memory_space<vmem_shared>>
    tpu.enqueue_indirect_dma source(%dma_start3A_375 : memref<112x16xf32, #tpu.memory_space<vmem>>) target(%dma_start3A_381 : memref<128x16xf32, #tpu.memory_space<vmem_shared>>) offsets(%dma_start3A_378 : memref<112xi32, #tpu.memory_space<vmem>>) semaphore(%arg10 : memref<!tpu.dma_semaphore, #tpu.memory_space<semaphore_mem>>) {add = true}
    %dma_wait3A_382 = arith.constant 1 : i32
    %dma_wait3A_383 = arith.constant 0 : i32
    %dma_wait3A_384 = arith.constant 0 : i32
    %dma_wait3A_385 = tpu.memref_slice %arg7[%dma_wait3A_382, %dma_wait3A_383, %dma_wait3A_384] : memref<2x224x16xf32, #tpu.memory_space<vmem>> -> memref<1x224x16xf32, #tpu.memory_space<vmem>>
    %dma_wait3A_386 = tpu.memref_squeeze %dma_wait3A_385 : memref<1x224x16xf32, #tpu.memory_space<vmem>> -> memref<224x16xf32, #tpu.memory_space<vmem>>
    %dma_wait3A_387 = arith.constant 0 : i32
    %dma_wait3A_388 = tpu.memref_slice %arg2[%add3A_344, %dma_wait3A_387] : memref<50176x16xf32, #tpu.memory_space<hbm>> -> memref<224x16xf32, #tpu.memory_space<hbm>>
    %dma_wait3A_389 = arith.constant 0 : i32
    %dma_wait3A_390 = arith.constant 0 : i32
    %dma_wait3A_391 = tpu.memref_slice %arg7[%dma_wait3A_382, %dma_wait3A_389, %dma_wait3A_390] : memref<2x224x16xf32, #tpu.memory_space<vmem>> -> memref<1x224x16xf32, #tpu.memory_space<vmem>>
    %dma_wait3A_392 = tpu.memref_squeeze %dma_wait3A_391 : memref<1x224x16xf32, #tpu.memory_space<vmem>> -> memref<224x16xf32, #tpu.memory_space<vmem>>
    %dma_wait3A_393 = arith.constant 0 : i32
    %dma_wait3A_394 = tpu.memref_slice %arg2[%add3A_344, %dma_wait3A_393] : memref<50176x16xf32, #tpu.memory_space<hbm>> -> memref<224x16xf32, #tpu.memory_space<hbm>>
    tpu.wait_dma2 semaphore(%arg9 : memref<!tpu.dma_semaphore, #tpu.memory_space<semaphore_mem>>) src(%dma_wait3A_394 : memref<224x16xf32, #tpu.memory_space<hbm>>) dst(%dma_wait3A_392 : memref<224x16xf32, #tpu.memory_space<vmem>>)
    %dma_wait3A_395 = arith.constant 0 : i32
    %dma_wait3A_396 = arith.constant 8 : i32
    %dma_wait3A_397 = arith.constant 0 : i32
    %dma_wait3A_398 = arith.constant 0 : i32
    %dma_wait3A_399 = tpu.memref_slice %arg7[%dma_wait3A_395, %dma_wait3A_397, %dma_wait3A_398] : memref<2x224x16xf32, #tpu.memory_space<vmem>> -> memref<1x112x16xf32, #tpu.memory_space<vmem>>
    %dma_wait3A_400 = tpu.memref_squeeze %dma_wait3A_399 : memref<1x112x16xf32, #tpu.memory_space<vmem>> -> memref<112x16xf32, #tpu.memory_space<vmem>>
    %dma_wait3A_401 = arith.constant 0 : i32
    %dma_wait3A_402 = tpu.memref_slice %arg6[%dma_wait3A_396, %dma_wait3A_401] : memref<14x112xi32, #tpu.memory_space<vmem>> -> memref<1x112xi32, #tpu.memory_space<vmem>>
    %dma_wait3A_403 = tpu.memref_squeeze %dma_wait3A_402 : memref<1x112xi32, #tpu.memory_space<vmem>> -> memref<112xi32, #tpu.memory_space<vmem>>
    %dma_wait3A_404 = arith.constant 0 : i32
    %dma_wait3A_405 = arith.constant 0 : i32
    %dma_wait3A_406 = tpu.memref_slice %arg8[%dma_wait3A_404, %dma_wait3A_405] : memref<128x16xf32, #tpu.memory_space<vmem_shared>> -> memref<128x16xf32, #tpu.memory_space<vmem_shared>>
    tpu.wait_indirect_dma semaphore(%arg10 : memref<!tpu.dma_semaphore, #tpu.memory_space<semaphore_mem>>) src(%dma_wait3A_400 : memref<112x16xf32, #tpu.memory_space<vmem>>) dst(%dma_wait3A_406 : memref<128x16xf32, #tpu.memory_space<vmem_shared>>)
    %dma_wait3A_407 = arith.constant 0 : i32
    %dma_wait3A_408 = arith.constant 9 : i32
    %dma_wait3A_409 = arith.constant 112 : i32
    %dma_wait3A_410 = arith.constant 0 : i32
    %dma_wait3A_411 = tpu.memref_slice %arg7[%dma_wait3A_407, %dma_wait3A_409, %dma_wait3A_410] : memref<2x224x16xf32, #tpu.memory_space<vmem>> -> memref<1x112x16xf32, #tpu.memory_space<vmem>>
    %dma_wait3A_412 = tpu.memref_squeeze %dma_wait3A_411 : memref<1x112x16xf32, #tpu.memory_space<vmem>> -> memref<112x16xf32, #tpu.memory_space<vmem>>
    %dma_wait3A_413 = arith.constant 0 : i32
    %dma_wait3A_414 = tpu.memref_slice %arg6[%dma_wait3A_408, %dma_wait3A_413] : memref<14x112xi32, #tpu.memory_space<vmem>> -> memref<1x112xi32, #tpu.memory_space<vmem>>
    %dma_wait3A_415 = tpu.memref_squeeze %dma_wait3A_414 : memref<1x112xi32, #tpu.memory_space<vmem>> -> memref<112xi32, #tpu.memory_space<vmem>>
    %dma_wait3A_416 = arith.constant 0 : i32
    %dma_wait3A_417 = arith.constant 0 : i32
    %dma_wait3A_418 = tpu.memref_slice %arg8[%dma_wait3A_416, %dma_wait3A_417] : memref<128x16xf32, #tpu.memory_space<vmem_shared>> -> memref<128x16xf32, #tpu.memory_space<vmem_shared>>
    tpu.wait_indirect_dma semaphore(%arg10 : memref<!tpu.dma_semaphore, #tpu.memory_space<semaphore_mem>>) src(%dma_wait3A_412 : memref<112x16xf32, #tpu.memory_space<vmem>>) dst(%dma_wait3A_418 : memref<128x16xf32, #tpu.memory_space<vmem_shared>>)
    %mul3A_419 = arith.constant 1568 : i32
    %mul3A_420 = arith.muli %add3A, %mul3A_419 : i32
    %add3A_421 = arith.constant 1344 : i32
    %add3A_422 = arith.addi %mul3A_420, %add3A_421 : i32
    %dma_start3A_423 = arith.constant 0 : i32
    %dma_start3A_424 = arith.constant 0 : i32
    %dma_start3A_425 = arith.constant 0 : i32
    %dma_start3A_426 = tpu.memref_slice %arg7[%dma_start3A_423, %dma_start3A_424, %dma_start3A_425] : memref<2x224x16xf32, #tpu.memory_space<vmem>> -> memref<1x224x16xf32, #tpu.memory_space<vmem>>
    %dma_start3A_427 = tpu.memref_squeeze %dma_start3A_426 : memref<1x224x16xf32, #tpu.memory_space<vmem>> -> memref<224x16xf32, #tpu.memory_space<vmem>>
    %dma_start3A_428 = arith.constant 0 : i32
    %dma_start3A_429 = tpu.memref_slice %arg2[%add3A_422, %dma_start3A_428] : memref<50176x16xf32, #tpu.memory_space<hbm>> -> memref<224x16xf32, #tpu.memory_space<hbm>>
    %dma_start3A_430 = arith.constant 0 : i32
    %dma_start3A_431 = arith.constant 0 : i32
    %dma_start3A_432 = tpu.memref_slice %arg7[%dma_start3A_423, %dma_start3A_430, %dma_start3A_431] : memref<2x224x16xf32, #tpu.memory_space<vmem>> -> memref<1x224x16xf32, #tpu.memory_space<vmem>>
    %dma_start3A_433 = tpu.memref_squeeze %dma_start3A_432 : memref<1x224x16xf32, #tpu.memory_space<vmem>> -> memref<224x16xf32, #tpu.memory_space<vmem>>
    %dma_start3A_434 = arith.constant 0 : i32
    %dma_start3A_435 = tpu.memref_slice %arg2[%add3A_422, %dma_start3A_434] : memref<50176x16xf32, #tpu.memory_space<hbm>> -> memref<224x16xf32, #tpu.memory_space<hbm>>
    tpu.enqueue_dma source(%dma_start3A_435 : memref<224x16xf32, #tpu.memory_space<hbm>>) target(%dma_start3A_433 : memref<224x16xf32, #tpu.memory_space<vmem>>) target_semaphore(%arg9 : memref<!tpu.dma_semaphore, #tpu.memory_space<semaphore_mem>>)
    %dma_start3A_436 = arith.constant 1 : i32
    %dma_start3A_437 = arith.constant 10 : i32
    %dma_start3A_438 = arith.constant 0 : i32
    %dma_start3A_439 = arith.constant 0 : i32
    %dma_start3A_440 = tpu.memref_slice %arg7[%dma_start3A_436, %dma_start3A_438, %dma_start3A_439] : memref<2x224x16xf32, #tpu.memory_space<vmem>> -> memref<1x112x16xf32, #tpu.memory_space<vmem>>
    %dma_start3A_441 = tpu.memref_squeeze %dma_start3A_440 : memref<1x112x16xf32, #tpu.memory_space<vmem>> -> memref<112x16xf32, #tpu.memory_space<vmem>>
    %dma_start3A_442 = arith.constant 0 : i32
    %dma_start3A_443 = tpu.memref_slice %arg6[%dma_start3A_437, %dma_start3A_442] : memref<14x112xi32, #tpu.memory_space<vmem>> -> memref<1x112xi32, #tpu.memory_space<vmem>>
    %dma_start3A_444 = tpu.memref_squeeze %dma_start3A_443 : memref<1x112xi32, #tpu.memory_space<vmem>> -> memref<112xi32, #tpu.memory_space<vmem>>
    %dma_start3A_445 = arith.constant 0 : i32
    %dma_start3A_446 = arith.constant 0 : i32
    %dma_start3A_447 = tpu.memref_slice %arg8[%dma_start3A_445, %dma_start3A_446] : memref<128x16xf32, #tpu.memory_space<vmem_shared>> -> memref<128x16xf32, #tpu.memory_space<vmem_shared>>
    tpu.enqueue_indirect_dma source(%dma_start3A_441 : memref<112x16xf32, #tpu.memory_space<vmem>>) target(%dma_start3A_447 : memref<128x16xf32, #tpu.memory_space<vmem_shared>>) offsets(%dma_start3A_444 : memref<112xi32, #tpu.memory_space<vmem>>) semaphore(%arg10 : memref<!tpu.dma_semaphore, #tpu.memory_space<semaphore_mem>>) {add = true}
    %dma_start3A_448 = arith.constant 1 : i32
    %dma_start3A_449 = arith.constant 11 : i32
    %dma_start3A_450 = arith.constant 112 : i32
    %dma_start3A_451 = arith.constant 0 : i32
    %dma_start3A_452 = tpu.memref_slice %arg7[%dma_start3A_448, %dma_start3A_450, %dma_start3A_451] : memref<2x224x16xf32, #tpu.memory_space<vmem>> -> memref<1x112x16xf32, #tpu.memory_space<vmem>>
    %dma_start3A_453 = tpu.memref_squeeze %dma_start3A_452 : memref<1x112x16xf32, #tpu.memory_space<vmem>> -> memref<112x16xf32, #tpu.memory_space<vmem>>
    %dma_start3A_454 = arith.constant 0 : i32
    %dma_start3A_455 = tpu.memref_slice %arg6[%dma_start3A_449, %dma_start3A_454] : memref<14x112xi32, #tpu.memory_space<vmem>> -> memref<1x112xi32, #tpu.memory_space<vmem>>
    %dma_start3A_456 = tpu.memref_squeeze %dma_start3A_455 : memref<1x112xi32, #tpu.memory_space<vmem>> -> memref<112xi32, #tpu.memory_space<vmem>>
    %dma_start3A_457 = arith.constant 0 : i32
    %dma_start3A_458 = arith.constant 0 : i32
    %dma_start3A_459 = tpu.memref_slice %arg8[%dma_start3A_457, %dma_start3A_458] : memref<128x16xf32, #tpu.memory_space<vmem_shared>> -> memref<128x16xf32, #tpu.memory_space<vmem_shared>>
    tpu.enqueue_indirect_dma source(%dma_start3A_453 : memref<112x16xf32, #tpu.memory_space<vmem>>) target(%dma_start3A_459 : memref<128x16xf32, #tpu.memory_space<vmem_shared>>) offsets(%dma_start3A_456 : memref<112xi32, #tpu.memory_space<vmem>>) semaphore(%arg10 : memref<!tpu.dma_semaphore, #tpu.memory_space<semaphore_mem>>) {add = true}
    %dma_wait3A_460 = arith.constant 0 : i32
    %dma_wait3A_461 = arith.constant 0 : i32
    %dma_wait3A_462 = arith.constant 0 : i32
    %dma_wait3A_463 = tpu.memref_slice %arg7[%dma_wait3A_460, %dma_wait3A_461, %dma_wait3A_462] : memref<2x224x16xf32, #tpu.memory_space<vmem>> -> memref<1x224x16xf32, #tpu.memory_space<vmem>>
    %dma_wait3A_464 = tpu.memref_squeeze %dma_wait3A_463 : memref<1x224x16xf32, #tpu.memory_space<vmem>> -> memref<224x16xf32, #tpu.memory_space<vmem>>
    %dma_wait3A_465 = arith.constant 0 : i32
    %dma_wait3A_466 = tpu.memref_slice %arg2[%add3A_422, %dma_wait3A_465] : memref<50176x16xf32, #tpu.memory_space<hbm>> -> memref<224x16xf32, #tpu.memory_space<hbm>>
    %dma_wait3A_467 = arith.constant 0 : i32
    %dma_wait3A_468 = arith.constant 0 : i32
    %dma_wait3A_469 = tpu.memref_slice %arg7[%dma_wait3A_460, %dma_wait3A_467, %dma_wait3A_468] : memref<2x224x16xf32, #tpu.memory_space<vmem>> -> memref<1x224x16xf32, #tpu.memory_space<vmem>>
    %dma_wait3A_470 = tpu.memref_squeeze %dma_wait3A_469 : memref<1x224x16xf32, #tpu.memory_space<vmem>> -> memref<224x16xf32, #tpu.memory_space<vmem>>
    %dma_wait3A_471 = arith.constant 0 : i32
    %dma_wait3A_472 = tpu.memref_slice %arg2[%add3A_422, %dma_wait3A_471] : memref<50176x16xf32, #tpu.memory_space<hbm>> -> memref<224x16xf32, #tpu.memory_space<hbm>>
    tpu.wait_dma2 semaphore(%arg9 : memref<!tpu.dma_semaphore, #tpu.memory_space<semaphore_mem>>) src(%dma_wait3A_472 : memref<224x16xf32, #tpu.memory_space<hbm>>) dst(%dma_wait3A_470 : memref<224x16xf32, #tpu.memory_space<vmem>>)
    %dma_start3A_473 = arith.constant 0 : i32
    %dma_start3A_474 = arith.constant 12 : i32
    %dma_start3A_475 = arith.constant 0 : i32
    %dma_start3A_476 = arith.constant 0 : i32
    %dma_start3A_477 = tpu.memref_slice %arg7[%dma_start3A_473, %dma_start3A_475, %dma_start3A_476] : memref<2x224x16xf32, #tpu.memory_space<vmem>> -> memref<1x112x16xf32, #tpu.memory_space<vmem>>
    %dma_start3A_478 = tpu.memref_squeeze %dma_start3A_477 : memref<1x112x16xf32, #tpu.memory_space<vmem>> -> memref<112x16xf32, #tpu.memory_space<vmem>>
    %dma_start3A_479 = arith.constant 0 : i32
    %dma_start3A_480 = tpu.memref_slice %arg6[%dma_start3A_474, %dma_start3A_479] : memref<14x112xi32, #tpu.memory_space<vmem>> -> memref<1x112xi32, #tpu.memory_space<vmem>>
    %dma_start3A_481 = tpu.memref_squeeze %dma_start3A_480 : memref<1x112xi32, #tpu.memory_space<vmem>> -> memref<112xi32, #tpu.memory_space<vmem>>
    %dma_start3A_482 = arith.constant 0 : i32
    %dma_start3A_483 = arith.constant 0 : i32
    %dma_start3A_484 = tpu.memref_slice %arg8[%dma_start3A_482, %dma_start3A_483] : memref<128x16xf32, #tpu.memory_space<vmem_shared>> -> memref<128x16xf32, #tpu.memory_space<vmem_shared>>
    tpu.enqueue_indirect_dma source(%dma_start3A_478 : memref<112x16xf32, #tpu.memory_space<vmem>>) target(%dma_start3A_484 : memref<128x16xf32, #tpu.memory_space<vmem_shared>>) offsets(%dma_start3A_481 : memref<112xi32, #tpu.memory_space<vmem>>) semaphore(%arg10 : memref<!tpu.dma_semaphore, #tpu.memory_space<semaphore_mem>>) {add = true}
    %dma_start3A_485 = arith.constant 0 : i32
    %dma_start3A_486 = arith.constant 13 : i32
    %dma_start3A_487 = arith.constant 112 : i32
    %dma_start3A_488 = arith.constant 0 : i32
    %dma_start3A_489 = tpu.memref_slice %arg7[%dma_start3A_485, %dma_start3A_487, %dma_start3A_488] : memref<2x224x16xf32, #tpu.memory_space<vmem>> -> memref<1x112x16xf32, #tpu.memory_space<vmem>>
    %dma_start3A_490 = tpu.memref_squeeze %dma_start3A_489 : memref<1x112x16xf32, #tpu.memory_space<vmem>> -> memref<112x16xf32, #tpu.memory_space<vmem>>
    %dma_start3A_491 = arith.constant 0 : i32
    %dma_start3A_492 = tpu.memref_slice %arg6[%dma_start3A_486, %dma_start3A_491] : memref<14x112xi32, #tpu.memory_space<vmem>> -> memref<1x112xi32, #tpu.memory_space<vmem>>
    %dma_start3A_493 = tpu.memref_squeeze %dma_start3A_492 : memref<1x112xi32, #tpu.memory_space<vmem>> -> memref<112xi32, #tpu.memory_space<vmem>>
    %dma_start3A_494 = arith.constant 0 : i32
    %dma_start3A_495 = arith.constant 0 : i32
    %dma_start3A_496 = tpu.memref_slice %arg8[%dma_start3A_494, %dma_start3A_495] : memref<128x16xf32, #tpu.memory_space<vmem_shared>> -> memref<128x16xf32, #tpu.memory_space<vmem_shared>>
    tpu.enqueue_indirect_dma source(%dma_start3A_490 : memref<112x16xf32, #tpu.memory_space<vmem>>) target(%dma_start3A_496 : memref<128x16xf32, #tpu.memory_space<vmem_shared>>) offsets(%dma_start3A_493 : memref<112xi32, #tpu.memory_space<vmem>>) semaphore(%arg10 : memref<!tpu.dma_semaphore, #tpu.memory_space<semaphore_mem>>) {add = true}
    %dma_wait3A_497 = arith.constant 0 : i32
    %dma_wait3A_498 = arith.constant 12 : i32
    %dma_wait3A_499 = arith.constant 0 : i32
    %dma_wait3A_500 = arith.constant 0 : i32
    %dma_wait3A_501 = tpu.memref_slice %arg7[%dma_wait3A_497, %dma_wait3A_499, %dma_wait3A_500] : memref<2x224x16xf32, #tpu.memory_space<vmem>> -> memref<1x112x16xf32, #tpu.memory_space<vmem>>
    %dma_wait3A_502 = tpu.memref_squeeze %dma_wait3A_501 : memref<1x112x16xf32, #tpu.memory_space<vmem>> -> memref<112x16xf32, #tpu.memory_space<vmem>>
    %dma_wait3A_503 = arith.constant 0 : i32
    %dma_wait3A_504 = tpu.memref_slice %arg6[%dma_wait3A_498, %dma_wait3A_503] : memref<14x112xi32, #tpu.memory_space<vmem>> -> memref<1x112xi32, #tpu.memory_space<vmem>>
    %dma_wait3A_505 = tpu.memref_squeeze %dma_wait3A_504 : memref<1x112xi32, #tpu.memory_space<vmem>> -> memref<112xi32, #tpu.memory_space<vmem>>
    %dma_wait3A_506 = arith.constant 0 : i32
    %dma_wait3A_507 = arith.constant 0 : i32
    %dma_wait3A_508 = tpu.memref_slice %arg8[%dma_wait3A_506, %dma_wait3A_507] : memref<128x16xf32, #tpu.memory_space<vmem_shared>> -> memref<128x16xf32, #tpu.memory_space<vmem_shared>>
    tpu.wait_indirect_dma semaphore(%arg10 : memref<!tpu.dma_semaphore, #tpu.memory_space<semaphore_mem>>) src(%dma_wait3A_502 : memref<112x16xf32, #tpu.memory_space<vmem>>) dst(%dma_wait3A_508 : memref<128x16xf32, #tpu.memory_space<vmem_shared>>)
    %dma_wait3A_509 = arith.constant 0 : i32
    %dma_wait3A_510 = arith.constant 13 : i32
    %dma_wait3A_511 = arith.constant 112 : i32
    %dma_wait3A_512 = arith.constant 0 : i32
    %dma_wait3A_513 = tpu.memref_slice %arg7[%dma_wait3A_509, %dma_wait3A_511, %dma_wait3A_512] : memref<2x224x16xf32, #tpu.memory_space<vmem>> -> memref<1x112x16xf32, #tpu.memory_space<vmem>>
    %dma_wait3A_514 = tpu.memref_squeeze %dma_wait3A_513 : memref<1x112x16xf32, #tpu.memory_space<vmem>> -> memref<112x16xf32, #tpu.memory_space<vmem>>
    %dma_wait3A_515 = arith.constant 0 : i32
    %dma_wait3A_516 = tpu.memref_slice %arg6[%dma_wait3A_510, %dma_wait3A_515] : memref<14x112xi32, #tpu.memory_space<vmem>> -> memref<1x112xi32, #tpu.memory_space<vmem>>
    %dma_wait3A_517 = tpu.memref_squeeze %dma_wait3A_516 : memref<1x112xi32, #tpu.memory_space<vmem>> -> memref<112xi32, #tpu.memory_space<vmem>>
    %dma_wait3A_518 = arith.constant 0 : i32
    %dma_wait3A_519 = arith.constant 0 : i32
    %dma_wait3A_520 = tpu.memref_slice %arg8[%dma_wait3A_518, %dma_wait3A_519] : memref<128x16xf32, #tpu.memory_space<vmem_shared>> -> memref<128x16xf32, #tpu.memory_space<vmem_shared>>
    tpu.wait_indirect_dma semaphore(%arg10 : memref<!tpu.dma_semaphore, #tpu.memory_space<semaphore_mem>>) src(%dma_wait3A_514 : memref<112x16xf32, #tpu.memory_space<vmem>>) dst(%dma_wait3A_520 : memref<128x16xf32, #tpu.memory_space<vmem_shared>>)
    %dma_wait3A_521 = arith.constant 1 : i32
    %dma_wait3A_522 = arith.constant 10 : i32
    %dma_wait3A_523 = arith.constant 0 : i32
    %dma_wait3A_524 = arith.constant 0 : i32
    %dma_wait3A_525 = tpu.memref_slice %arg7[%dma_wait3A_521, %dma_wait3A_523, %dma_wait3A_524] : memref<2x224x16xf32, #tpu.memory_space<vmem>> -> memref<1x112x16xf32, #tpu.memory_space<vmem>>
    %dma_wait3A_526 = tpu.memref_squeeze %dma_wait3A_525 : memref<1x112x16xf32, #tpu.memory_space<vmem>> -> memref<112x16xf32, #tpu.memory_space<vmem>>
    %dma_wait3A_527 = arith.constant 0 : i32
    %dma_wait3A_528 = tpu.memref_slice %arg6[%dma_wait3A_522, %dma_wait3A_527] : memref<14x112xi32, #tpu.memory_space<vmem>> -> memref<1x112xi32, #tpu.memory_space<vmem>>
    %dma_wait3A_529 = tpu.memref_squeeze %dma_wait3A_528 : memref<1x112xi32, #tpu.memory_space<vmem>> -> memref<112xi32, #tpu.memory_space<vmem>>
    %dma_wait3A_530 = arith.constant 0 : i32
    %dma_wait3A_531 = arith.constant 0 : i32
    %dma_wait3A_532 = tpu.memref_slice %arg8[%dma_wait3A_530, %dma_wait3A_531] : memref<128x16xf32, #tpu.memory_space<vmem_shared>> -> memref<128x16xf32, #tpu.memory_space<vmem_shared>>
    tpu.wait_indirect_dma semaphore(%arg10 : memref<!tpu.dma_semaphore, #tpu.memory_space<semaphore_mem>>) src(%dma_wait3A_526 : memref<112x16xf32, #tpu.memory_space<vmem>>) dst(%dma_wait3A_532 : memref<128x16xf32, #tpu.memory_space<vmem_shared>>)
    %dma_wait3A_533 = arith.constant 1 : i32
    %dma_wait3A_534 = arith.constant 11 : i32
    %dma_wait3A_535 = arith.constant 112 : i32
    %dma_wait3A_536 = arith.constant 0 : i32
    %dma_wait3A_537 = tpu.memref_slice %arg7[%dma_wait3A_533, %dma_wait3A_535, %dma_wait3A_536] : memref<2x224x16xf32, #tpu.memory_space<vmem>> -> memref<1x112x16xf32, #tpu.memory_space<vmem>>
    %dma_wait3A_538 = tpu.memref_squeeze %dma_wait3A_537 : memref<1x112x16xf32, #tpu.memory_space<vmem>> -> memref<112x16xf32, #tpu.memory_space<vmem>>
    %dma_wait3A_539 = arith.constant 0 : i32
    %dma_wait3A_540 = tpu.memref_slice %arg6[%dma_wait3A_534, %dma_wait3A_539] : memref<14x112xi32, #tpu.memory_space<vmem>> -> memref<1x112xi32, #tpu.memory_space<vmem>>
    %dma_wait3A_541 = tpu.memref_squeeze %dma_wait3A_540 : memref<1x112xi32, #tpu.memory_space<vmem>> -> memref<112xi32, #tpu.memory_space<vmem>>
    %dma_wait3A_542 = arith.constant 0 : i32
    %dma_wait3A_543 = arith.constant 0 : i32
    %dma_wait3A_544 = tpu.memref_slice %arg8[%dma_wait3A_542, %dma_wait3A_543] : memref<128x16xf32, #tpu.memory_space<vmem_shared>> -> memref<128x16xf32, #tpu.memory_space<vmem_shared>>
    tpu.wait_indirect_dma semaphore(%arg10 : memref<!tpu.dma_semaphore, #tpu.memory_space<semaphore_mem>>) src(%dma_wait3A_538 : memref<112x16xf32, #tpu.memory_space<vmem>>) dst(%dma_wait3A_544 : memref<128x16xf32, #tpu.memory_space<vmem_shared>>)
    %barrier3A_545 = arith.constant 0 : index
    tpu.barrier barrier_id(%barrier3A_545)
    %eq3A_546 = arith.constant 0 : i32
    %eq3A_547 = arith.cmpi eq, %arg1, %eq3A_546 : i32
    %convert_element_type3A_548 = arith.extui %eq3A_547 : i1 to i32
    %cond3A_549 = arith.constant 0 : i32
    %cond3A_550 = arith.cmpi ne, %convert_element_type3A_548, %cond3A_549 : i32
    scf.if %cond3A_550 {
      "tpu.region"() ({
        %run_scoped3A = tpu.sem_alloc : memref<!tpu.dma_semaphore, #tpu.memory_space<semaphore_mem>>
        %dma_start3A_551 = arith.constant 0 : i32
        %dma_start3A_552 = arith.constant 0 : i32
        %dma_start3A_553 = tpu.memref_slice %arg5[%arg0, %dma_start3A_551, %dma_start3A_552] : memref<2x128x16xf32, #tpu.memory_space<hbm>> -> memref<1x128x16xf32, #tpu.memory_space<hbm>>
        %dma_start3A_554 = tpu.memref_squeeze %dma_start3A_553 : memref<1x128x16xf32, #tpu.memory_space<hbm>> -> memref<128x16xf32, #tpu.memory_space<hbm>>
        tpu.enqueue_dma source(%arg8 : memref<128x16xf32, #tpu.memory_space<vmem_shared>>) target(%dma_start3A_554 : memref<128x16xf32, #tpu.memory_space<hbm>>) target_semaphore(%run_scoped3A : memref<!tpu.dma_semaphore, #tpu.memory_space<semaphore_mem>>)
        %dma_wait3A_555 = arith.constant 0 : i32
        %dma_wait3A_556 = arith.constant 0 : i32
        %dma_wait3A_557 = tpu.memref_slice %arg5[%arg0, %dma_wait3A_555, %dma_wait3A_556] : memref<2x128x16xf32, #tpu.memory_space<hbm>> -> memref<1x128x16xf32, #tpu.memory_space<hbm>>
        %dma_wait3A_558 = tpu.memref_squeeze %dma_wait3A_557 : memref<1x128x16xf32, #tpu.memory_space<hbm>> -> memref<128x16xf32, #tpu.memory_space<hbm>>
        tpu.wait_dma2 semaphore(%run_scoped3A : memref<!tpu.dma_semaphore, #tpu.memory_space<semaphore_mem>>) src(%arg8 : memref<128x16xf32, #tpu.memory_space<vmem_shared>>) dst(%dma_wait3A_558 : memref<128x16xf32, #tpu.memory_space<hbm>>)
        tpu.yield
      }) : () -> ()
    } else {
    }
    return
  }
}

module attributes {stable_mosaic.version = 14 : i64} {
  func.func @_nodewise_body(%arg0: i32, %arg1: memref<3136x128xf32, #tpu.memory_space<vmem>>, %arg2: memref<3136x128xf32, #tpu.memory_space<vmem>>, %arg3: memref<128x16xf32, #tpu.memory_space<vmem>>, %arg4: memref<128x16xf32, #tpu.memory_space<vmem>>, %arg5: memref<128x16xf32, #tpu.memory_space<vmem>>, %arg6: memref<1x16xf32, #tpu.memory_space<vmem>>, %arg7: memref<1x16xf32, #tpu.memory_space<vmem>>, %arg8: memref<3136x16xf32, #tpu.memory_space<vmem>>) attributes {dimension_semantics = [#tpu.dimension_semantics<arbitrary>], iteration_bounds = array<i64: 16>, scalar_prefetch = 0 : i64, scratch_operands = 0 : i64, tpu.core_type = #tpu.core_type<tc>, window_params = [{transform_indices = @transform_0, window_bounds = array<i64: 3136, 128>}, {transform_indices = @transform_1, window_bounds = array<i64: 3136, 128>}, {pipeline_mode = #tpu.pipeline_mode<synchronous>, transform_indices = @transform_2, window_bounds = array<i64: 128, 16>}, {pipeline_mode = #tpu.pipeline_mode<synchronous>, transform_indices = @transform_3, window_bounds = array<i64: 128, 16>}, {pipeline_mode = #tpu.pipeline_mode<synchronous>, transform_indices = @transform_4, window_bounds = array<i64: 128, 16>}, {pipeline_mode = #tpu.pipeline_mode<synchronous>, transform_indices = @transform_5, window_bounds = array<i64: 1, 16>}, {pipeline_mode = #tpu.pipeline_mode<synchronous>, transform_indices = @transform_6, window_bounds = array<i64: 1, 16>}, {transform_indices = @transform_7, window_bounds = array<i64: 3136, 16>}]} {
    %get3A = arith.constant 0 : index
    %get3A_0 = arith.constant 0 : index
    %get3A_1 = vector.load %arg1[%get3A, %get3A_0] : memref<3136x128xf32, #tpu.memory_space<vmem>>, vector<3136x128xf32>
    %get3A_2 = arith.constant 0 : index
    %get3A_3 = arith.constant 0 : index
    %get3A_4 = vector.load %arg2[%get3A_2, %get3A_3] : memref<3136x128xf32, #tpu.memory_space<vmem>>, vector<3136x128xf32>
    %get3A_5 = arith.constant 0 : index
    %get3A_6 = arith.constant 0 : index
    %get3A_7 = vector.load %arg3[%get3A_5, %get3A_6] : memref<128x16xf32, #tpu.memory_space<vmem>>, vector<128x16xf32>
    %dot_general3A = arith.constant dense<0.000000e+00> : vector<3136x16xf32>
    %dot_general3A_8 = tpu.matmul %get3A_1, %get3A_7, %dot_general3A {dimension_numbers = #tpu.dot_dimension_numbers<[1], [0], [0], [1], [0, 0, 1, 1], [], []>, transpose_lhs_hint = false} : vector<3136x128xf32>, vector<128x16xf32>, vector<3136x16xf32> -> vector<3136x16xf32>
    %get3A_9 = arith.constant 0 : index
    %get3A_10 = arith.constant 0 : index
    %get3A_11 = vector.load %arg4[%get3A_9, %get3A_10] : memref<128x16xf32, #tpu.memory_space<vmem>>, vector<128x16xf32>
    %dot_general3A_12 = arith.constant dense<0.000000e+00> : vector<3136x16xf32>
    %dot_general3A_13 = tpu.matmul %get3A_4, %get3A_11, %dot_general3A_12 {dimension_numbers = #tpu.dot_dimension_numbers<[1], [0], [0], [1], [0, 0, 1, 1], [], []>, transpose_lhs_hint = false} : vector<3136x128xf32>, vector<128x16xf32>, vector<3136x16xf32> -> vector<3136x16xf32>
    %add3A = arith.addf %dot_general3A_8, %dot_general3A_13 : vector<3136x16xf32>
    %get3A_14 = arith.constant 0 : index
    %get3A_15 = arith.constant 0 : index
    %get3A_16 = vector.load %arg6[%get3A_14, %get3A_15] : memref<1x16xf32, #tpu.memory_space<vmem>>, vector<1x16xf32>
    %add3A_17 = vector.broadcast %get3A_16 : vector<1x16xf32> to vector<3136x16xf32>
    %add3A_18 = arith.addf %add3A, %add3A_17 : vector<3136x16xf32>
    %logistic3A = arith.negf %add3A_18 : vector<3136x16xf32>
    %logistic3A_19 = math.exp %logistic3A : vector<3136x16xf32>
    %logistic3A_20 = arith.constant 1.000000e+00 : f32
    %logistic3A_21 = vector.broadcast %logistic3A_20 : f32 to vector<3136x16xf32>
    %logistic3A_22 = arith.addf %logistic3A_21, %logistic3A_19 : vector<3136x16xf32>
    %logistic3A_23 = arith.divf %logistic3A_21, %logistic3A_22 : vector<3136x16xf32>
    %get3A_24 = arith.constant 0 : index
    %get3A_25 = arith.constant 0 : index
    %get3A_26 = vector.load %arg5[%get3A_24, %get3A_25] : memref<128x16xf32, #tpu.memory_space<vmem>>, vector<128x16xf32>
    %dot_general3A_27 = arith.constant dense<0.000000e+00> : vector<3136x16xf32>
    %dot_general3A_28 = tpu.matmul %get3A_4, %get3A_26, %dot_general3A_27 {dimension_numbers = #tpu.dot_dimension_numbers<[1], [0], [0], [1], [0, 0, 1, 1], [], []>, transpose_lhs_hint = false} : vector<3136x128xf32>, vector<128x16xf32>, vector<3136x16xf32> -> vector<3136x16xf32>
    %get3A_29 = arith.constant 0 : index
    %get3A_30 = arith.constant 0 : index
    %get3A_31 = vector.load %arg7[%get3A_29, %get3A_30] : memref<1x16xf32, #tpu.memory_space<vmem>>, vector<1x16xf32>
    %add3A_32 = vector.broadcast %get3A_31 : vector<1x16xf32> to vector<3136x16xf32>
    %add3A_33 = arith.addf %dot_general3A_28, %add3A_32 : vector<3136x16xf32>
    %mul3A = arith.mulf %logistic3A_23, %add3A_33 : vector<3136x16xf32>
    %add3A_34 = arith.constant 0 : i32
    %add3A_35 = arith.addi %arg0, %add3A_34 : i32
    %mul3A_36 = arith.constant 3136 : i32
    %mul3A_37 = arith.muli %add3A_35, %mul3A_36 : i32
    %iota3A = tpu.iota {dimensions = array<i32: 0>} : vector<3136x1xi32>
    %add3A_38 = vector.broadcast %mul3A_37 : i32 to vector<3136x1xi32>
    %add3A_39 = arith.addi %add3A_38, %iota3A : vector<3136x1xi32>
    %lt3A = arith.constant 100000 : i32
    %lt3A_40 = vector.broadcast %lt3A : i32 to vector<3136x1xi32>
    %lt3A_41 = arith.cmpi slt, %add3A_39, %lt3A_40 : vector<3136x1xi32>
    %jit3A = arith.constant 0.000000e+00 : f32
    %broadcast_in_dim3A = vector.shape_cast %lt3A_41 : vector<3136x1xi1> to vector<3136x1xi1>
    %broadcast_in_dim3A_42 = vector.broadcast %broadcast_in_dim3A : vector<3136x1xi1> to vector<3136x16xi1>
    %broadcast_in_dim3A_43 = vector.broadcast %jit3A : f32 to vector<3136x16xf32>
    %select_n3A = arith.select %broadcast_in_dim3A_42, %mul3A, %broadcast_in_dim3A_43 : vector<3136x16xi1>, vector<3136x16xf32>
    %swap3A = arith.constant 0 : index
    %swap3A_44 = arith.constant 0 : index
    %swap3A_45 = vector.load %arg8[%swap3A, %swap3A_44] : memref<3136x16xf32, #tpu.memory_space<vmem>>, vector<3136x16xf32>
    tpu.vector_store %arg8[%swap3A, %swap3A_44], %select_n3A {strides = array<i32>} : memref<3136x16xf32, #tpu.memory_space<vmem>>, vector<3136x16xf32>,
    return
  }
  func.func @transform_0(%arg0: i32) -> (i32, i32) {
    %add3A = arith.constant 0 : i32
    %add3A_0 = arith.addi %arg0, %add3A : i32
    %c0_i32 = arith.constant 0 : i32
    %c0_i32_1 = arith.constant 0 : i32
    return %add3A_0, %c0_i32 : i32, i32
  }
  func.func @transform_1(%arg0: i32) -> (i32, i32) {
    %add3A = arith.constant 0 : i32
    %add3A_0 = arith.addi %arg0, %add3A : i32
    %c0_i32 = arith.constant 0 : i32
    %c0_i32_1 = arith.constant 0 : i32
    return %add3A_0, %c0_i32 : i32, i32
  }
  func.func @transform_2(%arg0: i32) -> (i32, i32) {
    %c0_i32 = arith.constant 0 : i32
    %c0_i32_0 = arith.constant 0 : i32
    %c0_i32_1 = arith.constant 0 : i32
    return %c0_i32, %c0_i32_0 : i32, i32
  }
  func.func @transform_3(%arg0: i32) -> (i32, i32) {
    %c0_i32 = arith.constant 0 : i32
    %c0_i32_0 = arith.constant 0 : i32
    %c0_i32_1 = arith.constant 0 : i32
    return %c0_i32, %c0_i32_0 : i32, i32
  }
  func.func @transform_4(%arg0: i32) -> (i32, i32) {
    %c0_i32 = arith.constant 0 : i32
    %c0_i32_0 = arith.constant 0 : i32
    %c0_i32_1 = arith.constant 0 : i32
    return %c0_i32, %c0_i32_0 : i32, i32
  }
  func.func @transform_5(%arg0: i32) -> (i32, i32) {
    %c0_i32 = arith.constant 0 : i32
    %c0_i32_0 = arith.constant 0 : i32
    %c0_i32_1 = arith.constant 0 : i32
    return %c0_i32, %c0_i32_0 : i32, i32
  }
  func.func @transform_6(%arg0: i32) -> (i32, i32) {
    %c0_i32 = arith.constant 0 : i32
    %c0_i32_0 = arith.constant 0 : i32
    %c0_i32_1 = arith.constant 0 : i32
    return %c0_i32, %c0_i32_0 : i32, i32
  }
  func.func @transform_7(%arg0: i32) -> (i32, i32) {
    %c0_i32 = arith.constant 0 : i32
    %c0_i32_0 = arith.constant 0 : i32
    return %arg0, %c0_i32 : i32, i32
  }
}

module attributes {stable_mosaic.version = 14 : i64} {
  func.func @_nodewise_body(%arg0: i32, %arg1: memref<3136x128xf32, #tpu.memory_space<vmem>>, %arg2: memref<3136x128xf32, #tpu.memory_space<vmem>>, %arg3: memref<128x16xf32, #tpu.memory_space<vmem>>, %arg4: memref<128x16xf32, #tpu.memory_space<vmem>>, %arg5: memref<128x16xf32, #tpu.memory_space<vmem>>, %arg6: memref<1x16xf32, #tpu.memory_space<vmem>>, %arg7: memref<1x16xf32, #tpu.memory_space<vmem>>, %arg8: memref<3136x16xf32, #tpu.memory_space<vmem>>) attributes {dimension_semantics = [#tpu.dimension_semantics<arbitrary>], iteration_bounds = array<i64: 16>, scalar_prefetch = 0 : i64, scratch_operands = 0 : i64, tpu.core_type = #tpu.core_type<tc>, window_params = [{transform_indices = @transform_0, window_bounds = array<i64: 3136, 128>}, {transform_indices = @transform_1, window_bounds = array<i64: 3136, 128>}, {pipeline_mode = #tpu.pipeline_mode<synchronous>, transform_indices = @transform_2, window_bounds = array<i64: 128, 16>}, {pipeline_mode = #tpu.pipeline_mode<synchronous>, transform_indices = @transform_3, window_bounds = array<i64: 128, 16>}, {pipeline_mode = #tpu.pipeline_mode<synchronous>, transform_indices = @transform_4, window_bounds = array<i64: 128, 16>}, {pipeline_mode = #tpu.pipeline_mode<synchronous>, transform_indices = @transform_5, window_bounds = array<i64: 1, 16>}, {pipeline_mode = #tpu.pipeline_mode<synchronous>, transform_indices = @transform_6, window_bounds = array<i64: 1, 16>}, {transform_indices = @transform_7, window_bounds = array<i64: 3136, 16>}]} {
    %get3A = arith.constant 0 : index
    %get3A_0 = arith.constant 0 : index
    %get3A_1 = vector.load %arg1[%get3A, %get3A_0] : memref<3136x128xf32, #tpu.memory_space<vmem>>, vector<3136x128xf32>
    %get3A_2 = arith.constant 0 : index
    %get3A_3 = arith.constant 0 : index
    %get3A_4 = vector.load %arg2[%get3A_2, %get3A_3] : memref<3136x128xf32, #tpu.memory_space<vmem>>, vector<3136x128xf32>
    %get3A_5 = arith.constant 0 : index
    %get3A_6 = arith.constant 0 : index
    %get3A_7 = vector.load %arg3[%get3A_5, %get3A_6] : memref<128x16xf32, #tpu.memory_space<vmem>>, vector<128x16xf32>
    %dot_general3A = arith.constant dense<0.000000e+00> : vector<3136x16xf32>
    %dot_general3A_8 = tpu.matmul %get3A_1, %get3A_7, %dot_general3A {dimension_numbers = #tpu.dot_dimension_numbers<[1], [0], [0], [1], [0, 0, 1, 1], [], []>, transpose_lhs_hint = false} : vector<3136x128xf32>, vector<128x16xf32>, vector<3136x16xf32> -> vector<3136x16xf32>
    %get3A_9 = arith.constant 0 : index
    %get3A_10 = arith.constant 0 : index
    %get3A_11 = vector.load %arg4[%get3A_9, %get3A_10] : memref<128x16xf32, #tpu.memory_space<vmem>>, vector<128x16xf32>
    %dot_general3A_12 = arith.constant dense<0.000000e+00> : vector<3136x16xf32>
    %dot_general3A_13 = tpu.matmul %get3A_4, %get3A_11, %dot_general3A_12 {dimension_numbers = #tpu.dot_dimension_numbers<[1], [0], [0], [1], [0, 0, 1, 1], [], []>, transpose_lhs_hint = false} : vector<3136x128xf32>, vector<128x16xf32>, vector<3136x16xf32> -> vector<3136x16xf32>
    %add3A = arith.addf %dot_general3A_8, %dot_general3A_13 : vector<3136x16xf32>
    %get3A_14 = arith.constant 0 : index
    %get3A_15 = arith.constant 0 : index
    %get3A_16 = vector.load %arg6[%get3A_14, %get3A_15] : memref<1x16xf32, #tpu.memory_space<vmem>>, vector<1x16xf32>
    %add3A_17 = vector.broadcast %get3A_16 : vector<1x16xf32> to vector<3136x16xf32>
    %add3A_18 = arith.addf %add3A, %add3A_17 : vector<3136x16xf32>
    %logistic3A = arith.negf %add3A_18 : vector<3136x16xf32>
    %logistic3A_19 = math.exp %logistic3A : vector<3136x16xf32>
    %logistic3A_20 = arith.constant 1.000000e+00 : f32
    %logistic3A_21 = vector.broadcast %logistic3A_20 : f32 to vector<3136x16xf32>
    %logistic3A_22 = arith.addf %logistic3A_21, %logistic3A_19 : vector<3136x16xf32>
    %logistic3A_23 = arith.divf %logistic3A_21, %logistic3A_22 : vector<3136x16xf32>
    %get3A_24 = arith.constant 0 : index
    %get3A_25 = arith.constant 0 : index
    %get3A_26 = vector.load %arg5[%get3A_24, %get3A_25] : memref<128x16xf32, #tpu.memory_space<vmem>>, vector<128x16xf32>
    %dot_general3A_27 = arith.constant dense<0.000000e+00> : vector<3136x16xf32>
    %dot_general3A_28 = tpu.matmul %get3A_4, %get3A_26, %dot_general3A_27 {dimension_numbers = #tpu.dot_dimension_numbers<[1], [0], [0], [1], [0, 0, 1, 1], [], []>, transpose_lhs_hint = false} : vector<3136x128xf32>, vector<128x16xf32>, vector<3136x16xf32> -> vector<3136x16xf32>
    %get3A_29 = arith.constant 0 : index
    %get3A_30 = arith.constant 0 : index
    %get3A_31 = vector.load %arg7[%get3A_29, %get3A_30] : memref<1x16xf32, #tpu.memory_space<vmem>>, vector<1x16xf32>
    %add3A_32 = vector.broadcast %get3A_31 : vector<1x16xf32> to vector<3136x16xf32>
    %add3A_33 = arith.addf %dot_general3A_28, %add3A_32 : vector<3136x16xf32>
    %mul3A = arith.mulf %logistic3A_23, %add3A_33 : vector<3136x16xf32>
    %add3A_34 = arith.constant 16 : i32
    %add3A_35 = arith.addi %arg0, %add3A_34 : i32
    %mul3A_36 = arith.constant 3136 : i32
    %mul3A_37 = arith.muli %add3A_35, %mul3A_36 : i32
    %iota3A = tpu.iota {dimensions = array<i32: 0>} : vector<3136x1xi32>
    %add3A_38 = vector.broadcast %mul3A_37 : i32 to vector<3136x1xi32>
    %add3A_39 = arith.addi %add3A_38, %iota3A : vector<3136x1xi32>
    %lt3A = arith.constant 100000 : i32
    %lt3A_40 = vector.broadcast %lt3A : i32 to vector<3136x1xi32>
    %lt3A_41 = arith.cmpi slt, %add3A_39, %lt3A_40 : vector<3136x1xi32>
    %jit3A = arith.constant 0.000000e+00 : f32
    %broadcast_in_dim3A = vector.shape_cast %lt3A_41 : vector<3136x1xi1> to vector<3136x1xi1>
    %broadcast_in_dim3A_42 = vector.broadcast %broadcast_in_dim3A : vector<3136x1xi1> to vector<3136x16xi1>
    %broadcast_in_dim3A_43 = vector.broadcast %jit3A : f32 to vector<3136x16xf32>
    %select_n3A = arith.select %broadcast_in_dim3A_42, %mul3A, %broadcast_in_dim3A_43 : vector<3136x16xi1>, vector<3136x16xf32>
    %swap3A = arith.constant 0 : index
    %swap3A_44 = arith.constant 0 : index
    %swap3A_45 = vector.load %arg8[%swap3A, %swap3A_44] : memref<3136x16xf32, #tpu.memory_space<vmem>>, vector<3136x16xf32>
    tpu.vector_store %arg8[%swap3A, %swap3A_44], %select_n3A {strides = array<i32>} : memref<3136x16xf32, #tpu.memory_space<vmem>>, vector<3136x16xf32>,
    return
  }
  func.func @transform_0(%arg0: i32) -> (i32, i32) {
    %add3A = arith.constant 16 : i32
    %add3A_0 = arith.addi %arg0, %add3A : i32
    %c0_i32 = arith.constant 0 : i32
    %c0_i32_1 = arith.constant 0 : i32
    return %add3A_0, %c0_i32 : i32, i32
  }
  func.func @transform_1(%arg0: i32) -> (i32, i32) {
    %add3A = arith.constant 16 : i32
    %add3A_0 = arith.addi %arg0, %add3A : i32
    %c0_i32 = arith.constant 0 : i32
    %c0_i32_1 = arith.constant 0 : i32
    return %add3A_0, %c0_i32 : i32, i32
  }
  func.func @transform_2(%arg0: i32) -> (i32, i32) {
    %c0_i32 = arith.constant 0 : i32
    %c0_i32_0 = arith.constant 0 : i32
    %c0_i32_1 = arith.constant 0 : i32
    return %c0_i32, %c0_i32_0 : i32, i32
  }
  func.func @transform_3(%arg0: i32) -> (i32, i32) {
    %c0_i32 = arith.constant 0 : i32
    %c0_i32_0 = arith.constant 0 : i32
    %c0_i32_1 = arith.constant 0 : i32
    return %c0_i32, %c0_i32_0 : i32, i32
  }
  func.func @transform_4(%arg0: i32) -> (i32, i32) {
    %c0_i32 = arith.constant 0 : i32
    %c0_i32_0 = arith.constant 0 : i32
    %c0_i32_1 = arith.constant 0 : i32
    return %c0_i32, %c0_i32_0 : i32, i32
  }
  func.func @transform_5(%arg0: i32) -> (i32, i32) {
    %c0_i32 = arith.constant 0 : i32
    %c0_i32_0 = arith.constant 0 : i32
    %c0_i32_1 = arith.constant 0 : i32
    return %c0_i32, %c0_i32_0 : i32, i32
  }
  func.func @transform_6(%arg0: i32) -> (i32, i32) {
    %c0_i32 = arith.constant 0 : i32
    %c0_i32_0 = arith.constant 0 : i32
    %c0_i32_1 = arith.constant 0 : i32
    return %c0_i32, %c0_i32_0 : i32, i32
  }
  func.func @transform_7(%arg0: i32) -> (i32, i32) {
    %c0_i32 = arith.constant 0 : i32
    %c0_i32_0 = arith.constant 0 : i32
    return %arg0, %c0_i32 : i32, i32
  }
}

module attributes {stable_mosaic.version = 14 : i64} {
  func.func @_head_body(%arg0: memref<2x128x16xf32, #tpu.memory_space<vmem>>, %arg1: memref<2x128x16xf32, #tpu.memory_space<vmem>>, %arg2: memref<128x16xf32, #tpu.memory_space<vmem>>, %arg3: memref<1x16xf32, #tpu.memory_space<vmem>>, %arg4: memref<1x16xf32, #tpu.memory_space<vmem>>, %arg5: memref<1x16xf32, #tpu.memory_space<vmem>>, %arg6: memref<1x16xf32, #tpu.memory_space<vmem>>, %arg7: memref<16x32xf32, #tpu.memory_space<vmem>>, %arg8: memref<16x32xf32, #tpu.memory_space<vmem>>, %arg9: memref<1x32xf32, #tpu.memory_space<vmem>>, %arg10: memref<32x16xf32, #tpu.memory_space<vmem>>, %arg11: memref<1x16xf32, #tpu.memory_space<vmem>>, %arg12: memref<128x16xf32, #tpu.memory_space<vmem>>) attributes {dimension_semantics = [], scalar_prefetch = 0 : i64, scratch_operands = 0 : i64, tpu.core_type = #tpu.core_type<tc>} {
    %get3A = arith.constant 0 : index
    %get3A_0 = arith.constant 0 : index
    %get3A_1 = arith.constant 0 : index
    %get3A_2 = vector.load %arg0[%get3A, %get3A_0, %get3A_1] : memref<2x128x16xf32, #tpu.memory_space<vmem>>, vector<1x128x16xf32>
    %get3A_3 = vector.shape_cast %get3A_2 : vector<1x128x16xf32> to vector<128x16xf32>
    %get3A_4 = arith.constant 1 : index
    %get3A_5 = arith.constant 0 : index
    %get3A_6 = arith.constant 0 : index
    %get3A_7 = vector.load %arg0[%get3A_4, %get3A_5, %get3A_6] : memref<2x128x16xf32, #tpu.memory_space<vmem>>, vector<1x128x16xf32>
    %get3A_8 = vector.shape_cast %get3A_7 : vector<1x128x16xf32> to vector<128x16xf32>
    %add3A = arith.addf %get3A_3, %get3A_8 : vector<128x16xf32>
    %get3A_9 = arith.constant 0 : index
    %get3A_10 = arith.constant 0 : index
    %get3A_11 = arith.constant 0 : index
    %get3A_12 = vector.load %arg1[%get3A_9, %get3A_10, %get3A_11] : memref<2x128x16xf32, #tpu.memory_space<vmem>>, vector<1x128x16xf32>
    %get3A_13 = vector.shape_cast %get3A_12 : vector<1x128x16xf32> to vector<128x16xf32>
    %add3A_14 = arith.addf %add3A, %get3A_13 : vector<128x16xf32>
    %get3A_15 = arith.constant 1 : index
    %get3A_16 = arith.constant 0 : index
    %get3A_17 = arith.constant 0 : index
    %get3A_18 = vector.load %arg1[%get3A_15, %get3A_16, %get3A_17] : memref<2x128x16xf32, #tpu.memory_space<vmem>>, vector<1x128x16xf32>
    %get3A_19 = vector.shape_cast %get3A_18 : vector<1x128x16xf32> to vector<128x16xf32>
    %add3A_20 = arith.addf %add3A_14, %get3A_19 : vector<128x16xf32>
    %get3A_21 = arith.constant 0 : index
    %get3A_22 = arith.constant 0 : index
    %get3A_23 = vector.load %arg3[%get3A_21, %get3A_22] : memref<1x16xf32, #tpu.memory_space<vmem>>, vector<1x16xf32>
    %get3A_24 = arith.constant 0 : index
    %get3A_25 = arith.constant 0 : index
    %get3A_26 = vector.load %arg4[%get3A_24, %get3A_25] : memref<1x16xf32, #tpu.memory_space<vmem>>, vector<1x16xf32>
    %reduce_sum3A = arith.constant dense<0.000000e+00> : vector<16xf32>
    %reduce_sum3A_27 = vector.multi_reduction <add>, %add3A_20, %reduce_sum3A [0] : vector<128x16xf32> to vector<16xf32>
    %broadcast_in_dim3A = vector.shape_cast %reduce_sum3A_27 : vector<16xf32> to vector<1x16xf32>
    %div3A = arith.constant 1.280000e+02 : f32
    %div3A_28 = vector.broadcast %div3A : f32 to vector<1x16xf32>
    %div3A_29 = arith.divf %broadcast_in_dim3A, %div3A_28 : vector<1x16xf32>
    %sub3A = vector.broadcast %div3A_29 : vector<1x16xf32> to vector<128x16xf32>
    %sub3A_30 = arith.subf %add3A_20, %sub3A : vector<128x16xf32>
    %mul3A = arith.mulf %sub3A_30, %sub3A_30 : vector<128x16xf32>
    %reduce_sum3A_31 = arith.constant dense<0.000000e+00> : vector<16xf32>
    %reduce_sum3A_32 = vector.multi_reduction <add>, %mul3A, %reduce_sum3A_31 [0] : vector<128x16xf32> to vector<16xf32>
    %broadcast_in_dim3A_33 = vector.shape_cast %reduce_sum3A_32 : vector<16xf32> to vector<1x16xf32>
    %div3A_34 = arith.constant 1.280000e+02 : f32
    %div3A_35 = vector.broadcast %div3A_34 : f32 to vector<1x16xf32>
    %div3A_36 = arith.divf %broadcast_in_dim3A_33, %div3A_35 : vector<1x16xf32>
    %add3A_37 = arith.constant 9.99999974E-6 : f32
    %add3A_38 = vector.broadcast %add3A_37 : f32 to vector<1x16xf32>
    %add3A_39 = arith.addf %div3A_36, %add3A_38 : vector<1x16xf32>
    %sqrt3A = math.sqrt %add3A_39 : vector<1x16xf32>
    %div3A_40 = vector.broadcast %sqrt3A : vector<1x16xf32> to vector<128x16xf32>
    %div3A_41 = arith.divf %sub3A_30, %div3A_40 : vector<128x16xf32>
    %mul3A_42 = vector.broadcast %get3A_23 : vector<1x16xf32> to vector<128x16xf32>
    %mul3A_43 = arith.mulf %div3A_41, %mul3A_42 : vector<128x16xf32>
    %add3A_44 = vector.broadcast %get3A_26 : vector<1x16xf32> to vector<128x16xf32>
    %add3A_45 = arith.addf %mul3A_43, %add3A_44 : vector<128x16xf32>
    %get3A_46 = arith.constant 0 : index
    %get3A_47 = arith.constant 0 : index
    %get3A_48 = vector.load %arg2[%get3A_46, %get3A_47] : memref<128x16xf32, #tpu.memory_space<vmem>>, vector<128x16xf32>
    %get3A_49 = arith.constant 0 : index
    %get3A_50 = arith.constant 0 : index
    %get3A_51 = vector.load %arg5[%get3A_49, %get3A_50] : memref<1x16xf32, #tpu.memory_space<vmem>>, vector<1x16xf32>
    %get3A_52 = arith.constant 0 : index
    %get3A_53 = arith.constant 0 : index
    %get3A_54 = vector.load %arg6[%get3A_52, %get3A_53] : memref<1x16xf32, #tpu.memory_space<vmem>>, vector<1x16xf32>
    %reduce_sum3A_55 = arith.constant dense<0.000000e+00> : vector<16xf32>
    %reduce_sum3A_56 = vector.multi_reduction <add>, %get3A_48, %reduce_sum3A_55 [0] : vector<128x16xf32> to vector<16xf32>
    %broadcast_in_dim3A_57 = vector.shape_cast %reduce_sum3A_56 : vector<16xf32> to vector<1x16xf32>
    %div3A_58 = arith.constant 1.280000e+02 : f32
    %div3A_59 = vector.broadcast %div3A_58 : f32 to vector<1x16xf32>
    %div3A_60 = arith.divf %broadcast_in_dim3A_57, %div3A_59 : vector<1x16xf32>
    %sub3A_61 = vector.broadcast %div3A_60 : vector<1x16xf32> to vector<128x16xf32>
    %sub3A_62 = arith.subf %get3A_48, %sub3A_61 : vector<128x16xf32>
    %mul3A_63 = arith.mulf %sub3A_62, %sub3A_62 : vector<128x16xf32>
    %reduce_sum3A_64 = arith.constant dense<0.000000e+00> : vector<16xf32>
    %reduce_sum3A_65 = vector.multi_reduction <add>, %mul3A_63, %reduce_sum3A_64 [0] : vector<128x16xf32> to vector<16xf32>
    %broadcast_in_dim3A_66 = vector.shape_cast %reduce_sum3A_65 : vector<16xf32> to vector<1x16xf32>
    %div3A_67 = arith.constant 1.280000e+02 : f32
    %div3A_68 = vector.broadcast %div3A_67 : f32 to vector<1x16xf32>
    %div3A_69 = arith.divf %broadcast_in_dim3A_66, %div3A_68 : vector<1x16xf32>
    %add3A_70 = arith.constant 9.99999974E-6 : f32
    %add3A_71 = vector.broadcast %add3A_70 : f32 to vector<1x16xf32>
    %add3A_72 = arith.addf %div3A_69, %add3A_71 : vector<1x16xf32>
    %sqrt3A_73 = math.sqrt %add3A_72 : vector<1x16xf32>
    %div3A_74 = vector.broadcast %sqrt3A_73 : vector<1x16xf32> to vector<128x16xf32>
    %div3A_75 = arith.divf %sub3A_62, %div3A_74 : vector<128x16xf32>
    %mul3A_76 = vector.broadcast %get3A_51 : vector<1x16xf32> to vector<128x16xf32>
    %mul3A_77 = arith.mulf %div3A_75, %mul3A_76 : vector<128x16xf32>
    %add3A_78 = vector.broadcast %get3A_54 : vector<1x16xf32> to vector<128x16xf32>
    %add3A_79 = arith.addf %mul3A_77, %add3A_78 : vector<128x16xf32>
    %get3A_80 = arith.constant 0 : index
    %get3A_81 = arith.constant 0 : index
    %get3A_82 = vector.load %arg7[%get3A_80, %get3A_81] : memref<16x32xf32, #tpu.memory_space<vmem>>, vector<16x32xf32>
    %dot_general3A = arith.constant dense<0.000000e+00> : vector<128x32xf32>
    %dot_general3A_83 = tpu.matmul %add3A_45, %get3A_82, %dot_general3A {dimension_numbers = #tpu.dot_dimension_numbers<[1], [0], [0], [1], [0, 0, 1, 1], [], []>, transpose_lhs_hint = false} : vector<128x16xf32>, vector<16x32xf32>, vector<128x32xf32> -> vector<128x32xf32>
    %get3A_84 = arith.constant 0 : index
    %get3A_85 = arith.constant 0 : index
    %get3A_86 = vector.load %arg8[%get3A_84, %get3A_85] : memref<16x32xf32, #tpu.memory_space<vmem>>, vector<16x32xf32>
    %dot_general3A_87 = arith.constant dense<0.000000e+00> : vector<128x32xf32>
    %dot_general3A_88 = tpu.matmul %add3A_79, %get3A_86, %dot_general3A_87 {dimension_numbers = #tpu.dot_dimension_numbers<[1], [0], [0], [1], [0, 0, 1, 1], [], []>, transpose_lhs_hint = false} : vector<128x16xf32>, vector<16x32xf32>, vector<128x32xf32> -> vector<128x32xf32>
    %add3A_89 = arith.addf %dot_general3A_83, %dot_general3A_88 : vector<128x32xf32>
    %get3A_90 = arith.constant 0 : index
    %get3A_91 = arith.constant 0 : index
    %get3A_92 = vector.load %arg9[%get3A_90, %get3A_91] : memref<1x32xf32, #tpu.memory_space<vmem>>, vector<1x32xf32>
    %add3A_93 = vector.broadcast %get3A_92 : vector<1x32xf32> to vector<128x32xf32>
    %add3A_94 = arith.addf %add3A_89, %add3A_93 : vector<128x32xf32>
    %max3A = arith.constant 0.000000e+00 : f32
    %max3A_95 = vector.broadcast %max3A : f32 to vector<128x32xf32>
    %max3A_96 = arith.maximumf %add3A_94, %max3A_95 : vector<128x32xf32>
    %get3A_97 = arith.constant 0 : index
    %get3A_98 = arith.constant 0 : index
    %get3A_99 = vector.load %arg10[%get3A_97, %get3A_98] : memref<32x16xf32, #tpu.memory_space<vmem>>, vector<32x16xf32>
    %dot_general3A_100 = arith.constant dense<0.000000e+00> : vector<128x16xf32>
    %dot_general3A_101 = tpu.matmul %max3A_96, %get3A_99, %dot_general3A_100 {dimension_numbers = #tpu.dot_dimension_numbers<[1], [0], [0], [1], [0, 0, 1, 1], [], []>, transpose_lhs_hint = false} : vector<128x32xf32>, vector<32x16xf32>, vector<128x16xf32> -> vector<128x16xf32>
    %get3A_102 = arith.constant 0 : index
    %get3A_103 = arith.constant 0 : index
    %get3A_104 = vector.load %arg11[%get3A_102, %get3A_103] : memref<1x16xf32, #tpu.memory_space<vmem>>, vector<1x16xf32>
    %add3A_105 = vector.broadcast %get3A_104 : vector<1x16xf32> to vector<128x16xf32>
    %add3A_106 = arith.addf %dot_general3A_101, %add3A_105 : vector<128x16xf32>
    %swap3A = arith.constant 0 : index
    %swap3A_107 = arith.constant 0 : index
    %swap3A_108 = vector.load %arg12[%swap3A, %swap3A_107] : memref<128x16xf32, #tpu.memory_space<vmem>>, vector<128x16xf32>
    tpu.vector_store %arg12[%swap3A, %swap3A_107], %add3A_106 {strides = array<i32>} : memref<128x16xf32, #tpu.memory_space<vmem>>, vector<128x16xf32>,
    return
  }
}

</mosaic_0001>

<sc_bundles>
// kernel: kernel.10.cloned.1.call-start
scs
__scs_entry_jumppad:
0x0: {  	(pc) =	sbr.rel $0x88, $3  }
0x1: {  	(tag) =	ssettag $0x0;
	lr =	simm.s32 $0x1  }
0x2: {  	[smem:$0x3F93] =	sst lr;
	_ =	strace $0xD0000000  }
0x3: {  	_ = 	snop  }
0x4: {  	_ = 	snop  }
0x5: {  	_ = 	snop  }
0x6: {  	_ = 	snop  }
0x7: {  	_ = 	snop  }
__scs_overlays_trampoline_lowered:
0x8: {  	[smem:$0x3FA2] =	sst s0  }
0x9: {  	[smem:$0x3FA3] =	sst s1  }
0xa: {  	[smem:$0x3FA4] =	sst s2  }
0xb: {  	[smem:$0x3FA5] =	sst s3  }
0xc: {  	[smem:$0x3FA6] =	sst s4  }
0xd: {  	[smem:$0x3FA7] =	sst s5  }
0xe: {  	[smem:$0x3FA8] =	sst s6  }
0xf: {  	[smem:$0x3FA9] =	sst s7  }
0x10: {  	[smem:$0x3FAA] =	sst s8  }
0x11: {  	[smem:$0x3FAB] =	sst s9;
	s0 =	simm.s32 @!p0 $0x0  }
0x12: {  	s1 =	sld [smem:$0x3F91];
	s0 =	simm.s32 @p0 $0x1  }
0x13: {  	[smem:$0x3FAC] =	sst s0;
	s0 =	simm.s32 @!p1 $0x0  }
0x14: {  	s2 =	sld [smem:$0x3F90];
	s0 =	simm.s32 @p1 $0x1  }
0x15: {  	[smem:$0x3FAD] =	sst s0;
	s0 =	simm.s32 @!p2 $0x0  }
0x16: {  	s3 =	sld [smem:$0x3FDB];
	s0 =	simm.s32 @p2 $0x1  }
0x17: {  	s4 =	simm.s32 $0x1BF5;
	[smem:$0x3FAF] =	sst s0  }
0x18: {  	s0 =	sld [smem:$0x3F92];
	_ =	swait.ge [sflag:s4], $0x0  }
0x19: {  	s7 =	sld [smem:$0x3F93]  }
0x1a: {  	s8 =	sadd.s32 $0xFFFFE003, lr  }
0x1b: {  	s9 =	sadd.s32 $0xFFFFFEF7, lr;
	s5 =	simm.s32 $0xFFFFFFFF;
	p2 =	slt.u32 s8, $0xFFFFF086  }
0x1c: {  	p1 =	slt.u32 s9, $0xF7A;
	s5 =	simm.s32 @!p2 $0x0  }
0x1d: {  	s5 =	simm.s32 @p1 $0x1;
	p0 =	seq.s32 s7, s2  }
0x1e: {  	s7 =	smul.u32 @!p0 $0xF7A, s2;
	p2 =	seq.s32 @!p0 s5, $0x0  }
0x1f: {  	s9 =	smul.u32 $0xF7A, s1;
	s8 =	simm.s32 @!p0 $0x1BF5;
	p2 =	por !p2, p0  }
0x20: {  	[sflag:s8] =	ssyncset.s32 @!p0 $0xFFFFF086;
	s6 =	sadd.s32 @!p0 s3, s7;
	s7 =	simm.s32 @!p0 $0x108  }
0x21: {  	s3 =	sadd.s32 s3, s9;
	s6 =	sadd.s32 @!p0 $0x88, s6;
	s7 =	simm.s32 @p2 $0x1082  }
0x22: {  	[simem:s7], [sflag:s8] =	dma.local @!p0 [hbm:s6], $0xF7A  }
0x23: {  	s9 =	sor.u32 $0xD0000000, s2;
	s6 =	simm.s32 $0x108;
	_ =	swait.ge @!p0 [sflag:s8], $0x0  }
0x24: {  	s3 =	sadd.s32 $0x88, s3;
	s6 =	simm.s32 @!p1 $0x1082;
	[sflag:s4] =	ssyncset.s32 $0xFFFFF086  }
0x25: {  	[simem:s6], [sflag:s4] =	dma.local [hbm:s3], $0xF7A  }
0x26: {  	[smem:$0x3F93] =	sst s1;
	(tag) =	ssettag s2;
	_ =	strace s9  }
0x27: {  	s1 =	sld [smem:$0x3FA3]  }
0x28: {  	s2 =	sld [smem:$0x3FA4]  }
0x29: {  	s4 =	sld [smem:$0x3FA6]  }
0x2a: {  	p0 =	seq.s32 s5, $0x0;
	s5 =	sld [smem:$0x3FA7]  }
0x2b: {  	s6 =	sld [smem:$0x3FA8]  }
0x2c: {  	s7 =	sld [smem:$0x3FA9]  }
0x2d: {  	s3 =	simm.s32 $0x108;
	s8 =	sld [smem:$0x3FAA]  }
0x2e: {  	s3 =	simm.s32 @!p0 $0x1082;
	s9 =	sld [smem:$0x3FAB]  }
0x2f: {  	lr =	sadd.s32 s0, s3;
	s0 =	sld [smem:$0x3FA2]  }
0x30: {  	s3 =	sld [smem:$0x3FA5]  }
0x31: {  	[smem:$0x3FAE] =	sst s10  }
0x32: {  	s10 =	sld [smem:$0x3FAC];
	_ =	sdelay $0x3  }
0x33: {  	p0 =	seq.s32 s10, $0x1;
	s10 =	sld [smem:$0x3FAE];
	_ =	sdelay $0x3  }
0x34: {  	[smem:$0x3FAE] =	sst s10  }
0x35: {  	s10 =	sld [smem:$0x3FAD];
	_ =	sdelay $0x3  }
0x36: {  	p1 =	seq.s32 s10, $0x1;
	s10 =	sld [smem:$0x3FAE];
	_ =	sdelay $0x3  }
0x37: {  	[smem:$0x3FAE] =	sst s10  }
0x38: {  	s10 =	sld [smem:$0x3FAF]  }
0x39: {  	_ = 	snop;
	(pc) =	sbr.ind lr, $3  }
0x3a: {  	_ = 	snop  }
0x3b: {  	_ = 	snop  }
0x3c: {  	p2 =	seq.s32 s10, $0x1;
	s10 =	sld [smem:$0x3FAE]  }
0x3d: {  	_ =	shalt  }
0x3e: {  	_ =	shalt  }
0x3f: {  	_ =	shalt  }
0x40: {  	_ =	shalt  }
0x41: {  	_ =	shalt  }
0x42: {  	_ =	shalt  }
0x43: {  	_ =	shalt  }
0x44: {  	_ =	shalt  }
0x45: {  	_ =	shalt  }
0x46: {  	_ =	shalt  }
0x47: {  	_ =	shalt  }
0x48: {  	_ =	shalt  }
0x49: {  	_ =	shalt  }
0x4a: {  	_ =	shalt  }
0x4b: {  	_ =	shalt  }
0x4c: {  	_ =	shalt  }
0x4d: {  	_ =	shalt  }
0x4e: {  	_ =	shalt  }
0x4f: {  	_ =	shalt  }
0x50: {  	_ =	shalt  }
0x51: {  	_ =	shalt  }
0x52: {  	_ =	shalt  }
0x53: {  	_ =	shalt  }
0x54: {  	_ =	shalt  }
0x55: {  	_ =	shalt  }
0x56: {  	_ =	shalt  }
0x57: {  	_ =	shalt  }
0x58: {  	_ =	shalt  }
0x59: {  	_ =	shalt  }
0x5a: {  	_ =	shalt  }
0x5b: {  	_ =	shalt  }
0x5c: {  	_ =	shalt  }
0x5d: {  	_ =	shalt  }
0x5e: {  	_ =	shalt  }
0x5f: {  	_ =	shalt  }
0x60: {  	_ =	shalt  }
0x61: {  	_ =	shalt  }
0x62: {  	_ =	shalt  }
0x63: {  	_ =	shalt  }
0x64: {  	_ =	shalt  }
0x65: {  	_ =	shalt  }
0x66: {  	_ =	shalt  }
0x67: {  	_ =	shalt  }
0x68: {  	_ =	shalt  }
0x69: {  	_ =	shalt  }
0x6a: {  	_ =	shalt  }
0x6b: {  	_ =	shalt  }
0x6c: {  	_ =	shalt  }
0x6d: {  	_ =	shalt  }
0x6e: {  	_ =	shalt  }
0x6f: {  	_ =	shalt  }
0x70: {  	_ =	shalt  }
0x71: {  	_ =	shalt  }
0x72: {  	_ =	shalt  }
0x73: {  	_ =	shalt  }
0x74: {  	_ =	shalt  }
0x75: {  	_ =	shalt  }
0x76: {  	_ =	shalt  }
0x77: {  	_ =	shalt  }
0x78: {  	_ =	shalt  }
0x79: {  	_ =	shalt  }
0x7a: {  	_ =	shalt  }
0x7b: {  	_ =	shalt  }
0x7c: {  	_ =	shalt  }
0x7d: {  	_ =	shalt  }
0x7e: {  	_ =	shalt  }
0x7f: {  	_ =	shalt  }
0x80: {  	_ =	shalt  }
0x81: {  	_ =	shalt  }
0x82: {  	_ =	shalt  }
0x83: {  	_ =	shalt  }
0x84: {  	_ =	shalt  }
0x85: {  	_ =	shalt  }
0x86: {  	_ =	shalt  }
0x87: {  	_ =	shalt  }
.Lfunc_end0:
.L_simem_size_0:
called_computation.1_lowered:
.L_overlay_start_0:
0x88: {  	s2 =	sld [smem:$0x3FD9]  }
0x89: {  	s3 =	sld [smem:$0x3FFE];
	_ =	sdelay $0x1  }
0x8a: {  	s1 =	srdreg.scid  }
0x8b: {  	s0 =	sand.u32 $0x1, s1  }
0x8c: {  	s16 =	sshll.u32 s0, $0xA;
	s2 =	sadd.s32 s3, s2  }
0x8d: {  	s2 =	sadd.s32 s2, s16  }
0x8e: {  	[smem:$0x3FBA] =	sst s2  }
0x8f: {  	_ = 	snop  }
0x90: {  	(tm) =	ssettm $0x1  }
0x91: {  	s17 =	sld [smem:$0x3FFB];
	_ =	sdelay $0x3  }
0x92: {  	_ =	strace s17  }
0x93: {  	s2 =	sld [smem:$0x3FFC];
	_ =	sdelay $0x3  }
0x94: {  	_ =	strace s2  }
0x95: {  	s2 =	sld [smem:$0x3FFD];
	_ =	sdelay $0x3  }
0x96: {  	_ =	strace s2  }
0x97: {  	_ =	strace $0x8FFFFFFF  }
0x98: {  	s18 =	sld [smem:$0x3FDB];
	_ =	sdelay $0x1  }
0x99: {  	s19 =	simm.s32 $_scs_section_size  }
0x9a: {  	s4 =	simm.s32 $_size__tile_overlayer_lowered;
	s5 =	simm.s32 $_tile_overlayer_lowered  }
0x9b: {  	s22 =	simm.s32 $0x1BFF;
	s21 =	sshll.u32 s5, $0x1;
	s2 =	sadd.s32 s19, s18  }
0x9c: {  	s6 =	simm.s32 $0x0;
	s20 =	sshll.u32 s4, $0x1;
	s4 =	sadd.s32 s21, s2  }
0x9d: {  	[timem:s6], [sflag:s22] =	dma.local [hbm:s4], s20  }
0x9e: {  	_ =	swait.ge [sflag:s22], s20  }
0x9f: {  	s3 =	ssub.s32 $0x0, s20;
	[sflag:s22] =	ssyncset.done $0x0  }
0xa0: {  	[sflag:s22] =	ssyncadd.s32 s3;
	_ =	sdelay $0x1  }
0xa1: {  	s23 =	simm.s32 $0x1B8B  }
0xa2: {  	_ =	swait.ge [sflag:s23], $0x1  }
0xa3: {  	[sflag:s23] =	ssyncset.done $0x0  }
0xa4: {  	s25 =	simm.s32 $0x1B8E;
	s24 =	sld [smem:$0x3FFE];
	[sflag:s23] =	ssyncadd.s32 $0xFFFFFFFF  }
0xa5: {  	s26 =	simm.s32 $execute0_lowered;
	[smem:$0x3FD2] =	sst s25  }
0xa6: {  	s4 =	sshll.u32 s26, $0x1;
	_ =	strace $0x80000046;
	[dreg:$0x1] =	wrdreg $0xFFFFFFFF  }
0xa7: {  	s28 =	simm.s32 $_size_execute0_lowered;
	s2 =	sadd.s32 s2, s4;
	[dreg:$0x0] =	wrdreg $0x0  }
0xa8: {  	s4 =	sshll.u32 s28, $0x1;
	[dreg:$0x2] =	wrdreg s2  }
0xa9: {  	[dreg:$0x3] =	wrdreg s4  }
0xaa: {  	[dreg:$0x4] =	wrdreg $0xC0  }
0xab: {  	_ =	task [dreg:s6], $0x5FFFF  }
0xac: {  	[dreg:$0x1] =	wrdreg $0xFFFFFFFF  }
0xad: {  	[dreg:$0x0] =	wrdreg $0x60  }
0xae: {  	[dreg:$0x2] =	wrdreg s24  }
0xaf: {  	[dreg:$0x3] =	wrdreg $0xE8000  }
0xb0: {  	[dreg:$0x4] =	wrdreg $0xA  }
0xb1: {  	_ =	task.clear_ibuf [dreg:s6], $0x5FFFF;
	_ =	strace $0x90000046  }
0xb2: {  	s29 =	simm.s32 $0xA;
	_ =	strace $0x80000048  }
0xb3: {  	_ =	swait.ge [sflag:s29], $0x1  }
0xb4: {  	[sflag:s29] =	ssyncadd.s32 $0xFFFFFFFF  }
0xb5: {  	_ =	strace $0x90000048  }
0xb6: {  	_ =	sfence  }
0xb7: {  	s30 =	sld [smem:$0x0];
	_ =	sdelay $0x2  }
0xb8: {  	s31 =	sshll.u32 s1, $0xD;
	s1 =	sshrl.u32 s1, $0x2  }
0xb9: {  	s3 =	sand.u32 $0x4000, s31;
	s1 =	sadd.s32 s1, s30  }
0xba: {  	s0 =	sor.u32 s3, s0;
	s1 =	sshll.u32 s1, $0x11  }
0xbb: {  	s0 =	sor.u32 s1, s0  }
0xbc: {  	s0 =	sadd.s32 $0x8F2B, s0  }
0xbd: {  	[sflag:s0] =	ssyncadd.remote.s32 $0x1  }
0xbe: {  	_ =	sfence.sel $0xFFFF  }
0xbf: {  	[dreg:$0x0] =	wrdreg $0xFFFFFFFF;
	(pc) =	sbr.abs _section_cstart, $3  }
0xc0: {  	[dreg:$0x1] =	wrdreg $0xFFFFFFFF  }
0xc1: {  	_ =	task.clear_ibuf [dreg:s6], $0x2FFFF;
	_ =	strace $0x9FFFFFFF  }
0xc2: {  	(tm) =	ssettm $0x7FFFFFFF  }
0xc3: {  	_ =	shalt  }
tec
execute0_lowered:
.L_overlay_start_1:
0x0: {  	(tag) =	ssettag $0x1  }
0x1: {  	s0 =	rddreg [dreg:$0x0]  }
0x2: {  	s2 =	srdreg.scid;
	s1 =	rddreg [dreg:$0x1]  }
0x3: {  	s4 =	stileid.u32;
	s31 =	rddreg [dreg:$0x2]  }
0x4: {  	s28 =	simm.s32 $0x3;
	s11 =	simm.s32 $0x7800;
	s10 =	simm.s32 $0x4000  }
0x5: {  	s13 =	simm.s32 $0xB000;
	s18 =	simm.s32 $0x400;
	s19 =	simm.s32 $0x480  }
0x6: {  	p1 =	por $0x0, $0x0;
	s17 =	simm.s32 $0x580;
	s15 =	simm.s32 $0x600  }
0x7: {  	s16 =	simm.s32 $0x680;
	s3 =	sand.u32 $0x1, s2;
	s5 =	sshll.u32 s4, $0x1  }
0x8: {  	s2 =	simm.s32 $0x0;
	s8 =	sadd.s32 $0x4400, s0;
	s9 =	sadd.s32 $0xC8400, s0  }
0x9: {  	p0 =	sne.s32 s4, $0x0;
	s5 =	sor.u32 s3, s5;
	[smem:$0x7FF] =	sst s2  }
0xa: {  	s21 =	sshll.u32 s3, $0xB;
	s3 =	ssub.s32 $0x2, s3;
	s4 =	sshrl.u32 @!p0 s1, $0x3  }
0xb: {  	s6 =	smul.u32 $0x6200, s5;
	_ =	strace $0x80000047;
	s7 =	sshll.u32 s5, $0x8  }
0xc: {  	s5 =	smul.u32 $0x31000, s5;
	[dreg:$0x3] =	wrdreg s9;
	s25 =	sshrl.u32 s3, $0x1  }
0xd: {  	s9 =	simm.s32 $0x70;
	s7 =	sadd.s32 s7, s0;
	s0 =	sadd.s32 s21, s0  }
0xe: {  	s29 =	ssub.s32 s3, s25;
	s25 =	simm.s32 $0x180;
	s21 =	simm.s32 $0x380  }
0xf: {  	s6 =	sadd.s32 s8, s6;
	s3 =	sadd.s32 $0xC8C00, s0;
	s0 =	rddreg [dreg:$0x3]  }
0x10: {  	s5 =	sshrl.u32 s5, $0x3;
	s20 =	sadd.s32 $0x2400, s7;
	[dreg:$0x4] =	wrdreg s6  }
0x11: {  	s30 =	smax.u32 s29, $0x1;
	s5 =	sadd.s32 s8, s5;
	[dreg:$0x5] =	wrdreg s20  }
0x12: {  	s6 =	simm.s32 $0x800;
	s8 =	simm.s32 $0x1;
	s14 =	sadd.s32 $0xFFFFFFFF, s30  }
0x13: {  	s20 =	simm.s32 $0x300;
	s22 =	sadd.s32 $0xE00, s5;
	p2 =	sne.s32 s14, $0x0  }
.Ltmp0:
0x14: {  	s23 =	sadd.s32 $0x1C00, s5;
	[dreg:$0x6] =	wrdreg s22;
	(pc) =	sbr.rel @!p2 .LBB2_1-.Ltmp0, $4  }
0x15: {  	s24 =	sadd.s32 $0x2A00, s5;
	s26 =	sadd.s32 $0x3800, s5;
	[dreg:$0x7] =	wrdreg s23  }
0x16: {  	s12 =	sadd.s32 $0x4600, s5;
	s7 =	sadd.s32 $0x5400, s5;
	[dreg:$0x8] =	wrdreg s24  }
0x17: {  	s5 =	simm.s32 $0x2;
	[dreg:$0x9] =	wrdreg s26;
	s26 =	simm.s32 $0x80  }
0x18: {  	s24 =	simm.s32 $0x100;
	s22 =	simm.s32 $0x200;
	s23 =	simm.s32 $0x280  }
0x19: {  	s30 =	simm.s32 @!p0 $0x1C03;
	s29 =	simm.s32 @!p0 $0x3  }
0x1a: {  	[spmem:s4], [sflag:s30] =	dma.local @!p0 [hbm:s0], $0x800  }
0x1b: {  	_ =	swait.ge @!p0 [sflag:s29], $0x800  }
0x1c: {  	[sflag:s29] =	ssyncset.done @!p0 $0x0  }
0x1d: {  	s0 =	rddreg [dreg:$0x4];
	[sflag:s29] =	ssyncadd.s32 @!p0 $0xFFFFF800  }
0x1e: {  	[tilespmem:s6], [sflag:$0x1] =	stream.linear.gather [hbm4b:s0+s2], $0x7000, $0x38;
	[tilespmem:$0xE880] =	vst v63  }
0x1f: {  	s31 =	rddreg [dreg:$0x5]  }
0x20: {  	[tilespmem:s2], [sflag:$0x3] =	stream.linear.gather [hbm4b:s31+s2], $0x700, $0x38;
	[tilespmem:$0xE880] =	vst v63  }
0x21: {  	_ =	swait.ge [sflag:s28], $0x700  }
0x22: {  	[sflag:s28] =	ssyncset.done $0x0  }
0x23: {  	[sflag:s28] =	ssyncadd.s32 $0xFFFFF900  }
0x24: {  	[bflag:$0x0] =	sbarrier.arrive $0xFFFF  }
0x25: {  	_ =	swait.ge [sflag:s8], $0x7000  }
0x26: {  	[sflag:s8] =	ssyncset.done $0x0  }
0x27: {  	s0 =	rddreg [dreg:$0x6];
	[sflag:s8] =	ssyncadd.s32 $0xFFFF9000  }
0x28: {  	[tilespmem:s11], [sflag:$0x1] =	stream.linear.gather [hbm4b:s0+s2], $0x7000, $0x38;
	[tilespmem:$0xE880] =	vst v63  }
0x29: {  	_ = 	snop  }
0x2a: {  	[spmem:s1] =	stream.indirect.scatter.add.f32 [tilespmem:s6], [sflag:$0x2], $0x10, s2, s9, $0xb8;
	[tilespmem:$0xE880] =	vst v63  }
0x2b: {  	_ = 	snop  }
0x2c: {  	[spmem:s1] =	stream.indirect.scatter.add.f32 [tilespmem:s10], [sflag:$0x2], $0x10, s26, s9, $0xb8;
	[tilespmem:$0xE880] =	vst v63  }
0x2d: {  	_ =	swait.ge [sflag:s8], $0x7000  }
0x2e: {  	[sflag:s8] =	ssyncset.done $0x0  }
0x2f: {  	[sflag:s8] =	ssyncadd.s32 $0xFFFF9000  }
0x30: {  	_ =	swait.ge [sflag:s5], $0x700  }
0x31: {  	[sflag:s5] =	ssyncset.done $0x0  }
0x32: {  	[sflag:s5] =	ssyncadd.s32 $0xFFFFF900  }
0x33: {  	_ =	swait.ge [sflag:s5], $0x700  }
0x34: {  	[sflag:s5] =	ssyncset.done $0x0  }
0x35: {  	s0 =	rddreg [dreg:$0x7];
	[sflag:s5] =	ssyncadd.s32 $0xFFFFF900  }
0x36: {  	[tilespmem:s6], [sflag:$0x1] =	stream.linear.gather [hbm4b:s0+s2], $0x7000, $0x38;
	[tilespmem:$0xE880] =	vst v63  }
0x37: {  	_ = 	snop  }
0x38: {  	[spmem:s1] =	stream.indirect.scatter.add.f32 [tilespmem:s11], [sflag:$0x2], $0x10, s24, s9, $0xb8;
	[tilespmem:$0xE880] =	vst v63  }
0x39: {  	_ = 	snop  }
0x3a: {  	[spmem:s1] =	stream.indirect.scatter.add.f32 [tilespmem:s13], [sflag:$0x2], $0x10, s25, s9, $0xb8;
	[tilespmem:$0xE880] =	vst v63  }
0x3b: {  	_ =	swait.ge [sflag:s8], $0x7000  }
0x3c: {  	[sflag:s8] =	ssyncset.done $0x0  }
0x3d: {  	[sflag:s8] =	ssyncadd.s32 $0xFFFF9000  }
0x3e: {  	_ =	swait.ge [sflag:s5], $0x700  }
0x3f: {  	[sflag:s5] =	ssyncset.done $0x0  }
0x40: {  	[sflag:s5] =	ssyncadd.s32 $0xFFFFF900  }
0x41: {  	_ =	swait.ge [sflag:s5], $0x700  }
0x42: {  	[sflag:s5] =	ssyncset.done $0x0  }
0x43: {  	s0 =	rddreg [dreg:$0x8];
	[sflag:s5] =	ssyncadd.s32 $0xFFFFF900  }
0x44: {  	[tilespmem:s11], [sflag:$0x1] =	stream.linear.gather [hbm4b:s0+s2], $0x7000, $0x38;
	[tilespmem:$0xE880] =	vst v63  }
0x45: {  	_ = 	snop  }
0x46: {  	[spmem:s1] =	stream.indirect.scatter.add.f32 [tilespmem:s6], [sflag:$0x2], $0x10, s22, s9, $0xb8;
	[tilespmem:$0xE880] =	vst v63  }
0x47: {  	_ = 	snop  }
0x48: {  	[spmem:s1] =	stream.indirect.scatter.add.f32 [tilespmem:s10], [sflag:$0x2], $0x10, s23, s9, $0xb8;
	[tilespmem:$0xE880] =	vst v63  }
0x49: {  	_ =	swait.ge [sflag:s8], $0x7000  }
0x4a: {  	[sflag:s8] =	ssyncset.done $0x0  }
0x4b: {  	[sflag:s8] =	ssyncadd.s32 $0xFFFF9000  }
0x4c: {  	_ =	swait.ge [sflag:s5], $0x700  }
0x4d: {  	[sflag:s5] =	ssyncset.done $0x0  }
0x4e: {  	[sflag:s5] =	ssyncadd.s32 $0xFFFFF900  }
0x4f: {  	_ =	swait.ge [sflag:s5], $0x700  }
0x50: {  	[sflag:s5] =	ssyncset.done $0x0  }
0x51: {  	s0 =	rddreg [dreg:$0x9];
	[sflag:s5] =	ssyncadd.s32 $0xFFFFF900  }
0x52: {  	[tilespmem:s6], [sflag:$0x1] =	stream.linear.gather [hbm4b:s0+s2], $0x7000, $0x38;
	[tilespmem:$0xE880] =	vst v63  }
0x53: {  	_ = 	snop  }
0x54: {  	[spmem:s1] =	stream.indirect.scatter.add.f32 [tilespmem:s11], [sflag:$0x2], $0x10, s20, s9, $0xb8;
	[tilespmem:$0xE880] =	vst v63  }
0x55: {  	_ = 	snop  }
0x56: {  	[spmem:s1] =	stream.indirect.scatter.add.f32 [tilespmem:s13], [sflag:$0x2], $0x10, s21, s9, $0xb8;
	[tilespmem:$0xE880] =	vst v63  }
0x57: {  	_ =	swait.ge [sflag:s8], $0x7000  }
0x58: {  	[sflag:s8] =	ssyncset.done $0x0  }
0x59: {  	[sflag:s8] =	ssyncadd.s32 $0xFFFF9000  }
0x5a: {  	_ =	swait.ge [sflag:s5], $0x700  }
0x5b: {  	[sflag:s5] =	ssyncset.done $0x0  }
0x5c: {  	[sflag:s5] =	ssyncadd.s32 $0xFFFFF900  }
0x5d: {  	_ =	swait.ge [sflag:s5], $0x700  }
0x5e: {  	[sflag:s5] =	ssyncset.done $0x0  }
0x5f: {  	[sflag:s5] =	ssyncadd.s32 $0xFFFFF900  }
0x60: {  	[tilespmem:s11], [sflag:$0x1] =	stream.linear.gather [hbm4b:s12+s2], $0x7000, $0x38;
	[tilespmem:$0xE880] =	vst v63  }
0x61: {  	_ = 	snop  }
0x62: {  	[spmem:s1] =	stream.indirect.scatter.add.f32 [tilespmem:s6], [sflag:$0x2], $0x10, s18, s9, $0xb8;
	[tilespmem:$0xE880] =	vst v63  }
0x63: {  	_ = 	snop  }
0x64: {  	[spmem:s1] =	stream.indirect.scatter.add.f32 [tilespmem:s10], [sflag:$0x2], $0x10, s19, s9, $0xb8;
	[tilespmem:$0xE880] =	vst v63  }
0x65: {  	_ =	swait.ge [sflag:s8], $0x7000  }
0x66: {  	[sflag:s8] =	ssyncset.done $0x0  }
0x67: {  	[sflag:s8] =	ssyncadd.s32 $0xFFFF9000  }
0x68: {  	_ =	swait.ge [sflag:s5], $0x700  }
0x69: {  	[sflag:s5] =	ssyncset.done $0x0  }
0x6a: {  	[sflag:s5] =	ssyncadd.s32 $0xFFFFF900  }
0x6b: {  	_ =	swait.ge [sflag:s5], $0x700  }
0x6c: {  	[sflag:s5] =	ssyncset.done $0x0  }
0x6d: {  	[sflag:s5] =	ssyncadd.s32 $0xFFFFF900  }
0x6e: {  	[tilespmem:s6], [sflag:$0x1] =	stream.linear.gather [hbm4b:s7+s2], $0x7000, $0x38;
	[tilespmem:$0xE880] =	vst v63  }
0x6f: {  	s0 =	simm.s32 $0x500  }
0x70: {  	[spmem:s1] =	stream.indirect.scatter.add.f32 [tilespmem:s11], [sflag:$0x2], $0x10, s0, s9, $0xb8;
	[tilespmem:$0xE880] =	vst v63  }
0x71: {  	_ = 	snop  }
0x72: {  	[spmem:s1] =	stream.indirect.scatter.add.f32 [tilespmem:s13], [sflag:$0x2], $0x10, s17, s9, $0xb8;
	[tilespmem:$0xE880] =	vst v63  }
0x73: {  	_ =	swait.ge [sflag:s8], $0x7000  }
0x74: {  	[sflag:s8] =	ssyncset.done $0x0  }
0x75: {  	[sflag:s8] =	ssyncadd.s32 $0xFFFF9000  }
0x76: {  	[spmem:s1] =	stream.indirect.scatter.add.f32 [tilespmem:s6], [sflag:$0x2], $0x10, s15, s9, $0xb8;
	[tilespmem:$0xE880] =	vst v63  }
0x77: {  	_ = 	snop  }
0x78: {  	[spmem:s1] =	stream.indirect.scatter.add.f32 [tilespmem:s10], [sflag:$0x2], $0x10, s16, s9, $0xb8;
	[tilespmem:$0xE880] =	vst v63  }
0x79: {  	_ =	swait.ge [sflag:s5], $0x700  }
0x7a: {  	[sflag:s5] =	ssyncset.done $0x0  }
0x7b: {  	[sflag:s5] =	ssyncadd.s32 $0xFFFFF900  }
0x7c: {  	_ =	swait.ge [sflag:s5], $0x700  }
0x7d: {  	[sflag:s5] =	ssyncset.done $0x0  }
0x7e: {  	[sflag:s5] =	ssyncadd.s32 $0xFFFFF900  }
0x7f: {  	_ =	swait.ge [sflag:s5], $0x700  }
0x80: {  	[sflag:s5] =	ssyncset.done $0x0  }
0x81: {  	[sflag:s5] =	ssyncadd.s32 $0xFFFFF900  }
0x82: {  	s31 =	sadd.s32 $0xFFFFFFFF, s14;
	_ =	swait.ge [sflag:s5], $0x700  }
0x83: {  	p2 =	sne.s32 s31, $0x0;
	[sflag:s5] =	ssyncset.done $0x0  }
.Ltmp1:
0x84: {  	[sflag:s5] =	ssyncadd.s32 $0xFFFFF900;
	(pc) =	sbr.rel @!p2 .LBB2_3-.Ltmp1, $4  }
0x85: {  	[bflag:$0x0] =	sbarrier.arrive $0xFFFF  }
0x86: {  	[hbm:s3], [sflag:s30] =	dma.local @!p0 [spmem:s4], $0x800  }
0x87: {  	_ =	swait.ge @!p0 [sflag:s29], $0x800  }
0x88: {  	p1 =	por $0x1, $0x1;
	s0 =	rddreg [dreg:$0x3];
	[sflag:s29] =	ssyncset.done @!p0 $0x0  }
.LBB2_4:
0x89: {  	[sflag:s29] =	ssyncadd.s32 @!p0 $0xFFFFF800  }
0x8a: {  	[spmem:s4], [sflag:s30] =	dma.local @!p0 [hbm:s0], $0x800  }
0x8b: {  	_ =	swait.ge @!p0 [sflag:s29], $0x800  }
0x8c: {  	[sflag:s29] =	ssyncset.done @!p0 $0x0  }
0x8d: {  	s0 =	rddreg [dreg:$0x4];
	[sflag:s29] =	ssyncadd.s32 @!p0 $0xFFFFF800  }
0x8e: {  	[tilespmem:s6], [sflag:$0x1] =	stream.linear.gather [hbm4b:s0+s2], $0x7000, $0x38;
	[tilespmem:$0xE880] =	vst v63  }
0x8f: {  	s14 =	rddreg [dreg:$0x5]  }
0x90: {  	[tilespmem:s2], [sflag:$0x3] =	stream.linear.gather [hbm4b:s14+s2], $0x700, $0x38;
	[tilespmem:$0xE880] =	vst v63  }
0x91: {  	_ =	swait.ge [sflag:s28], $0x700  }
0x92: {  	[sflag:s28] =	ssyncset.done $0x0  }
0x93: {  	[sflag:s28] =	ssyncadd.s32 $0xFFFFF900  }
0x94: {  	[bflag:$0x0] =	sbarrier.arrive $0xFFFF  }
0x95: {  	_ =	swait.ge [sflag:s8], $0x7000  }
0x96: {  	[sflag:s8] =	ssyncset.done $0x0  }
0x97: {  	s0 =	rddreg [dreg:$0x6];
	[sflag:s8] =	ssyncadd.s32 $0xFFFF9000  }
0x98: {  	[tilespmem:s11], [sflag:$0x1] =	stream.linear.gather [hbm4b:s0+s2], $0x7000, $0x38;
	[tilespmem:$0xE880] =	vst v63  }
0x99: {  	_ = 	snop  }
0x9a: {  	[spmem:s1] =	stream.indirect.scatter.add.f32 [tilespmem:s6], [sflag:$0x2], $0x10, s2, s9, $0xb8;
	[tilespmem:$0xE880] =	vst v63  }
0x9b: {  	_ = 	snop  }
0x9c: {  	[spmem:s1] =	stream.indirect.scatter.add.f32 [tilespmem:s10], [sflag:$0x2], $0x10, s26, s9, $0xb8;
	[tilespmem:$0xE880] =	vst v63  }
0x9d: {  	_ =	swait.ge [sflag:s8], $0x7000  }
0x9e: {  	[sflag:s8] =	ssyncset.done $0x0  }
0x9f: {  	[sflag:s8] =	ssyncadd.s32 $0xFFFF9000  }
0xa0: {  	_ =	swait.ge [sflag:s5], $0x700  }
0xa1: {  	[sflag:s5] =	ssyncset.done $0x0  }
0xa2: {  	[sflag:s5] =	ssyncadd.s32 $0xFFFFF900  }
0xa3: {  	_ =	swait.ge [sflag:s5], $0x700  }
0xa4: {  	[sflag:s5] =	ssyncset.done $0x0  }
0xa5: {  	s0 =	rddreg [dreg:$0x7];
	[sflag:s5] =	ssyncadd.s32 $0xFFFFF900  }
0xa6: {  	[tilespmem:s6], [sflag:$0x1] =	stream.linear.gather [hbm4b:s0+s2], $0x7000, $0x38;
	[tilespmem:$0xE880] =	vst v63  }
0xa7: {  	_ = 	snop  }
0xa8: {  	[spmem:s1] =	stream.indirect.scatter.add.f32 [tilespmem:s11], [sflag:$0x2], $0x10, s24, s9, $0xb8;
	[tilespmem:$0xE880] =	vst v63  }
0xa9: {  	_ = 	snop  }
0xaa: {  	[spmem:s1] =	stream.indirect.scatter.add.f32 [tilespmem:s13], [sflag:$0x2], $0x10, s25, s9, $0xb8;
	[tilespmem:$0xE880] =	vst v63  }
0xab: {  	_ =	swait.ge [sflag:s8], $0x7000  }
0xac: {  	[sflag:s8] =	ssyncset.done $0x0  }
0xad: {  	[sflag:s8] =	ssyncadd.s32 $0xFFFF9000  }
0xae: {  	_ =	swait.ge [sflag:s5], $0x700  }
0xaf: {  	[sflag:s5] =	ssyncset.done $0x0  }
0xb0: {  	[sflag:s5] =	ssyncadd.s32 $0xFFFFF900  }
0xb1: {  	_ =	swait.ge [sflag:s5], $0x700  }
0xb2: {  	[sflag:s5] =	ssyncset.done $0x0  }
0xb3: {  	s0 =	rddreg [dreg:$0x8];
	[sflag:s5] =	ssyncadd.s32 $0xFFFFF900  }
0xb4: {  	[tilespmem:s11], [sflag:$0x1] =	stream.linear.gather [hbm4b:s0+s2], $0x7000, $0x38;
	[tilespmem:$0xE880] =	vst v63  }
0xb5: {  	_ = 	snop  }
0xb6: {  	[spmem:s1] =	stream.indirect.scatter.add.f32 [tilespmem:s6], [sflag:$0x2], $0x10, s22, s9, $0xb8;
	[tilespmem:$0xE880] =	vst v63  }
0xb7: {  	_ = 	snop  }
0xb8: {  	[spmem:s1] =	stream.indirect.scatter.add.f32 [tilespmem:s10], [sflag:$0x2], $0x10, s23, s9, $0xb8;
	[tilespmem:$0xE880] =	vst v63  }
0xb9: {  	_ =	swait.ge [sflag:s8], $0x7000  }
0xba: {  	[sflag:s8] =	ssyncset.done $0x0  }
0xbb: {  	[sflag:s8] =	ssyncadd.s32 $0xFFFF9000  }
0xbc: {  	_ =	swait.ge [sflag:s5], $0x700  }
0xbd: {  	[sflag:s5] =	ssyncset.done $0x0  }
0xbe: {  	[sflag:s5] =	ssyncadd.s32 $0xFFFFF900  }
0xbf: {  	_ =	swait.ge [sflag:s5], $0x700  }
0xc0: {  	[sflag:s5] =	ssyncset.done $0x0  }
0xc1: {  	s0 =	rddreg [dreg:$0x9];
	[sflag:s5] =	ssyncadd.s32 $0xFFFFF900  }
0xc2: {  	[tilespmem:s6], [sflag:$0x1] =	stream.linear.gather [hbm4b:s0+s2], $0x7000, $0x38;
	[tilespmem:$0xE880] =	vst v63  }
0xc3: {  	_ = 	snop  }
0xc4: {  	[spmem:s1] =	stream.indirect.scatter.add.f32 [tilespmem:s11], [sflag:$0x2], $0x10, s20, s9, $0xb8;
	[tilespmem:$0xE880] =	vst v63  }
0xc5: {  	_ = 	snop  }
0xc6: {  	[spmem:s1] =	stream.indirect.scatter.add.f32 [tilespmem:s13], [sflag:$0x2], $0x10, s21, s9, $0xb8;
	[tilespmem:$0xE880] =	vst v63  }
0xc7: {  	_ =	swait.ge [sflag:s8], $0x7000  }
0xc8: {  	[sflag:s8] =	ssyncset.done $0x0  }
0xc9: {  	[sflag:s8] =	ssyncadd.s32 $0xFFFF9000  }
0xca: {  	_ =	swait.ge [sflag:s5], $0x700  }
0xcb: {  	[sflag:s5] =	ssyncset.done $0x0  }
0xcc: {  	[sflag:s5] =	ssyncadd.s32 $0xFFFFF900  }
0xcd: {  	_ =	swait.ge [sflag:s5], $0x700  }
0xce: {  	[sflag:s5] =	ssyncset.done $0x0  }
0xcf: {  	[sflag:s5] =	ssyncadd.s32 $0xFFFFF900  }
0xd0: {  	[tilespmem:s11], [sflag:$0x1] =	stream.linear.gather [hbm4b:s12+s2], $0x7000, $0x38;
	[tilespmem:$0xE880] =	vst v63  }
0xd1: {  	_ = 	snop  }
0xd2: {  	[spmem:s1] =	stream.indirect.scatter.add.f32 [tilespmem:s6], [sflag:$0x2], $0x10, s18, s9, $0xb8;
	[tilespmem:$0xE880] =	vst v63  }
0xd3: {  	_ = 	snop  }
0xd4: {  	[spmem:s1] =	stream.indirect.scatter.add.f32 [tilespmem:s10], [sflag:$0x2], $0x10, s19, s9, $0xb8;
	[tilespmem:$0xE880] =	vst v63  }
0xd5: {  	_ =	swait.ge [sflag:s8], $0x7000  }
0xd6: {  	[sflag:s8] =	ssyncset.done $0x0  }
0xd7: {  	[sflag:s8] =	ssyncadd.s32 $0xFFFF9000  }
0xd8: {  	_ =	swait.ge [sflag:s5], $0x700  }
0xd9: {  	[sflag:s5] =	ssyncset.done $0x0  }
0xda: {  	[sflag:s5] =	ssyncadd.s32 $0xFFFFF900  }
0xdb: {  	_ =	swait.ge [sflag:s5], $0x700  }
0xdc: {  	[sflag:s5] =	ssyncset.done $0x0  }
0xdd: {  	[sflag:s5] =	ssyncadd.s32 $0xFFFFF900  }
0xde: {  	[tilespmem:s6], [sflag:$0x1] =	stream.linear.gather [hbm4b:s7+s2], $0x7000, $0x38;
	[tilespmem:$0xE880] =	vst v63  }
0xdf: {  	s14 =	simm.s32 $0x500  }
0xe0: {  	[spmem:s1] =	stream.indirect.scatter.add.f32 [tilespmem:s11], [sflag:$0x2], $0x10, s14, s9, $0xb8;
	[tilespmem:$0xE880] =	vst v63  }
0xe1: {  	_ = 	snop  }
0xe2: {  	[spmem:s1] =	stream.indirect.scatter.add.f32 [tilespmem:s13], [sflag:$0x2], $0x10, s17, s9, $0xb8;
	[tilespmem:$0xE880] =	vst v63  }
0xe3: {  	_ =	swait.ge [sflag:s8], $0x7000  }
0xe4: {  	[sflag:s8] =	ssyncset.done $0x0  }
0xe5: {  	[sflag:s8] =	ssyncadd.s32 $0xFFFF9000  }
0xe6: {  	[spmem:s1] =	stream.indirect.scatter.add.f32 [tilespmem:s6], [sflag:$0x2], $0x10, s15, s9, $0xb8;
	[tilespmem:$0xE880] =	vst v63  }
0xe7: {  	_ = 	snop  }
0xe8: {  	[spmem:s1] =	stream.indirect.scatter.add.f32 [tilespmem:s10], [sflag:$0x2], $0x10, s16, s9, $0xb8;
	[tilespmem:$0xE880] =	vst v63  }
0xe9: {  	_ =	swait.ge [sflag:s5], $0x700  }
0xea: {  	[sflag:s5] =	ssyncset.done $0x0  }
0xeb: {  	[sflag:s5] =	ssyncadd.s32 $0xFFFFF900  }
0xec: {  	_ =	swait.ge [sflag:s5], $0x700  }
0xed: {  	[sflag:s5] =	ssyncset.done $0x0  }
0xee: {  	[sflag:s5] =	ssyncadd.s32 $0xFFFFF900  }
0xef: {  	_ =	swait.ge [sflag:s5], $0x700  }
0xf0: {  	[sflag:s5] =	ssyncset.done $0x0  }
0xf1: {  	[sflag:s5] =	ssyncadd.s32 $0xFFFFF900  }
0xf2: {  	s31 =	sadd.s32 $0xFFFFFFFF, s31;
	_ =	swait.ge [sflag:s5], $0x700  }
0xf3: {  	p2 =	sne.s32 s31, $0x0;
	[sflag:s5] =	ssyncset.done $0x0  }
.Ltmp2:
0xf4: {  	[sflag:s5] =	ssyncadd.s32 $0xFFFFF900;
	(pc) =	sbr.rel @p2 .LBB2_4-.Ltmp2, $4  }
0xf5: {  	[bflag:$0x0] =	sbarrier.arrive $0xFFFF  }
0xf6: {  	[hbm:s3], [sflag:s30] =	dma.local @!p0 [spmem:s4], $0x800  }
0xf7: {  	_ =	swait.ge @!p0 [sflag:s29], $0x800  }
0xf8: {  	s0 =	rddreg [dreg:$0x3];
	[sflag:s29] =	ssyncset.done @!p0 $0x0  }
0xf9: {  	s30 =	simm.s32 $0x500;
	s31 =	rddreg [dreg:$0x2]  }
.LBB2_6:
0xfa: {  	p1 =	por p0, !p1  }
0xfb: {  	s14 =	simm.s32 @!p0 $0x1C03;
	[sflag:s29] =	ssyncadd.s32 @!p1 $0xFFFFF800;
	s29 =	simm.s32 @!p0 $0x3  }
0xfc: {  	[spmem:s4], [sflag:s14] =	dma.local @!p0 [hbm:s0], $0x800  }
0xfd: {  	_ =	swait.ge @!p0 [sflag:s29], $0x800  }
0xfe: {  	[sflag:s29] =	ssyncset.done @!p0 $0x0  }
0xff: {  	s0 =	rddreg [dreg:$0x4];
	[sflag:s29] =	ssyncadd.s32 @!p0 $0xFFFFF800  }
0x100: {  	[tilespmem:s6], [sflag:$0x1] =	stream.linear.gather [hbm4b:s0+s2], $0x7000, $0x38;
	[tilespmem:$0xE880] =	vst v63  }
0x101: {  	s14 =	rddreg [dreg:$0x5]  }
0x102: {  	[tilespmem:s2], [sflag:$0x3] =	stream.linear.gather [hbm4b:s14+s2], $0x700, $0x38;
	[tilespmem:$0xE880] =	vst v63  }
0x103: {  	_ =	swait.ge [sflag:s28], $0x700  }
0x104: {  	[sflag:s28] =	ssyncset.done $0x0  }
0x105: {  	[sflag:s28] =	ssyncadd.s32 $0xFFFFF900  }
0x106: {  	[bflag:$0x0] =	sbarrier.arrive $0xFFFF  }
0x107: {  	_ =	swait.ge [sflag:s8], $0x7000  }
0x108: {  	[sflag:s8] =	ssyncset.done $0x0  }
0x109: {  	s28 =	rddreg [dreg:$0x6];
	[sflag:s8] =	ssyncadd.s32 $0xFFFF9000  }
0x10a: {  	[tilespmem:s11], [sflag:$0x1] =	stream.linear.gather [hbm4b:s28+s2], $0x7000, $0x38;
	[tilespmem:$0xE880] =	vst v63  }
0x10b: {  	_ = 	snop  }
0x10c: {  	[spmem:s1] =	stream.indirect.scatter.add.f32 [tilespmem:s6], [sflag:$0x2], $0x10, s2, s9, $0xb8;
	[tilespmem:$0xE880] =	vst v63  }
0x10d: {  	_ = 	snop  }
0x10e: {  	[spmem:s1] =	stream.indirect.scatter.add.f32 [tilespmem:s10], [sflag:$0x2], $0x10, s26, s9, $0xb8;
	[tilespmem:$0xE880] =	vst v63  }
0x10f: {  	_ =	swait.ge [sflag:s8], $0x7000  }
0x110: {  	[sflag:s8] =	ssyncset.done $0x0  }
0x111: {  	[sflag:s8] =	ssyncadd.s32 $0xFFFF9000  }
0x112: {  	_ =	swait.ge [sflag:s5], $0x700  }
0x113: {  	[sflag:s5] =	ssyncset.done $0x0  }
0x114: {  	[sflag:s5] =	ssyncadd.s32 $0xFFFFF900  }
0x115: {  	_ =	swait.ge [sflag:s5], $0x700  }
0x116: {  	[sflag:s5] =	ssyncset.done $0x0  }
0x117: {  	s14 =	rddreg [dreg:$0x7];
	[sflag:s5] =	ssyncadd.s32 $0xFFFFF900  }
0x118: {  	[tilespmem:s6], [sflag:$0x1] =	stream.linear.gather [hbm4b:s14+s2], $0x7000, $0x38;
	[tilespmem:$0xE880] =	vst v63  }
0x119: {  	_ = 	snop  }
0x11a: {  	[spmem:s1] =	stream.indirect.scatter.add.f32 [tilespmem:s11], [sflag:$0x2], $0x10, s24, s9, $0xb8;
	[tilespmem:$0xE880] =	vst v63  }
0x11b: {  	_ = 	snop  }
0x11c: {  	[spmem:s1] =	stream.indirect.scatter.add.f32 [tilespmem:s13], [sflag:$0x2], $0x10, s25, s9, $0xb8;
	[tilespmem:$0xE880] =	vst v63  }
0x11d: {  	_ =	swait.ge [sflag:s8], $0x7000  }
0x11e: {  	[sflag:s8] =	ssyncset.done $0x0  }
0x11f: {  	[sflag:s8] =	ssyncadd.s32 $0xFFFF9000  }
0x120: {  	_ =	swait.ge [sflag:s5], $0x700  }
0x121: {  	[sflag:s5] =	ssyncset.done $0x0  }
0x122: {  	[sflag:s5] =	ssyncadd.s32 $0xFFFFF900  }
0x123: {  	_ =	swait.ge [sflag:s5], $0x700  }
0x124: {  	[sflag:s5] =	ssyncset.done $0x0  }
0x125: {  	s26 =	rddreg [dreg:$0x8];
	[sflag:s5] =	ssyncadd.s32 $0xFFFFF900  }
0x126: {  	[tilespmem:s11], [sflag:$0x1] =	stream.linear.gather [hbm4b:s26+s2], $0x7000, $0x38;
	[tilespmem:$0xE880] =	vst v63  }
0x127: {  	_ = 	snop  }
0x128: {  	[spmem:s1] =	stream.indirect.scatter.add.f32 [tilespmem:s6], [sflag:$0x2], $0x10, s22, s9, $0xb8;
	[tilespmem:$0xE880] =	vst v63  }
0x129: {  	_ = 	snop  }
0x12a: {  	[spmem:s1] =	stream.indirect.scatter.add.f32 [tilespmem:s10], [sflag:$0x2], $0x10, s23, s9, $0xb8;
	[tilespmem:$0xE880] =	vst v63  }
0x12b: {  	_ =	swait.ge [sflag:s8], $0x7000  }
0x12c: {  	[sflag:s8] =	ssyncset.done $0x0  }
0x12d: {  	[sflag:s8] =	ssyncadd.s32 $0xFFFF9000  }
0x12e: {  	_ =	swait.ge [sflag:s5], $0x700  }
0x12f: {  	[sflag:s5] =	ssyncset.done $0x0  }
0x130: {  	[sflag:s5] =	ssyncadd.s32 $0xFFFFF900  }
0x131: {  	_ =	swait.ge [sflag:s5], $0x700  }
0x132: {  	[sflag:s5] =	ssyncset.done $0x0  }
0x133: {  	s28 =	rddreg [dreg:$0x9];
	[sflag:s5] =	ssyncadd.s32 $0xFFFFF900  }
0x134: {  	[tilespmem:s6], [sflag:$0x1] =	stream.linear.gather [hbm4b:s28+s2], $0x7000, $0x38;
	[tilespmem:$0xE880] =	vst v63  }
0x135: {  	_ = 	snop  }
0x136: {  	[spmem:s1] =	stream.indirect.scatter.add.f32 [tilespmem:s11], [sflag:$0x2], $0x10, s20, s9, $0xb8;
	[tilespmem:$0xE880] =	vst v63  }
0x137: {  	_ = 	snop  }
0x138: {  	[spmem:s1] =	stream.indirect.scatter.add.f32 [tilespmem:s13], [sflag:$0x2], $0x10, s21, s9, $0xb8;
	[tilespmem:$0xE880] =	vst v63  }
0x139: {  	_ =	swait.ge [sflag:s8], $0x7000  }
0x13a: {  	[sflag:s8] =	ssyncset.done $0x0  }
0x13b: {  	[sflag:s8] =	ssyncadd.s32 $0xFFFF9000  }
0x13c: {  	_ =	swait.ge [sflag:s5], $0x700  }
0x13d: {  	[sflag:s5] =	ssyncset.done $0x0  }
0x13e: {  	[sflag:s5] =	ssyncadd.s32 $0xFFFFF900  }
0x13f: {  	_ =	swait.ge [sflag:s5], $0x700  }
0x140: {  	[sflag:s5] =	ssyncset.done $0x0  }
0x141: {  	[sflag:s5] =	ssyncadd.s32 $0xFFFFF900  }
0x142: {  	[tilespmem:s11], [sflag:$0x1] =	stream.linear.gather [hbm4b:s12+s2], $0x7000, $0x38;
	[tilespmem:$0xE880] =	vst v63  }
0x143: {  	_ = 	snop  }
0x144: {  	[spmem:s1] =	stream.indirect.scatter.add.f32 [tilespmem:s6], [sflag:$0x2], $0x10, s18, s9, $0xb8;
	[tilespmem:$0xE880] =	vst v63  }
0x145: {  	_ = 	snop  }
0x146: {  	[spmem:s1] =	stream.indirect.scatter.add.f32 [tilespmem:s10], [sflag:$0x2], $0x10, s19, s9, $0xb8;
	[tilespmem:$0xE880] =	vst v63  }
0x147: {  	_ =	swait.ge [sflag:s8], $0x7000  }
0x148: {  	[sflag:s8] =	ssyncset.done $0x0  }
0x149: {  	[sflag:s8] =	ssyncadd.s32 $0xFFFF9000  }
0x14a: {  	_ =	swait.ge [sflag:s5], $0x700  }
0x14b: {  	[sflag:s5] =	ssyncset.done $0x0  }
0x14c: {  	[sflag:s5] =	ssyncadd.s32 $0xFFFFF900  }
0x14d: {  	_ =	swait.ge [sflag:s5], $0x700  }
0x14e: {  	[sflag:s5] =	ssyncset.done $0x0  }
0x14f: {  	[sflag:s5] =	ssyncadd.s32 $0xFFFFF900  }
0x150: {  	[tilespmem:s6], [sflag:$0x1] =	stream.linear.gather [hbm4b:s7+s2], $0x7000, $0x38;
	[tilespmem:$0xE880] =	vst v63  }
0x151: {  	_ = 	snop  }
0x152: {  	[spmem:s1] =	stream.indirect.scatter.add.f32 [tilespmem:s11], [sflag:$0x2], $0x10, s30, s9, $0xb8;
	[tilespmem:$0xE880] =	vst v63  }
0x153: {  	_ = 	snop  }
0x154: {  	[spmem:s1] =	stream.indirect.scatter.add.f32 [tilespmem:s13], [sflag:$0x2], $0x10, s17, s9, $0xb8;
	[tilespmem:$0xE880] =	vst v63  }
0x155: {  	_ =	swait.ge [sflag:s8], $0x7000  }
0x156: {  	[sflag:s8] =	ssyncset.done $0x0  }
0x157: {  	[sflag:s8] =	ssyncadd.s32 $0xFFFF9000  }
0x158: {  	[spmem:s1] =	stream.indirect.scatter.add.f32 [tilespmem:s6], [sflag:$0x2], $0x10, s15, s9, $0xb8;
	[tilespmem:$0xE880] =	vst v63  }
0x159: {  	_ = 	snop  }
0x15a: {  	[spmem:s1] =	stream.indirect.scatter.add.f32 [tilespmem:s10], [sflag:$0x2], $0x10, s16, s9, $0xb8;
	[tilespmem:$0xE880] =	vst v63  }
0x15b: {  	_ =	swait.ge [sflag:s5], $0x700  }
0x15c: {  	[sflag:s5] =	ssyncset.done $0x0  }
0x15d: {  	[sflag:s5] =	ssyncadd.s32 $0xFFFFF900  }
0x15e: {  	_ =	swait.ge [sflag:s5], $0x700  }
0x15f: {  	[sflag:s5] =	ssyncset.done $0x0  }
0x160: {  	[sflag:s5] =	ssyncadd.s32 $0xFFFFF900  }
0x161: {  	_ =	swait.ge [sflag:s5], $0x700  }
0x162: {  	[sflag:s5] =	ssyncset.done $0x0  }
0x163: {  	[sflag:s5] =	ssyncadd.s32 $0xFFFFF900  }
0x164: {  	_ =	swait.ge [sflag:s5], $0x700  }
0x165: {  	[sflag:s5] =	ssyncset.done $0x0  }
0x166: {  	[sflag:s5] =	ssyncadd.s32 $0xFFFFF900  }
0x167: {  	s0 =	simm.s32 @!p0 $0x1C03;
	[bflag:$0x0] =	sbarrier.arrive $0xFFFF  }
0x168: {  	[hbm:s3], [sflag:s0] =	dma.local @!p0 [spmem:s4], $0x800  }
0x169: {  	_ =	swait.ge @!p0 [sflag:s29], $0x800  }
0x16a: {  	[sflag:s29] =	ssyncset.done @!p0 $0x0  }
0x16b: {  	[sflag:s29] =	ssyncadd.s32 @!p0 $0xFFFFF800  }
0x16c: {  	_ =	sfence.sel $0x180000  }
0x16d: {  	[bflag:$0x0] =	sbarrier.arrive $0xFFFF  }
0x16e: {  	_ =	strace $0x90000047  }
0x16f: {  	s0 =	sadd.s32 @!p0 $0x100000, s31;
	[bflag:$0x2] =	sbarrier.arrive $0xFFFF  }
0x170: {  	[sflag:s0] =	ssyncadd.tile.s32 @!p0 $0x1;
	_ =	shalt  }
.LBB2_1:
.Ltmp3:
0x171: {  	(pc) =	sbr.rel .LBB2_6-.Ltmp3, $2  }
0x172: {  	_ =	sdelay $0x2  }
0x173: {  	s30 =	simm.s32 $0x500  }
.LBB2_3:
.Ltmp4:
0x174: {  	(pc) =	sbr.rel .LBB2_6-.Ltmp4, $2  }
0x175: {  	_ =	sdelay $0x2  }
0x176: {  	s30 =	simm.s32 $0x500;
	s31 =	rddreg [dreg:$0x2]  }
.Lfunc_end2:
_tile_overlayer_lowered:
.L_overlay_start_2:
0x177: {  	(tag) =	ssettag $0x2  }
0x178: {  	s0 =	rddreg [dreg:$0x0];
	s2 =	stileid.u32  }
0x179: {  	s1 =	rddreg [dreg:$0x1];
	p0 =	sne.s32 s2, $0x0  }
0x17a: {  	s3 =	rddreg [dreg:$0x2];
	[bflag:$0x3] =	sbarrier.arrive $0xFFFF;
	s2 =	simm.s32 @!p0 $0x1C03  }
0x17b: {  	[timem:s3], [sflag:s2] =	dma.local @!p0 [hbm:s0], s1  }
0x17c: {  	s0 =	simm.s32 @!p0 $0x3  }
0x17d: {  	_ =	swait.ge @!p0 [sflag:s0], s1  }
0x17e: {  	s1 =	ssub.s32 @!p0 $0x0, s1;
	[sflag:s0] =	ssyncset.done @!p0 $0x0  }
0x17f: {  	[sflag:s0] =	ssyncadd.s32 @!p0 s1  }
0x180: {  	[bflag:$0x3] =	sbarrier.arrive $0xFFFF  }
0x181: {  	_ =	shalt  }

// kernel: kernel.7.cloned.1.call-start
scs
__scs_entry_jumppad:
0x0: {  	(pc) =	sbr.rel $0x88, $3  }
0x1: {  	(tag) =	ssettag $0x0;
	lr =	simm.s32 $0x1  }
0x2: {  	[smem:$0x3F93] =	sst lr;
	_ =	strace $0xD0000000  }
0x3: {  	_ = 	snop  }
0x4: {  	_ = 	snop  }
0x5: {  	_ = 	snop  }
0x6: {  	_ = 	snop  }
0x7: {  	_ = 	snop  }
__scs_overlays_trampoline_lowered:
0x8: {  	[smem:$0x3FA2] =	sst s0  }
0x9: {  	[smem:$0x3FA3] =	sst s1  }
0xa: {  	[smem:$0x3FA4] =	sst s2  }
0xb: {  	[smem:$0x3FA5] =	sst s3  }
0xc: {  	[smem:$0x3FA6] =	sst s4  }
0xd: {  	[smem:$0x3FA7] =	sst s5  }
0xe: {  	[smem:$0x3FA8] =	sst s6  }
0xf: {  	[smem:$0x3FA9] =	sst s7  }
0x10: {  	[smem:$0x3FAA] =	sst s8  }
0x11: {  	[smem:$0x3FAB] =	sst s9;
	s0 =	simm.s32 @!p0 $0x0  }
0x12: {  	s1 =	sld [smem:$0x3F91];
	s0 =	simm.s32 @p0 $0x1  }
0x13: {  	[smem:$0x3FAC] =	sst s0;
	s0 =	simm.s32 @!p1 $0x0  }
0x14: {  	s2 =	sld [smem:$0x3F90];
	s0 =	simm.s32 @p1 $0x1  }
0x15: {  	[smem:$0x3FAD] =	sst s0;
	s0 =	simm.s32 @!p2 $0x0  }
0x16: {  	s3 =	sld [smem:$0x3FDB];
	s0 =	simm.s32 @p2 $0x1  }
0x17: {  	s4 =	simm.s32 $0x1BF5;
	[smem:$0x3FAF] =	sst s0  }
0x18: {  	s0 =	sld [smem:$0x3F92];
	_ =	swait.ge [sflag:s4], $0x0  }
0x19: {  	s7 =	sld [smem:$0x3F93]  }
0x1a: {  	s8 =	sadd.s32 $0xFFFFE003, lr  }
0x1b: {  	s9 =	sadd.s32 $0xFFFFFEF7, lr;
	s5 =	simm.s32 $0xFFFFFFFF;
	p2 =	slt.u32 s8, $0xFFFFF086  }
0x1c: {  	p1 =	slt.u32 s9, $0xF7A;
	s5 =	simm.s32 @!p2 $0x0  }
0x1d: {  	s5 =	simm.s32 @p1 $0x1;
	p0 =	seq.s32 s7, s2  }
0x1e: {  	s7 =	smul.u32 @!p0 $0xF7A, s2;
	p2 =	seq.s32 @!p0 s5, $0x0  }
0x1f: {  	s9 =	smul.u32 $0xF7A, s1;
	s8 =	simm.s32 @!p0 $0x1BF5;
	p2 =	por !p2, p0  }
0x20: {  	[sflag:s8] =	ssyncset.s32 @!p0 $0xFFFFF086;
	s6 =	sadd.s32 @!p0 s3, s7;
	s7 =	simm.s32 @!p0 $0x108  }
0x21: {  	s3 =	sadd.s32 s3, s9;
	s6 =	sadd.s32 @!p0 $0x88, s6;
	s7 =	simm.s32 @p2 $0x1082  }
0x22: {  	[simem:s7], [sflag:s8] =	dma.local @!p0 [hbm:s6], $0xF7A  }
0x23: {  	s9 =	sor.u32 $0xD0000000, s2;
	s6 =	simm.s32 $0x108;
	_ =	swait.ge @!p0 [sflag:s8], $0x0  }
0x24: {  	s3 =	sadd.s32 $0x88, s3;
	s6 =	simm.s32 @!p1 $0x1082;
	[sflag:s4] =	ssyncset.s32 $0xFFFFF086  }
0x25: {  	[simem:s6], [sflag:s4] =	dma.local [hbm:s3], $0xF7A  }
0x26: {  	[smem:$0x3F93] =	sst s1;
	(tag) =	ssettag s2;
	_ =	strace s9  }
0x27: {  	s1 =	sld [smem:$0x3FA3]  }
0x28: {  	s2 =	sld [smem:$0x3FA4]  }
0x29: {  	s4 =	sld [smem:$0x3FA6]  }
0x2a: {  	p0 =	seq.s32 s5, $0x0;
	s5 =	sld [smem:$0x3FA7]  }
0x2b: {  	s6 =	sld [smem:$0x3FA8]  }
0x2c: {  	s7 =	sld [smem:$0x3FA9]  }
0x2d: {  	s3 =	simm.s32 $0x108;
	s8 =	sld [smem:$0x3FAA]  }
0x2e: {  	s3 =	simm.s32 @!p0 $0x1082;
	s9 =	sld [smem:$0x3FAB]  }
0x2f: {  	lr =	sadd.s32 s0, s3;
	s0 =	sld [smem:$0x3FA2]  }
0x30: {  	s3 =	sld [smem:$0x3FA5]  }
0x31: {  	[smem:$0x3FAE] =	sst s10  }
0x32: {  	s10 =	sld [smem:$0x3FAC];
	_ =	sdelay $0x3  }
0x33: {  	p0 =	seq.s32 s10, $0x1;
	s10 =	sld [smem:$0x3FAE];
	_ =	sdelay $0x3  }
0x34: {  	[smem:$0x3FAE] =	sst s10  }
0x35: {  	s10 =	sld [smem:$0x3FAD];
	_ =	sdelay $0x3  }
0x36: {  	p1 =	seq.s32 s10, $0x1;
	s10 =	sld [smem:$0x3FAE];
	_ =	sdelay $0x3  }
0x37: {  	[smem:$0x3FAE] =	sst s10  }
0x38: {  	s10 =	sld [smem:$0x3FAF]  }
0x39: {  	_ = 	snop;
	(pc) =	sbr.ind lr, $3  }
0x3a: {  	_ = 	snop  }
0x3b: {  	_ = 	snop  }
0x3c: {  	p2 =	seq.s32 s10, $0x1;
	s10 =	sld [smem:$0x3FAE]  }
0x3d: {  	_ =	shalt  }
0x3e: {  	_ =	shalt  }
0x3f: {  	_ =	shalt  }
0x40: {  	_ =	shalt  }
0x41: {  	_ =	shalt  }
0x42: {  	_ =	shalt  }
0x43: {  	_ =	shalt  }
0x44: {  	_ =	shalt  }
0x45: {  	_ =	shalt  }
0x46: {  	_ =	shalt  }
0x47: {  	_ =	shalt  }
0x48: {  	_ =	shalt  }
0x49: {  	_ =	shalt  }
0x4a: {  	_ =	shalt  }
0x4b: {  	_ =	shalt  }
0x4c: {  	_ =	shalt  }
0x4d: {  	_ =	shalt  }
0x4e: {  	_ =	shalt  }
0x4f: {  	_ =	shalt  }
0x50: {  	_ =	shalt  }
0x51: {  	_ =	shalt  }
0x52: {  	_ =	shalt  }
0x53: {  	_ =	shalt  }
0x54: {  	_ =	shalt  }
0x55: {  	_ =	shalt  }
0x56: {  	_ =	shalt  }
0x57: {  	_ =	shalt  }
0x58: {  	_ =	shalt  }
0x59: {  	_ =	shalt  }
0x5a: {  	_ =	shalt  }
0x5b: {  	_ =	shalt  }
0x5c: {  	_ =	shalt  }
0x5d: {  	_ =	shalt  }
0x5e: {  	_ =	shalt  }
0x5f: {  	_ =	shalt  }
0x60: {  	_ =	shalt  }
0x61: {  	_ =	shalt  }
0x62: {  	_ =	shalt  }
0x63: {  	_ =	shalt  }
0x64: {  	_ =	shalt  }
0x65: {  	_ =	shalt  }
0x66: {  	_ =	shalt  }
0x67: {  	_ =	shalt  }
0x68: {  	_ =	shalt  }
0x69: {  	_ =	shalt  }
0x6a: {  	_ =	shalt  }
0x6b: {  	_ =	shalt  }
0x6c: {  	_ =	shalt  }
0x6d: {  	_ =	shalt  }
0x6e: {  	_ =	shalt  }
0x6f: {  	_ =	shalt  }
0x70: {  	_ =	shalt  }
0x71: {  	_ =	shalt  }
0x72: {  	_ =	shalt  }
0x73: {  	_ =	shalt  }
0x74: {  	_ =	shalt  }
0x75: {  	_ =	shalt  }
0x76: {  	_ =	shalt  }
0x77: {  	_ =	shalt  }
0x78: {  	_ =	shalt  }
0x79: {  	_ =	shalt  }
0x7a: {  	_ =	shalt  }
0x7b: {  	_ =	shalt  }
0x7c: {  	_ =	shalt  }
0x7d: {  	_ =	shalt  }
0x7e: {  	_ =	shalt  }
0x7f: {  	_ =	shalt  }
0x80: {  	_ =	shalt  }
0x81: {  	_ =	shalt  }
0x82: {  	_ =	shalt  }
0x83: {  	_ =	shalt  }
0x84: {  	_ =	shalt  }
0x85: {  	_ =	shalt  }
0x86: {  	_ =	shalt  }
0x87: {  	_ =	shalt  }
.Lfunc_end0:
.L_simem_size_0:
called_computation_lowered:
.L_overlay_start_0:
0x88: {  	s2 =	sld [smem:$0x3FD9]  }
0x89: {  	s3 =	sld [smem:$0x3FFE];
	_ =	sdelay $0x1  }
0x8a: {  	s1 =	srdreg.scid  }
0x8b: {  	s0 =	sand.u32 $0x1, s1  }
0x8c: {  	s17 =	sshll.u32 s0, $0xA;
	s2 =	sadd.s32 s3, s2  }
0x8d: {  	s2 =	sadd.s32 s2, s17  }
0x8e: {  	[smem:$0x3FBA] =	sst s2  }
0x8f: {  	_ = 	snop  }
0x90: {  	(tm) =	ssettm $0x1  }
0x91: {  	s18 =	sld [smem:$0x3FFB];
	_ =	sdelay $0x3  }
0x92: {  	_ =	strace s18  }
0x93: {  	s2 =	sld [smem:$0x3FFC];
	_ =	sdelay $0x3  }
0x94: {  	_ =	strace s2  }
0x95: {  	s2 =	sld [smem:$0x3FFD];
	_ =	sdelay $0x3  }
0x96: {  	_ =	strace s2  }
0x97: {  	_ =	strace $0x8FFFFFFF  }
0x98: {  	s19 =	sld [smem:$0x3FDB];
	_ =	sdelay $0x1  }
0x99: {  	s20 =	simm.s32 $_scs_section_size  }
0x9a: {  	s4 =	simm.s32 $_size__tile_overlayer_lowered;
	s5 =	simm.s32 $_tile_overlayer_lowered  }
0x9b: {  	s6 =	simm.s32 $0x1BFF;
	s21 =	sshll.u32 s5, $0x1;
	s3 =	sadd.s32 s20, s19  }
0x9c: {  	s22 =	simm.s32 $0x0;
	s4 =	sshll.u32 s4, $0x1;
	s5 =	sadd.s32 s21, s3  }
0x9d: {  	[timem:s22], [sflag:s6] =	dma.local [hbm:s5], s4  }
0x9e: {  	_ =	swait.ge [sflag:s6], s4  }
0x9f: {  	s4 =	ssub.s32 $0x0, s4;
	[sflag:s6] =	ssyncset.done $0x0  }
0xa0: {  	[sflag:s6] =	ssyncadd.s32 s4;
	_ =	sdelay $0x1  }
0xa1: {  	s23 =	simm.s32 $0x1B8B  }
0xa2: {  	_ =	swait.ge [sflag:s23], $0x1  }
0xa3: {  	[sflag:s23] =	ssyncset.done $0x0  }
0xa4: {  	[sflag:s23] =	ssyncadd.s32 $0xFFFFFFFF  }
0xa5: {  	s4 =	sld [smem:$0x0]  }
0xa6: {  	s5 =	sand.u32 $0xFFFFFFFE, s1  }
0xa7: {  	p0 =	sne.s32 s1, s5  }
0xa8: {  	s5 =	sshll.u32 @p0 s5, $0xE  }
0xa9: {  	s5 =	sadd.s32 @p0 $0x11B8D, s5;
	s6 =	sshll.u32 @p0 s4, $0x11  }
0xaa: {  	s5 =	sor.u32 @p0 s6, s5  }
0xab: {  	[sflag:s5] =	ssyncadd.remote.s32 @p0 $0x1;
	_ =	sdelay $0x1  }
0xac: {  	s5 =	simm.s32 @p0 $0x1B8D  }
0xad: {  	_ =	swait.eq @p0 [sflag:s5], $0x1  }
0xae: {  	[sflag:s5] =	ssyncadd.s32 @p0 $0xFFFFFFFF  }
0xaf: {  	s6 =	sshll.u32 @!p0 s1, $0xE  }
0xb0: {  	s6 =	sor.u32 @!p0 $0x4000, s6;
	s5 =	simm.s32 @!p0 $0x1B8D  }
0xb1: {  	s4 =	sshll.u32 @!p0 s4, $0x11;
	s6 =	sadd.s32 @!p0 $0x11B8D, s6;
	_ =	swait.eq @!p0 [sflag:s5], $0x1  }
0xb2: {  	s4 =	sor.u32 @!p0 s4, s6;
	[sflag:s5] =	ssyncadd.s32 @!p0 $0xFFFFFFFF  }
0xb3: {  	s25 =	simm.s32 $0x1B8E;
	s24 =	sld [smem:$0x3FFE];
	[sflag:s4] =	ssyncadd.remote.s32 @!p0 $0x1  }
0xb4: {  	s26 =	simm.s32 $execute0_lowered;
	[smem:$0x3FD2] =	sst s25  }
0xb5: {  	s5 =	sshll.u32 s26, $0x1;
	_ =	strace $0x80000049;
	[dreg:$0x1] =	wrdreg $0xFFFFFFFF  }
0xb6: {  	s28 =	simm.s32 $_size_execute0_lowered;
	s3 =	sadd.s32 s3, s5;
	[dreg:$0x0] =	wrdreg $0x0  }
0xb7: {  	s5 =	sshll.u32 s28, $0x1;
	[dreg:$0x2] =	wrdreg s3  }
0xb8: {  	[dreg:$0x3] =	wrdreg s5  }
0xb9: {  	[dreg:$0x4] =	wrdreg $0xC0  }
0xba: {  	_ =	task [dreg:s22], $0x5FFFF  }
0xbb: {  	[dreg:$0x1] =	wrdreg $0xFFFFFFFF  }
0xbc: {  	[dreg:$0x0] =	wrdreg $0x60  }
0xbd: {  	[dreg:$0x2] =	wrdreg s24  }
0xbe: {  	[dreg:$0x3] =	wrdreg $0xE8000  }
0xbf: {  	[dreg:$0x4] =	wrdreg $0x9  }
0xc0: {  	_ =	task.clear_ibuf [dreg:s22], $0x5FFFF;
	_ =	strace $0x90000049  }
0xc1: {  	s29 =	simm.s32 $0x9;
	_ =	strace $0x8000004B  }
0xc2: {  	_ =	swait.ge [sflag:s29], $0x1  }
0xc3: {  	[sflag:s29] =	ssyncadd.s32 $0xFFFFFFFF  }
0xc4: {  	_ =	strace $0x9000004B  }
0xc5: {  	_ =	sfence  }
0xc6: {  	s30 =	sld [smem:$0x0];
	_ =	sdelay $0x2  }
0xc7: {  	s31 =	sshll.u32 s1, $0xD;
	s1 =	sshrl.u32 s1, $0x2  }
0xc8: {  	s4 =	sand.u32 $0x4000, s31;
	s1 =	sadd.s32 s1, s30  }
0xc9: {  	s0 =	sor.u32 s4, s0;
	s1 =	sshll.u32 s1, $0x11  }
0xca: {  	s0 =	sor.u32 s1, s0  }
0xcb: {  	s0 =	sadd.s32 $0x8F2B, s0  }
0xcc: {  	[sflag:s0] =	ssyncadd.remote.s32 $0x1  }
0xcd: {  	_ =	sfence.sel $0xFFFF  }
0xce: {  	[dreg:$0x0] =	wrdreg $0xFFFFFFFF;
	(pc) =	sbr.abs _section_cstart, $3  }
0xcf: {  	[dreg:$0x1] =	wrdreg $0xFFFFFFFF  }
0xd0: {  	_ =	task.clear_ibuf [dreg:s22], $0x2FFFF;
	_ =	strace $0x9FFFFFFF  }
0xd1: {  	(tm) =	ssettm $0x7FFFFFFF  }
tec
execute0_lowered:
.L_overlay_start_1:
0x0: {  	(tag) =	ssettag $0x1  }
0x1: {  	s0 =	rddreg [dreg:$0x0]  }
0x2: {  	s2 =	srdreg.scid;
	s1 =	rddreg [dreg:$0x1]  }
0x3: {  	s4 =	stileid.u32;
	s31 =	rddreg [dreg:$0x2]  }
0x4: {  	s28 =	simm.s32 $0x3;
	s11 =	simm.s32 $0x7800;
	s10 =	simm.s32 $0x4000  }
0x5: {  	s13 =	simm.s32 $0xB000;
	s18 =	simm.s32 $0x400;
	s19 =	simm.s32 $0x480  }
0x6: {  	p1 =	por $0x0, $0x0;
	s17 =	simm.s32 $0x580;
	s15 =	simm.s32 $0x600  }
0x7: {  	s16 =	simm.s32 $0x680;
	s3 =	sand.u32 $0x1, s2;
	s5 =	sshll.u32 s4, $0x1  }
0x8: {  	s2 =	simm.s32 $0x0;
	s8 =	sadd.s32 $0xC9C00, s0;
	s9 =	sadd.s32 $0xC8400, s0  }
0x9: {  	p0 =	sne.s32 s4, $0x0;
	s5 =	sor.u32 s3, s5;
	[smem:$0x7FF] =	sst s2  }
0xa: {  	s21 =	sshll.u32 s3, $0xB;
	s3 =	ssub.s32 $0x2, s3;
	s4 =	sshrl.u32 @!p0 s1, $0x3  }
0xb: {  	s6 =	smul.u32 $0x6200, s5;
	_ =	strace $0x8000004A;
	s7 =	sshll.u32 s5, $0x8  }
0xc: {  	s5 =	smul.u32 $0x31000, s5;
	[dreg:$0x3] =	wrdreg s9;
	s25 =	sshrl.u32 s3, $0x1  }
0xd: {  	s9 =	simm.s32 $0x70;
	s7 =	sadd.s32 s7, s0;
	s0 =	sadd.s32 s21, s0  }
0xe: {  	s29 =	ssub.s32 s3, s25;
	s25 =	simm.s32 $0x180;
	s21 =	simm.s32 $0x380  }
0xf: {  	s6 =	sadd.s32 s8, s6;
	s3 =	sadd.s32 $0x18FC00, s0;
	s0 =	rddreg [dreg:$0x3]  }
0x10: {  	s5 =	sshrl.u32 s5, $0x3;
	s20 =	sadd.s32 $0x18DC00, s7;
	[dreg:$0x4] =	wrdreg s6  }
0x11: {  	s30 =	smax.u32 s29, $0x1;
	s5 =	sadd.s32 s8, s5;
	[dreg:$0x5] =	wrdreg s20  }
0x12: {  	s6 =	simm.s32 $0x800;
	s8 =	simm.s32 $0x1;
	s14 =	sadd.s32 $0xFFFFFFFF, s30  }
0x13: {  	s20 =	simm.s32 $0x300;
	s22 =	sadd.s32 $0xE00, s5;
	p2 =	sne.s32 s14, $0x0  }
.Ltmp0:
0x14: {  	s23 =	sadd.s32 $0x1C00, s5;
	[dreg:$0x6] =	wrdreg s22;
	(pc) =	sbr.rel @!p2 .LBB2_1-.Ltmp0, $4  }
0x15: {  	s24 =	sadd.s32 $0x2A00, s5;
	s26 =	sadd.s32 $0x3800, s5;
	[dreg:$0x7] =	wrdreg s23  }
0x16: {  	s12 =	sadd.s32 $0x4600, s5;
	s7 =	sadd.s32 $0x5400, s5;
	[dreg:$0x8] =	wrdreg s24  }
0x17: {  	s5 =	simm.s32 $0x2;
	[dreg:$0x9] =	wrdreg s26;
	s26 =	simm.s32 $0x80  }
0x18: {  	s24 =	simm.s32 $0x100;
	s22 =	simm.s32 $0x200;
	s23 =	simm.s32 $0x280  }
0x19: {  	s30 =	simm.s32 @!p0 $0x1C03;
	s29 =	simm.s32 @!p0 $0x3  }
0x1a: {  	[spmem:s4], [sflag:s30] =	dma.local @!p0 [hbm:s0], $0x800  }
0x1b: {  	_ =	swait.ge @!p0 [sflag:s29], $0x800  }
0x1c: {  	[sflag:s29] =	ssyncset.done @!p0 $0x0  }
0x1d: {  	s0 =	rddreg [dreg:$0x4];
	[sflag:s29] =	ssyncadd.s32 @!p0 $0xFFFFF800  }
0x1e: {  	[tilespmem:s6], [sflag:$0x1] =	stream.linear.gather [hbm4b:s0+s2], $0x7000, $0x38;
	[tilespmem:$0xE880] =	vst v63  }
0x1f: {  	s31 =	rddreg [dreg:$0x5]  }
0x20: {  	[tilespmem:s2], [sflag:$0x3] =	stream.linear.gather [hbm4b:s31+s2], $0x700, $0x38;
	[tilespmem:$0xE880] =	vst v63  }
0x21: {  	_ =	swait.ge [sflag:s28], $0x700  }
0x22: {  	[sflag:s28] =	ssyncset.done $0x0  }
0x23: {  	[sflag:s28] =	ssyncadd.s32 $0xFFFFF900  }
0x24: {  	[bflag:$0x0] =	sbarrier.arrive $0xFFFF  }
0x25: {  	_ =	swait.ge [sflag:s8], $0x7000  }
0x26: {  	[sflag:s8] =	ssyncset.done $0x0  }
0x27: {  	s0 =	rddreg [dreg:$0x6];
	[sflag:s8] =	ssyncadd.s32 $0xFFFF9000  }
0x28: {  	[tilespmem:s11], [sflag:$0x1] =	stream.linear.gather [hbm4b:s0+s2], $0x7000, $0x38;
	[tilespmem:$0xE880] =	vst v63  }
0x29: {  	_ = 	snop  }
0x2a: {  	[spmem:s1] =	stream.indirect.scatter.add.f32 [tilespmem:s6], [sflag:$0x2], $0x10, s2, s9, $0xb8;
	[tilespmem:$0xE880] =	vst v63  }
0x2b: {  	_ = 	snop  }
0x2c: {  	[spmem:s1] =	stream.indirect.scatter.add.f32 [tilespmem:s10], [sflag:$0x2], $0x10, s26, s9, $0xb8;
	[tilespmem:$0xE880] =	vst v63  }
0x2d: {  	_ =	swait.ge [sflag:s8], $0x7000  }
0x2e: {  	[sflag:s8] =	ssyncset.done $0x0  }
0x2f: {  	[sflag:s8] =	ssyncadd.s32 $0xFFFF9000  }
0x30: {  	_ =	swait.ge [sflag:s5], $0x700  }
0x31: {  	[sflag:s5] =	ssyncset.done $0x0  }
0x32: {  	[sflag:s5] =	ssyncadd.s32 $0xFFFFF900  }
0x33: {  	_ =	swait.ge [sflag:s5], $0x700  }
0x34: {  	[sflag:s5] =	ssyncset.done $0x0  }
0x35: {  	s0 =	rddreg [dreg:$0x7];
	[sflag:s5] =	ssyncadd.s32 $0xFFFFF900  }
0x36: {  	[tilespmem:s6], [sflag:$0x1] =	stream.linear.gather [hbm4b:s0+s2], $0x7000, $0x38;
	[tilespmem:$0xE880] =	vst v63  }
0x37: {  	_ = 	snop  }
0x38: {  	[spmem:s1] =	stream.indirect.scatter.add.f32 [tilespmem:s11], [sflag:$0x2], $0x10, s24, s9, $0xb8;
	[tilespmem:$0xE880] =	vst v63  }
0x39: {  	_ = 	snop  }
0x3a: {  	[spmem:s1] =	stream.indirect.scatter.add.f32 [tilespmem:s13], [sflag:$0x2], $0x10, s25, s9, $0xb8;
	[tilespmem:$0xE880] =	vst v63  }
0x3b: {  	_ =	swait.ge [sflag:s8], $0x7000  }
0x3c: {  	[sflag:s8] =	ssyncset.done $0x0  }
0x3d: {  	[sflag:s8] =	ssyncadd.s32 $0xFFFF9000  }
0x3e: {  	_ =	swait.ge [sflag:s5], $0x700  }
0x3f: {  	[sflag:s5] =	ssyncset.done $0x0  }
0x40: {  	[sflag:s5] =	ssyncadd.s32 $0xFFFFF900  }
0x41: {  	_ =	swait.ge [sflag:s5], $0x700  }
0x42: {  	[sflag:s5] =	ssyncset.done $0x0  }
0x43: {  	s0 =	rddreg [dreg:$0x8];
	[sflag:s5] =	ssyncadd.s32 $0xFFFFF900  }
0x44: {  	[tilespmem:s11], [sflag:$0x1] =	stream.linear.gather [hbm4b:s0+s2], $0x7000, $0x38;
	[tilespmem:$0xE880] =	vst v63  }
0x45: {  	_ = 	snop  }
0x46: {  	[spmem:s1] =	stream.indirect.scatter.add.f32 [tilespmem:s6], [sflag:$0x2], $0x10, s22, s9, $0xb8;
	[tilespmem:$0xE880] =	vst v63  }
0x47: {  	_ = 	snop  }
0x48: {  	[spmem:s1] =	stream.indirect.scatter.add.f32 [tilespmem:s10], [sflag:$0x2], $0x10, s23, s9, $0xb8;
	[tilespmem:$0xE880] =	vst v63  }
0x49: {  	_ =	swait.ge [sflag:s8], $0x7000  }
0x4a: {  	[sflag:s8] =	ssyncset.done $0x0  }
0x4b: {  	[sflag:s8] =	ssyncadd.s32 $0xFFFF9000  }
0x4c: {  	_ =	swait.ge [sflag:s5], $0x700  }
0x4d: {  	[sflag:s5] =	ssyncset.done $0x0  }
0x4e: {  	[sflag:s5] =	ssyncadd.s32 $0xFFFFF900  }
0x4f: {  	_ =	swait.ge [sflag:s5], $0x700  }
0x50: {  	[sflag:s5] =	ssyncset.done $0x0  }
0x51: {  	s0 =	rddreg [dreg:$0x9];
	[sflag:s5] =	ssyncadd.s32 $0xFFFFF900  }
0x52: {  	[tilespmem:s6], [sflag:$0x1] =	stream.linear.gather [hbm4b:s0+s2], $0x7000, $0x38;
	[tilespmem:$0xE880] =	vst v63  }
0x53: {  	_ = 	snop  }
0x54: {  	[spmem:s1] =	stream.indirect.scatter.add.f32 [tilespmem:s11], [sflag:$0x2], $0x10, s20, s9, $0xb8;
	[tilespmem:$0xE880] =	vst v63  }
0x55: {  	_ = 	snop  }
0x56: {  	[spmem:s1] =	stream.indirect.scatter.add.f32 [tilespmem:s13], [sflag:$0x2], $0x10, s21, s9, $0xb8;
	[tilespmem:$0xE880] =	vst v63  }
0x57: {  	_ =	swait.ge [sflag:s8], $0x7000  }
0x58: {  	[sflag:s8] =	ssyncset.done $0x0  }
0x59: {  	[sflag:s8] =	ssyncadd.s32 $0xFFFF9000  }
0x5a: {  	_ =	swait.ge [sflag:s5], $0x700  }
0x5b: {  	[sflag:s5] =	ssyncset.done $0x0  }
0x5c: {  	[sflag:s5] =	ssyncadd.s32 $0xFFFFF900  }
0x5d: {  	_ =	swait.ge [sflag:s5], $0x700  }
0x5e: {  	[sflag:s5] =	ssyncset.done $0x0  }
0x5f: {  	[sflag:s5] =	ssyncadd.s32 $0xFFFFF900  }
0x60: {  	[tilespmem:s11], [sflag:$0x1] =	stream.linear.gather [hbm4b:s12+s2], $0x7000, $0x38;
	[tilespmem:$0xE880] =	vst v63  }
0x61: {  	_ = 	snop  }
0x62: {  	[spmem:s1] =	stream.indirect.scatter.add.f32 [tilespmem:s6], [sflag:$0x2], $0x10, s18, s9, $0xb8;
	[tilespmem:$0xE880] =	vst v63  }
0x63: {  	_ = 	snop  }
0x64: {  	[spmem:s1] =	stream.indirect.scatter.add.f32 [tilespmem:s10], [sflag:$0x2], $0x10, s19, s9, $0xb8;
	[tilespmem:$0xE880] =	vst v63  }
0x65: {  	_ =	swait.ge [sflag:s8], $0x7000  }
0x66: {  	[sflag:s8] =	ssyncset.done $0x0  }
0x67: {  	[sflag:s8] =	ssyncadd.s32 $0xFFFF9000  }
0x68: {  	_ =	swait.ge [sflag:s5], $0x700  }
0x69: {  	[sflag:s5] =	ssyncset.done $0x0  }
0x6a: {  	[sflag:s5] =	ssyncadd.s32 $0xFFFFF900  }
0x6b: {  	_ =	swait.ge [sflag:s5], $0x700  }
0x6c: {  	[sflag:s5] =	ssyncset.done $0x0  }
0x6d: {  	[sflag:s5] =	ssyncadd.s32 $0xFFFFF900  }
0x6e: {  	[tilespmem:s6], [sflag:$0x1] =	stream.linear.gather [hbm4b:s7+s2], $0x7000, $0x38;
	[tilespmem:$0xE880] =	vst v63  }
0x6f: {  	s0 =	simm.s32 $0x500  }
0x70: {  	[spmem:s1] =	stream.indirect.scatter.add.f32 [tilespmem:s11], [sflag:$0x2], $0x10, s0, s9, $0xb8;
	[tilespmem:$0xE880] =	vst v63  }
0x71: {  	_ = 	snop  }
0x72: {  	[spmem:s1] =	stream.indirect.scatter.add.f32 [tilespmem:s13], [sflag:$0x2], $0x10, s17, s9, $0xb8;
	[tilespmem:$0xE880] =	vst v63  }
0x73: {  	_ =	swait.ge [sflag:s8], $0x7000  }
0x74: {  	[sflag:s8] =	ssyncset.done $0x0  }
0x75: {  	[sflag:s8] =	ssyncadd.s32 $0xFFFF9000  }
0x76: {  	[spmem:s1] =	stream.indirect.scatter.add.f32 [tilespmem:s6], [sflag:$0x2], $0x10, s15, s9, $0xb8;
	[tilespmem:$0xE880] =	vst v63  }
0x77: {  	_ = 	snop  }
0x78: {  	[spmem:s1] =	stream.indirect.scatter.add.f32 [tilespmem:s10], [sflag:$0x2], $0x10, s16, s9, $0xb8;
	[tilespmem:$0xE880] =	vst v63  }
0x79: {  	_ =	swait.ge [sflag:s5], $0x700  }
0x7a: {  	[sflag:s5] =	ssyncset.done $0x0  }
0x7b: {  	[sflag:s5] =	ssyncadd.s32 $0xFFFFF900  }
0x7c: {  	_ =	swait.ge [sflag:s5], $0x700  }
0x7d: {  	[sflag:s5] =	ssyncset.done $0x0  }
0x7e: {  	[sflag:s5] =	ssyncadd.s32 $0xFFFFF900  }
0x7f: {  	_ =	swait.ge [sflag:s5], $0x700  }
0x80: {  	[sflag:s5] =	ssyncset.done $0x0  }
0x81: {  	[sflag:s5] =	ssyncadd.s32 $0xFFFFF900  }
0x82: {  	s31 =	sadd.s32 $0xFFFFFFFF, s14;
	_ =	swait.ge [sflag:s5], $0x700  }
0x83: {  	p2 =	sne.s32 s31, $0x0;
	[sflag:s5] =	ssyncset.done $0x0  }
.Ltmp1:
0x84: {  	[sflag:s5] =	ssyncadd.s32 $0xFFFFF900;
	(pc) =	sbr.rel @!p2 .LBB2_3-.Ltmp1, $4  }
0x85: {  	[bflag:$0x0] =	sbarrier.arrive $0xFFFF  }
0x86: {  	[hbm:s3], [sflag:s30] =	dma.local @!p0 [spmem:s4], $0x800  }
0x87: {  	_ =	swait.ge @!p0 [sflag:s29], $0x800  }
0x88: {  	p1 =	por $0x1, $0x1;
	s0 =	rddreg [dreg:$0x3];
	[sflag:s29] =	ssyncset.done @!p0 $0x0  }
.LBB2_4:
0x89: {  	[sflag:s29] =	ssyncadd.s32 @!p0 $0xFFFFF800  }
0x8a: {  	[spmem:s4], [sflag:s30] =	dma.local @!p0 [hbm:s0], $0x800  }
0x8b: {  	_ =	swait.ge @!p0 [sflag:s29], $0x800  }
0x8c: {  	[sflag:s29] =	ssyncset.done @!p0 $0x0  }
0x8d: {  	s0 =	rddreg [dreg:$0x4];
	[sflag:s29] =	ssyncadd.s32 @!p0 $0xFFFFF800  }
0x8e: {  	[tilespmem:s6], [sflag:$0x1] =	stream.linear.gather [hbm4b:s0+s2], $0x7000, $0x38;
	[tilespmem:$0xE880] =	vst v63  }
0x8f: {  	s14 =	rddreg [dreg:$0x5]  }
0x90: {  	[tilespmem:s2], [sflag:$0x3] =	stream.linear.gather [hbm4b:s14+s2], $0x700, $0x38;
	[tilespmem:$0xE880] =	vst v63  }
0x91: {  	_ =	swait.ge [sflag:s28], $0x700  }
0x92: {  	[sflag:s28] =	ssyncset.done $0x0  }
0x93: {  	[sflag:s28] =	ssyncadd.s32 $0xFFFFF900  }
0x94: {  	[bflag:$0x0] =	sbarrier.arrive $0xFFFF  }
0x95: {  	_ =	swait.ge [sflag:s8], $0x7000  }
0x96: {  	[sflag:s8] =	ssyncset.done $0x0  }
0x97: {  	s0 =	rddreg [dreg:$0x6];
	[sflag:s8] =	ssyncadd.s32 $0xFFFF9000  }
0x98: {  	[tilespmem:s11], [sflag:$0x1] =	stream.linear.gather [hbm4b:s0+s2], $0x7000, $0x38;
	[tilespmem:$0xE880] =	vst v63  }
0x99: {  	_ = 	snop  }
0x9a: {  	[spmem:s1] =	stream.indirect.scatter.add.f32 [tilespmem:s6], [sflag:$0x2], $0x10, s2, s9, $0xb8;
	[tilespmem:$0xE880] =	vst v63  }
0x9b: {  	_ = 	snop  }
0x9c: {  	[spmem:s1] =	stream.indirect.scatter.add.f32 [tilespmem:s10], [sflag:$0x2], $0x10, s26, s9, $0xb8;
	[tilespmem:$0xE880] =	vst v63  }
0x9d: {  	_ =	swait.ge [sflag:s8], $0x7000  }
0x9e: {  	[sflag:s8] =	ssyncset.done $0x0  }
0x9f: {  	[sflag:s8] =	ssyncadd.s32 $0xFFFF9000  }
0xa0: {  	_ =	swait.ge [sflag:s5], $0x700  }
0xa1: {  	[sflag:s5] =	ssyncset.done $0x0  }
0xa2: {  	[sflag:s5] =	ssyncadd.s32 $0xFFFFF900  }
0xa3: {  	_ =	swait.ge [sflag:s5], $0x700  }
0xa4: {  	[sflag:s5] =	ssyncset.done $0x0  }
0xa5: {  	s0 =	rddreg [dreg:$0x7];
	[sflag:s5] =	ssyncadd.s32 $0xFFFFF900  }
0xa6: {  	[tilespmem:s6], [sflag:$0x1] =	stream.linear.gather [hbm4b:s0+s2], $0x7000, $0x38;
	[tilespmem:$0xE880] =	vst v63  }
0xa7: {  	_ = 	snop  }
0xa8: {  	[spmem:s1] =	stream.indirect.scatter.add.f32 [tilespmem:s11], [sflag:$0x2], $0x10, s24, s9, $0xb8;
	[tilespmem:$0xE880] =	vst v63  }
0xa9: {  	_ = 	snop  }
0xaa: {  	[spmem:s1] =	stream.indirect.scatter.add.f32 [tilespmem:s13], [sflag:$0x2], $0x10, s25, s9, $0xb8;
	[tilespmem:$0xE880] =	vst v63  }
0xab: {  	_ =	swait.ge [sflag:s8], $0x7000  }
0xac: {  	[sflag:s8] =	ssyncset.done $0x0  }
0xad: {  	[sflag:s8] =	ssyncadd.s32 $0xFFFF9000  }
0xae: {  	_ =	swait.ge [sflag:s5], $0x700  }
0xaf: {  	[sflag:s5] =	ssyncset.done $0x0  }
0xb0: {  	[sflag:s5] =	ssyncadd.s32 $0xFFFFF900  }
0xb1: {  	_ =	swait.ge [sflag:s5], $0x700  }
0xb2: {  	[sflag:s5] =	ssyncset.done $0x0  }
0xb3: {  	s0 =	rddreg [dreg:$0x8];
	[sflag:s5] =	ssyncadd.s32 $0xFFFFF900  }
0xb4: {  	[tilespmem:s11], [sflag:$0x1] =	stream.linear.gather [hbm4b:s0+s2], $0x7000, $0x38;
	[tilespmem:$0xE880] =	vst v63  }
0xb5: {  	_ = 	snop  }
0xb6: {  	[spmem:s1] =	stream.indirect.scatter.add.f32 [tilespmem:s6], [sflag:$0x2], $0x10, s22, s9, $0xb8;
	[tilespmem:$0xE880] =	vst v63  }
0xb7: {  	_ = 	snop  }
0xb8: {  	[spmem:s1] =	stream.indirect.scatter.add.f32 [tilespmem:s10], [sflag:$0x2], $0x10, s23, s9, $0xb8;
	[tilespmem:$0xE880] =	vst v63  }
0xb9: {  	_ =	swait.ge [sflag:s8], $0x7000  }
0xba: {  	[sflag:s8] =	ssyncset.done $0x0  }
0xbb: {  	[sflag:s8] =	ssyncadd.s32 $0xFFFF9000  }
0xbc: {  	_ =	swait.ge [sflag:s5], $0x700  }
0xbd: {  	[sflag:s5] =	ssyncset.done $0x0  }
0xbe: {  	[sflag:s5] =	ssyncadd.s32 $0xFFFFF900  }
0xbf: {  	_ =	swait.ge [sflag:s5], $0x700  }
0xc0: {  	[sflag:s5] =	ssyncset.done $0x0  }
0xc1: {  	s0 =	rddreg [dreg:$0x9];
	[sflag:s5] =	ssyncadd.s32 $0xFFFFF900  }
0xc2: {  	[tilespmem:s6], [sflag:$0x1] =	stream.linear.gather [hbm4b:s0+s2], $0x7000, $0x38;
	[tilespmem:$0xE880] =	vst v63  }
0xc3: {  	_ = 	snop  }
0xc4: {  	[spmem:s1] =	stream.indirect.scatter.add.f32 [tilespmem:s11], [sflag:$0x2], $0x10, s20, s9, $0xb8;
	[tilespmem:$0xE880] =	vst v63  }
0xc5: {  	_ = 	snop  }
0xc6: {  	[spmem:s1] =	stream.indirect.scatter.add.f32 [tilespmem:s13], [sflag:$0x2], $0x10, s21, s9, $0xb8;
	[tilespmem:$0xE880] =	vst v63  }
0xc7: {  	_ =	swait.ge [sflag:s8], $0x7000  }
0xc8: {  	[sflag:s8] =	ssyncset.done $0x0  }
0xc9: {  	[sflag:s8] =	ssyncadd.s32 $0xFFFF9000  }
0xca: {  	_ =	swait.ge [sflag:s5], $0x700  }
0xcb: {  	[sflag:s5] =	ssyncset.done $0x0  }
0xcc: {  	[sflag:s5] =	ssyncadd.s32 $0xFFFFF900  }
0xcd: {  	_ =	swait.ge [sflag:s5], $0x700  }
0xce: {  	[sflag:s5] =	ssyncset.done $0x0  }
0xcf: {  	[sflag:s5] =	ssyncadd.s32 $0xFFFFF900  }
0xd0: {  	[tilespmem:s11], [sflag:$0x1] =	stream.linear.gather [hbm4b:s12+s2], $0x7000, $0x38;
	[tilespmem:$0xE880] =	vst v63  }
0xd1: {  	_ = 	snop  }
0xd2: {  	[spmem:s1] =	stream.indirect.scatter.add.f32 [tilespmem:s6], [sflag:$0x2], $0x10, s18, s9, $0xb8;
	[tilespmem:$0xE880] =	vst v63  }
0xd3: {  	_ = 	snop  }
0xd4: {  	[spmem:s1] =	stream.indirect.scatter.add.f32 [tilespmem:s10], [sflag:$0x2], $0x10, s19, s9, $0xb8;
	[tilespmem:$0xE880] =	vst v63  }
0xd5: {  	_ =	swait.ge [sflag:s8], $0x7000  }
0xd6: {  	[sflag:s8] =	ssyncset.done $0x0  }
0xd7: {  	[sflag:s8] =	ssyncadd.s32 $0xFFFF9000  }
0xd8: {  	_ =	swait.ge [sflag:s5], $0x700  }
0xd9: {  	[sflag:s5] =	ssyncset.done $0x0  }
0xda: {  	[sflag:s5] =	ssyncadd.s32 $0xFFFFF900  }
0xdb: {  	_ =	swait.ge [sflag:s5], $0x700  }
0xdc: {  	[sflag:s5] =	ssyncset.done $0x0  }
0xdd: {  	[sflag:s5] =	ssyncadd.s32 $0xFFFFF900  }
0xde: {  	[tilespmem:s6], [sflag:$0x1] =	stream.linear.gather [hbm4b:s7+s2], $0x7000, $0x38;
	[tilespmem:$0xE880] =	vst v63  }
0xdf: {  	s14 =	simm.s32 $0x500  }
0xe0: {  	[spmem:s1] =	stream.indirect.scatter.add.f32 [tilespmem:s11], [sflag:$0x2], $0x10, s14, s9, $0xb8;
	[tilespmem:$0xE880] =	vst v63  }
0xe1: {  	_ = 	snop  }
0xe2: {  	[spmem:s1] =	stream.indirect.scatter.add.f32 [tilespmem:s13], [sflag:$0x2], $0x10, s17, s9, $0xb8;
	[tilespmem:$0xE880] =	vst v63  }
0xe3: {  	_ =	swait.ge [sflag:s8], $0x7000  }
0xe4: {  	[sflag:s8] =	ssyncset.done $0x0  }
0xe5: {  	[sflag:s8] =	ssyncadd.s32 $0xFFFF9000  }
0xe6: {  	[spmem:s1] =	stream.indirect.scatter.add.f32 [tilespmem:s6], [sflag:$0x2], $0x10, s15, s9, $0xb8;
	[tilespmem:$0xE880] =	vst v63  }
0xe7: {  	_ = 	snop  }
0xe8: {  	[spmem:s1] =	stream.indirect.scatter.add.f32 [tilespmem:s10], [sflag:$0x2], $0x10, s16, s9, $0xb8;
	[tilespmem:$0xE880] =	vst v63  }
0xe9: {  	_ =	swait.ge [sflag:s5], $0x700  }
0xea: {  	[sflag:s5] =	ssyncset.done $0x0  }
0xeb: {  	[sflag:s5] =	ssyncadd.s32 $0xFFFFF900  }
0xec: {  	_ =	swait.ge [sflag:s5], $0x700  }
0xed: {  	[sflag:s5] =	ssyncset.done $0x0  }
0xee: {  	[sflag:s5] =	ssyncadd.s32 $0xFFFFF900  }
0xef: {  	_ =	swait.ge [sflag:s5], $0x700  }
0xf0: {  	[sflag:s5] =	ssyncset.done $0x0  }
0xf1: {  	[sflag:s5] =	ssyncadd.s32 $0xFFFFF900  }
0xf2: {  	s31 =	sadd.s32 $0xFFFFFFFF, s31;
	_ =	swait.ge [sflag:s5], $0x700  }
0xf3: {  	p2 =	sne.s32 s31, $0x0;
	[sflag:s5] =	ssyncset.done $0x0  }
.Ltmp2:
0xf4: {  	[sflag:s5] =	ssyncadd.s32 $0xFFFFF900;
	(pc) =	sbr.rel @p2 .LBB2_4-.Ltmp2, $4  }
0xf5: {  	[bflag:$0x0] =	sbarrier.arrive $0xFFFF  }
0xf6: {  	[hbm:s3], [sflag:s30] =	dma.local @!p0 [spmem:s4], $0x800  }
0xf7: {  	_ =	swait.ge @!p0 [sflag:s29], $0x800  }
0xf8: {  	s0 =	rddreg [dreg:$0x3];
	[sflag:s29] =	ssyncset.done @!p0 $0x0  }
0xf9: {  	s30 =	simm.s32 $0x500;
	s31 =	rddreg [dreg:$0x2]  }
.LBB2_6:
0xfa: {  	p1 =	por p0, !p1  }
0xfb: {  	s14 =	simm.s32 @!p0 $0x1C03;
	[sflag:s29] =	ssyncadd.s32 @!p1 $0xFFFFF800;
	s29 =	simm.s32 @!p0 $0x3  }
0xfc: {  	[spmem:s4], [sflag:s14] =	dma.local @!p0 [hbm:s0], $0x800  }
0xfd: {  	_ =	swait.ge @!p0 [sflag:s29], $0x800  }
0xfe: {  	[sflag:s29] =	ssyncset.done @!p0 $0x0  }
0xff: {  	s0 =	rddreg [dreg:$0x4];
	[sflag:s29] =	ssyncadd.s32 @!p0 $0xFFFFF800  }
0x100: {  	[tilespmem:s6], [sflag:$0x1] =	stream.linear.gather [hbm4b:s0+s2], $0x7000, $0x38;
	[tilespmem:$0xE880] =	vst v63  }
0x101: {  	s14 =	rddreg [dreg:$0x5]  }
0x102: {  	[tilespmem:s2], [sflag:$0x3] =	stream.linear.gather [hbm4b:s14+s2], $0x700, $0x38;
	[tilespmem:$0xE880] =	vst v63  }
0x103: {  	_ =	swait.ge [sflag:s28], $0x700  }
0x104: {  	[sflag:s28] =	ssyncset.done $0x0  }
0x105: {  	[sflag:s28] =	ssyncadd.s32 $0xFFFFF900  }
0x106: {  	[bflag:$0x0] =	sbarrier.arrive $0xFFFF  }
0x107: {  	_ =	swait.ge [sflag:s8], $0x7000  }
0x108: {  	[sflag:s8] =	ssyncset.done $0x0  }
0x109: {  	s28 =	rddreg [dreg:$0x6];
	[sflag:s8] =	ssyncadd.s32 $0xFFFF9000  }
0x10a: {  	[tilespmem:s11], [sflag:$0x1] =	stream.linear.gather [hbm4b:s28+s2], $0x7000, $0x38;
	[tilespmem:$0xE880] =	vst v63  }
0x10b: {  	_ = 	snop  }
0x10c: {  	[spmem:s1] =	stream.indirect.scatter.add.f32 [tilespmem:s6], [sflag:$0x2], $0x10, s2, s9, $0xb8;
	[tilespmem:$0xE880] =	vst v63  }
0x10d: {  	_ = 	snop  }
0x10e: {  	[spmem:s1] =	stream.indirect.scatter.add.f32 [tilespmem:s10], [sflag:$0x2], $0x10, s26, s9, $0xb8;
	[tilespmem:$0xE880] =	vst v63  }
0x10f: {  	_ =	swait.ge [sflag:s8], $0x7000  }
0x110: {  	[sflag:s8] =	ssyncset.done $0x0  }
0x111: {  	[sflag:s8] =	ssyncadd.s32 $0xFFFF9000  }
0x112: {  	_ =	swait.ge [sflag:s5], $0x700  }
0x113: {  	[sflag:s5] =	ssyncset.done $0x0  }
0x114: {  	[sflag:s5] =	ssyncadd.s32 $0xFFFFF900  }
0x115: {  	_ =	swait.ge [sflag:s5], $0x700  }
0x116: {  	[sflag:s5] =	ssyncset.done $0x0  }
0x117: {  	s14 =	rddreg [dreg:$0x7];
	[sflag:s5] =	ssyncadd.s32 $0xFFFFF900  }
0x118: {  	[tilespmem:s6], [sflag:$0x1] =	stream.linear.gather [hbm4b:s14+s2], $0x7000, $0x38;
	[tilespmem:$0xE880] =	vst v63  }
0x119: {  	_ = 	snop  }
0x11a: {  	[spmem:s1] =	stream.indirect.scatter.add.f32 [tilespmem:s11], [sflag:$0x2], $0x10, s24, s9, $0xb8;
	[tilespmem:$0xE880] =	vst v63  }
0x11b: {  	_ = 	snop  }
0x11c: {  	[spmem:s1] =	stream.indirect.scatter.add.f32 [tilespmem:s13], [sflag:$0x2], $0x10, s25, s9, $0xb8;
	[tilespmem:$0xE880] =	vst v63  }
0x11d: {  	_ =	swait.ge [sflag:s8], $0x7000  }
0x11e: {  	[sflag:s8] =	ssyncset.done $0x0  }
0x11f: {  	[sflag:s8] =	ssyncadd.s32 $0xFFFF9000  }
0x120: {  	_ =	swait.ge [sflag:s5], $0x700  }
0x121: {  	[sflag:s5] =	ssyncset.done $0x0  }
0x122: {  	[sflag:s5] =	ssyncadd.s32 $0xFFFFF900  }
0x123: {  	_ =	swait.ge [sflag:s5], $0x700  }
0x124: {  	[sflag:s5] =	ssyncset.done $0x0  }
0x125: {  	s26 =	rddreg [dreg:$0x8];
	[sflag:s5] =	ssyncadd.s32 $0xFFFFF900  }
0x126: {  	[tilespmem:s11], [sflag:$0x1] =	stream.linear.gather [hbm4b:s26+s2], $0x7000, $0x38;
	[tilespmem:$0xE880] =	vst v63  }
0x127: {  	_ = 	snop  }
0x128: {  	[spmem:s1] =	stream.indirect.scatter.add.f32 [tilespmem:s6], [sflag:$0x2], $0x10, s22, s9, $0xb8;
	[tilespmem:$0xE880] =	vst v63  }
0x129: {  	_ = 	snop  }
0x12a: {  	[spmem:s1] =	stream.indirect.scatter.add.f32 [tilespmem:s10], [sflag:$0x2], $0x10, s23, s9, $0xb8;
	[tilespmem:$0xE880] =	vst v63  }
0x12b: {  	_ =	swait.ge [sflag:s8], $0x7000  }
0x12c: {  	[sflag:s8] =	ssyncset.done $0x0  }
0x12d: {  	[sflag:s8] =	ssyncadd.s32 $0xFFFF9000  }
0x12e: {  	_ =	swait.ge [sflag:s5], $0x700  }
0x12f: {  	[sflag:s5] =	ssyncset.done $0x0  }
0x130: {  	[sflag:s5] =	ssyncadd.s32 $0xFFFFF900  }
0x131: {  	_ =	swait.ge [sflag:s5], $0x700  }
0x132: {  	[sflag:s5] =	ssyncset.done $0x0  }
0x133: {  	s28 =	rddreg [dreg:$0x9];
	[sflag:s5] =	ssyncadd.s32 $0xFFFFF900  }
0x134: {  	[tilespmem:s6], [sflag:$0x1] =	stream.linear.gather [hbm4b:s28+s2], $0x7000, $0x38;
	[tilespmem:$0xE880] =	vst v63  }
0x135: {  	_ = 	snop  }
0x136: {  	[spmem:s1] =	stream.indirect.scatter.add.f32 [tilespmem:s11], [sflag:$0x2], $0x10, s20, s9, $0xb8;
	[tilespmem:$0xE880] =	vst v63  }
0x137: {  	_ = 	snop  }
0x138: {  	[spmem:s1] =	stream.indirect.scatter.add.f32 [tilespmem:s13], [sflag:$0x2], $0x10, s21, s9, $0xb8;
	[tilespmem:$0xE880] =	vst v63  }
0x139: {  	_ =	swait.ge [sflag:s8], $0x7000  }
0x13a: {  	[sflag:s8] =	ssyncset.done $0x0  }
0x13b: {  	[sflag:s8] =	ssyncadd.s32 $0xFFFF9000  }
0x13c: {  	_ =	swait.ge [sflag:s5], $0x700  }
0x13d: {  	[sflag:s5] =	ssyncset.done $0x0  }
0x13e: {  	[sflag:s5] =	ssyncadd.s32 $0xFFFFF900  }
0x13f: {  	_ =	swait.ge [sflag:s5], $0x700  }
0x140: {  	[sflag:s5] =	ssyncset.done $0x0  }
0x141: {  	[sflag:s5] =	ssyncadd.s32 $0xFFFFF900  }
0x142: {  	[tilespmem:s11], [sflag:$0x1] =	stream.linear.gather [hbm4b:s12+s2], $0x7000, $0x38;
	[tilespmem:$0xE880] =	vst v63  }
0x143: {  	_ = 	snop  }
0x144: {  	[spmem:s1] =	stream.indirect.scatter.add.f32 [tilespmem:s6], [sflag:$0x2], $0x10, s18, s9, $0xb8;
	[tilespmem:$0xE880] =	vst v63  }
0x145: {  	_ = 	snop  }
0x146: {  	[spmem:s1] =	stream.indirect.scatter.add.f32 [tilespmem:s10], [sflag:$0x2], $0x10, s19, s9, $0xb8;
	[tilespmem:$0xE880] =	vst v63  }
0x147: {  	_ =	swait.ge [sflag:s8], $0x7000  }
0x148: {  	[sflag:s8] =	ssyncset.done $0x0  }
0x149: {  	[sflag:s8] =	ssyncadd.s32 $0xFFFF9000  }
0x14a: {  	_ =	swait.ge [sflag:s5], $0x700  }
0x14b: {  	[sflag:s5] =	ssyncset.done $0x0  }
0x14c: {  	[sflag:s5] =	ssyncadd.s32 $0xFFFFF900  }
0x14d: {  	_ =	swait.ge [sflag:s5], $0x700  }
0x14e: {  	[sflag:s5] =	ssyncset.done $0x0  }
0x14f: {  	[sflag:s5] =	ssyncadd.s32 $0xFFFFF900  }
0x150: {  	[tilespmem:s6], [sflag:$0x1] =	stream.linear.gather [hbm4b:s7+s2], $0x7000, $0x38;
	[tilespmem:$0xE880] =	vst v63  }
0x151: {  	_ = 	snop  }
0x152: {  	[spmem:s1] =	stream.indirect.scatter.add.f32 [tilespmem:s11], [sflag:$0x2], $0x10, s30, s9, $0xb8;
	[tilespmem:$0xE880] =	vst v63  }
0x153: {  	_ = 	snop  }
0x154: {  	[spmem:s1] =	stream.indirect.scatter.add.f32 [tilespmem:s13], [sflag:$0x2], $0x10, s17, s9, $0xb8;
	[tilespmem:$0xE880] =	vst v63  }
0x155: {  	_ =	swait.ge [sflag:s8], $0x7000  }
0x156: {  	[sflag:s8] =	ssyncset.done $0x0  }
0x157: {  	[sflag:s8] =	ssyncadd.s32 $0xFFFF9000  }
0x158: {  	[spmem:s1] =	stream.indirect.scatter.add.f32 [tilespmem:s6], [sflag:$0x2], $0x10, s15, s9, $0xb8;
	[tilespmem:$0xE880] =	vst v63  }
0x159: {  	_ = 	snop  }
0x15a: {  	[spmem:s1] =	stream.indirect.scatter.add.f32 [tilespmem:s10], [sflag:$0x2], $0x10, s16, s9, $0xb8;
	[tilespmem:$0xE880] =	vst v63  }
0x15b: {  	_ =	swait.ge [sflag:s5], $0x700  }
0x15c: {  	[sflag:s5] =	ssyncset.done $0x0  }
0x15d: {  	[sflag:s5] =	ssyncadd.s32 $0xFFFFF900  }
0x15e: {  	_ =	swait.ge [sflag:s5], $0x700  }
0x15f: {  	[sflag:s5] =	ssyncset.done $0x0  }
0x160: {  	[sflag:s5] =	ssyncadd.s32 $0xFFFFF900  }
0x161: {  	_ =	swait.ge [sflag:s5], $0x700  }
0x162: {  	[sflag:s5] =	ssyncset.done $0x0  }
0x163: {  	[sflag:s5] =	ssyncadd.s32 $0xFFFFF900  }
0x164: {  	_ =	swait.ge [sflag:s5], $0x700  }
0x165: {  	[sflag:s5] =	ssyncset.done $0x0  }
0x166: {  	[sflag:s5] =	ssyncadd.s32 $0xFFFFF900  }
0x167: {  	s0 =	simm.s32 @!p0 $0x1C03;
	[bflag:$0x0] =	sbarrier.arrive $0xFFFF  }
0x168: {  	[hbm:s3], [sflag:s0] =	dma.local @!p0 [spmem:s4], $0x800  }
0x169: {  	_ =	swait.ge @!p0 [sflag:s29], $0x800  }
0x16a: {  	[sflag:s29] =	ssyncset.done @!p0 $0x0  }
0x16b: {  	[sflag:s29] =	ssyncadd.s32 @!p0 $0xFFFFF800  }
0x16c: {  	_ =	sfence.sel $0x180000  }
0x16d: {  	[bflag:$0x0] =	sbarrier.arrive $0xFFFF  }
0x16e: {  	_ =	strace $0x9000004A  }
0x16f: {  	s0 =	sadd.s32 @!p0 $0x100000, s31;
	[bflag:$0x2] =	sbarrier.arrive $0xFFFF  }
0x170: {  	[sflag:s0] =	ssyncadd.tile.s32 @!p0 $0x1;
	_ =	shalt  }
.LBB2_1:
.Ltmp3:
0x171: {  	(pc) =	sbr.rel .LBB2_6-.Ltmp3, $2  }
0x172: {  	_ =	sdelay $0x2  }
0x173: {  	s30 =	simm.s32 $0x500  }
.LBB2_3:
.Ltmp4:
0x174: {  	(pc) =	sbr.rel .LBB2_6-.Ltmp4, $2  }
0x175: {  	_ =	sdelay $0x2  }
0x176: {  	s30 =	simm.s32 $0x500;
	s31 =	rddreg [dreg:$0x2]  }
.Lfunc_end2:
_tile_overlayer_lowered:
.L_overlay_start_2:
0x177: {  	(tag) =	ssettag $0x2  }
0x178: {  	s0 =	rddreg [dreg:$0x0];
	s2 =	stileid.u32  }
0x179: {  	s1 =	rddreg [dreg:$0x1];
	p0 =	sne.s32 s2, $0x0  }
0x17a: {  	s3 =	rddreg [dreg:$0x2];
	[bflag:$0x3] =	sbarrier.arrive $0xFFFF;
	s2 =	simm.s32 @!p0 $0x1C03  }
0x17b: {  	[timem:s3], [sflag:s2] =	dma.local @!p0 [hbm:s0], s1  }
0x17c: {  	s0 =	simm.s32 @!p0 $0x3  }
0x17d: {  	_ =	swait.ge @!p0 [sflag:s0], s1  }
0x17e: {  	s1 =	ssub.s32 @!p0 $0x0, s1;
	[sflag:s0] =	ssyncset.done @!p0 $0x0  }
0x17f: {  	[sflag:s0] =	ssyncadd.s32 @!p0 s1  }
0x180: {  	[bflag:$0x3] =	sbarrier.arrive $0xFFFF  }
0x181: {  	_ =	shalt  }

</sc_bundles>
